<compile_context>
chip_gen: v7x
topology: tpu7x:2x2x1
jax: 0.10.2.dev20260603
libtpu: 0.0.44.dev20260713+nightly
codegen_flags: <defaults>
</compile_context>

<pallas_src>
import functools
import math

import jax
import jax.numpy as jnp
import numpy as np
from jax.experimental import pallas as pl

_BLK = 512
_NEG = -1e9


def _rsum(x, onesb):
    return jax.lax.dot_general(x, onesb, (((1,), (0,)), ((), ())),
                               preferred_element_type=jnp.float32)


def _spread(w, spr):
    return jax.lax.dot_general(w, spr, (((1,), (0,)), ((), ())),
                               preferred_element_type=jnp.float32)


def _pair_halves(x):
    n, d = x.shape
    y = x.reshape(n // 2, 2, d)
    return y[:, 0, :], y[:, 1, :]


def _pairswap(x):
    n, d = x.shape
    y = x.reshape(n // 2, 2, d)
    return jnp.concatenate([y[:, 1:2], y[:, 0:1]], axis=1).reshape(n, d)


def _pstep(c0Q, c1Q, c0K, c1K, c0V, c1V, onesb, spr, scale):
    pQ = 0.5 * (c0Q + c1Q)
    pK = 0.5 * (c0K + c1K)
    pV = 0.5 * (c0V + c1V)
    ss = _rsum(pQ * pK, onesb) * scale
    s0 = _rsum(pQ * c0K, onesb) * scale
    s1 = _rsum(pQ * c1K, onesb) * scale
    m = jnp.maximum(ss, jnp.maximum(s0, s1))
    es = jnp.exp(ss - m)
    e0 = jnp.exp(s0 - m)
    e1 = jnp.exp(s1 - m)
    den = es + e0 + e1 + 1e-9
    ws = _spread(es / den, spr)
    w0 = _spread(e0 / den, spr)
    w1 = _spread(e1 / den, spr)
    newK = ws * pK + w0 * c0K + w1 * c1K
    newV = ws * pV + w0 * c0V + w1 * c1V
    return pQ, newK, newV


def _pstep_packed(Q, K, V, onesb, spr, scale):
    (c0Q, c1Q) = _pair_halves(Q)
    (c0K, c1K) = _pair_halves(K)
    (c0V, c1V) = _pair_halves(V)
    return _pstep(c0Q, c1Q, c0K, c1K, c0V, c1V, onesb, spr, scale)


def _build_top_kernel(qe_ref, ke_ref, ve_ref, qo_ref, ko_ref, vo_ref,
                      onesb_ref, spr_ref, tq_ref, tk_ref, tv_ref, *,
                      levels, scale):
    n = pl.program_id(2)
    onesb = onesb_ref[...]
    spr = spr_ref[...]
    Q, K, V = _pstep(qe_ref[0], qo_ref[0], ke_ref[0], ko_ref[0],
                     ve_ref[0], vo_ref[0], onesb, spr, scale)
    for _ in range(2, levels + 1):
        Q, K, V = _pstep_packed(Q, K, V, onesb, spr, scale)
    tq_ref[0, 0, pl.ds(n, 1)] = Q
    tk_ref[0, 0, pl.ds(n, 1)] = K
    tv_ref[0, 0, pl.ds(n, 1)] = V


def _attn_kernel(qe_ref, ke_ref, ve_ref, qo_ref, ko_ref, vo_ref,
                 tq_ref, tk_ref, tv_ref, onesb_ref, spr_ref,
                 oe_ref, oo_ref, *, lb, L, nblk, scale):
    n = pl.program_id(2)
    onesb = onesb_ref[...]
    spr = spr_ref[...]

    Ks, Vs = [], []
    Q, K, V = _pstep(qe_ref[0], qo_ref[0], ke_ref[0], ko_ref[0],
                     ve_ref[0], vo_ref[0], onesb, spr, scale)
    Ks.append(K)
    Vs.append(V)
    for _ in range(2, lb):
        Q, K, V = _pstep_packed(Q, K, V, onesb, spr, scale)
        Ks.append(K)
        Vs.append(V)

    TQ = tq_ref[0, 0]
    TK = tk_ref[0, 0]
    TV = tv_ref[0, 0]
    UK, UV = [TK], [TV]
    for _ in range(1, L - lb):
        TQ, TK, TV = _pstep_packed(TQ, TK, TV, onesb, spr, scale)
        UK.append(TK)
        UV.append(TV)

    half = qe_ref[0].shape[0]
    row_id = jax.lax.broadcasted_iota(jnp.int32, (half, 1), 0)

    xk_list, xv_list, mask_list = [], [], []
    for lvl in range(1, lb):
        y_k = _pairswap(Ks[lvl - 1])
        y_v = _pairswap(Vs[lvl - 1])
        reps = half // y_k.shape[0]
        if reps > 1:
            y_k = jnp.repeat(y_k, reps, axis=0)
            y_v = jnp.repeat(y_v, reps, axis=0)
        xk_list.append(y_k)
        xv_list.append(y_v)
        mask_list.append(((row_id >> (lvl - 1)) & 1) == 0)
    up_k, up_v, up_blocked = [], [], []
    for u in range(L - lb):
        m_rows = nblk >> u
        sel = ((n >> u) ^ 1).astype(jnp.int32)
        rid = jax.lax.broadcasted_iota(jnp.int32, (m_rows, 1), 0)
        pick = (rid == sel).astype(jnp.float32)
        up_k.append(jnp.sum(UK[u] * pick, axis=0, keepdims=True))
        up_v.append(jnp.sum(UV[u] * pick, axis=0, keepdims=True))
        up_blocked.append(((n >> u) & 1) == 0)

    def stream(q, k_self, v_self, k_sib0, v_sib0):
        scores = [_rsum(q * k_self, onesb) * scale]
        vens = [v_self]
        if k_sib0 is not None:
            scores.append(_rsum(q * k_sib0, onesb) * scale)
            vens.append(v_sib0)
        for lvl in range(1, lb):
            s = _rsum(q * xk_list[lvl - 1], onesb) * scale
            scores.append(jnp.where(mask_list[lvl - 1], _NEG, s))
            vens.append(xv_list[lvl - 1])
        for u in range(L - lb):
            s = _rsum(q * up_k[u], onesb) * scale
            s = jnp.where(up_blocked[u], jnp.full_like(s, _NEG), s)
            scores.append(s)
            vens.append(up_v[u])
        m = scores[0]
        for s in scores[1:]:
            m = jnp.maximum(m, s)
        es = [jnp.exp(s - m) for s in scores]
        den = es[0]
        for e in es[1:]:
            den = den + e
        den = den + 1e-9
        acc = _spread(es[0] / den, spr) * vens[0]
        for e, xv in zip(es[1:], vens[1:]):
            acc = acc + _spread(e / den, spr) * xv
        return acc

    oe_ref[0] = stream(qe_ref[0], ke_ref[0], ve_ref[0], None, None)
    oo_ref[0] = stream(qo_ref[0], ko_ref[0], vo_ref[0], ke_ref[0], ve_ref[0])


def kernel(q, k, v):
    B, S, H, D = q.shape
    L = int(math.log2(S))
    blk = min(_BLK, S)
    nblk = S // blk
    lb = int(math.log2(blk))
    scale = 1.0 / math.sqrt(D)
    H2 = H // 2
    F = H * D
    S2 = S // 2
    half = blk // 2

    qf = q.reshape(B, S2, 2 * F)
    kf = k.reshape(B, S2, 2 * F)
    vf = v.reshape(B, S2, 2 * F)

    nb_f = F // 128
    espec = pl.BlockSpec((1, half, 128), lambda b, h, n: (b, n, h))
    ospec = pl.BlockSpec((1, half, 128),
                         lambda b, h, n, _o=nb_f: (b, n, _o + h))
    top_spec = pl.BlockSpec((1, 1, nblk, 128), lambda b, h, n: (b, h, 0, 0))
    top_shape = jax.ShapeDtypeStruct((B, H2, nblk, 128), jnp.float32)
    onesb = jnp.asarray(np.kron(np.eye(2), np.ones((64, 1))),
                        dtype=jnp.float32)
    spr = jnp.asarray(np.kron(np.eye(2), np.ones((1, 64))),
                      dtype=jnp.float32)
    onesb_spec = pl.BlockSpec((128, 2), lambda b, h, n: (0, 0))
    spr_spec = pl.BlockSpec((2, 128), lambda b, h, n: (0, 0))

    tq, tk, tv = pl.pallas_call(
        functools.partial(_build_top_kernel, levels=lb, scale=scale),
        grid=(B, H2, nblk),
        in_specs=[espec, espec, espec, ospec, ospec, ospec,
                  onesb_spec, spr_spec],
        out_specs=[top_spec] * 3,
        out_shape=[top_shape] * 3,
    )(qf, kf, vf, qf, kf, vf, onesb, spr)

    oe, oo = pl.pallas_call(
        functools.partial(_attn_kernel, lb=lb, L=L, nblk=nblk, scale=scale),
        grid=(B, H2, nblk),
        in_specs=[espec, espec, espec, ospec, ospec, ospec,
                  top_spec, top_spec, top_spec, onesb_spec, spr_spec],
        out_specs=[espec, espec],
        out_shape=[jax.ShapeDtypeStruct((B, S2, F), jnp.float32)] * 2,
    )(qf, kf, vf, qf, kf, vf, tq, tk, tv, onesb, spr)

    out = jnp.stack([oe, oo], axis=2).reshape(B, S, H, D)
    return out

# --- scband reference (transcript-rebuilt; emitter-appended) ---
"""Pipeline reference for scband-hierarchical-sparse-attention-triton-17549236371568 (READ-ONLY COPY).

The authoritative reference and input builder live on the scoring server;
editing this copy changes nothing except your own understanding.
"""

import jax, jax.numpy as jnp
import numpy as np
import math


def _build_lookup(S):
    total = 2 * S - 1
    max_valid = total - 2
    L = int(math.log2(S))
    idx = np.full((S, L), -1, dtype=np.int32)
    cmask = np.zeros((S, L), dtype=bool)
    n_cur = np.arange(S, dtype=np.int64)
    for lvl in range(L):
        if lvl == 0:
            n_next = n_cur ^ 1
            pair = n_cur
        else:
            n_next = (n_cur // 2 + S) ^ 1
            pair = n_cur // 2 + S
        valid = n_next <= max_valid
        step = (pair < n_next) & valid
        idx[:, lvl] = np.where(valid, n_next.astype(np.int32), idx[:, lvl])
        cmask[:, lvl] = np.where(valid, step, cmask[:, lvl])
        n_cur = n_next
    return idx, cmask


def _parent_level(Qc, Kc, Vc, scale):
    # Build parent nodes via parent-self attention over (pooled parent, child0, child1),
    # mirroring build_parent_self_attention_kernel (softmax with +1e-9 denom).
    c0Q, c1Q = Qc[:, 0::2], Qc[:, 1::2]
    c0K, c1K = Kc[:, 0::2], Kc[:, 1::2]
    c0V, c1V = Vc[:, 0::2], Vc[:, 1::2]
    pQ = 0.5 * (c0Q + c1Q)
    pK = 0.5 * (c0K + c1K)
    pV = 0.5 * (c0V + c1V)
    s_self = jnp.einsum('bphd,bphd->bph', pQ, pK) * scale
    s0 = jnp.einsum('bphd,bphd->bph', pQ, c0K) * scale
    s1 = jnp.einsum('bphd,bphd->bph', pQ, c1K) * scale
    m = jnp.maximum(s_self, jnp.maximum(s0, s1))
    e_self = jnp.exp(s_self - m)
    e0 = jnp.exp(s0 - m)
    e1 = jnp.exp(s1 - m)
    denom = e_self + e0 + e1 + 1e-9
    w_self = (e_self / denom)[..., None]
    w0 = (e0 / denom)[..., None]
    w1 = (e1 / denom)[..., None]
    newK = w_self * pK + w0 * c0K + w1 * c1K
    newV = w_self * pV + w0 * c0V + w1 * c1V
    return pQ, newK, newV


def _forward(q, k, v):
    B, S, H, D = q.shape
    scale = 1.0 / math.sqrt(D)
    L = int(math.log2(S))
    nodes_K = [k]
    nodes_V = [v]
    curQ, curK, curV = q, k, v
    for _ in range(L):
        curQ, curK, curV = _parent_level(curQ, curK, curV, scale)
        nodes_K.append(curK)
        nodes_V.append(curV)
    allK = jnp.concatenate(nodes_K, axis=1)  # [B, 2S-1, H, D]
    allV = jnp.concatenate(nodes_V, axis=1)
    idx, cmask = _build_lookup(S)
    valid = idx >= 0
    safe_idx = np.where(valid, idx, 0)
    # Fused leaf attention: each leaf attends to itself + one ancestor-sibling per level.
    s_self = jnp.einsum('bshd,bshd->bsh', q, k) * scale
    scores = [s_self]
    for l in range(L):
        kn = jnp.take(allK, jnp.asarray(safe_idx[:, l]), axis=1)  # [B,S,H,D] gather
        s = jnp.einsum('bshd,bshd->bsh', q, kn) * scale
        bad = jnp.asarray((~valid[:, l]) | cmask[:, l])
        s = jnp.where(bad[None, :, None], -1e9, s)
        scores.append(s)
    sc = jnp.stack(scores, axis=-1)  # [B,S,H,L+1]
    m = jnp.max(sc, axis=-1, keepdims=True)
    e = jnp.exp(sc - m)
    w = e / (jnp.sum(e, axis=-1, keepdims=True) + 1e-9)
    out = w[..., 0:1] * v
    for l in range(L):
        vn = jnp.take(allV, jnp.asarray(safe_idx[:, l]), axis=1)
        out = out + w[..., l + 1:l + 2] * vn
    return out


def setup_inputs(seed: int = 0) -> dict:
    key = jax.random.key(seed)
    k1, k2, k3 = jax.random.split(key, 3)
    B, S, H, D = 2, 4096, 16, 64
    q = jax.random.normal(k1, (B, S, H, D), dtype=jnp.float32)
    k = jax.random.normal(k2, (B, S, H, D), dtype=jnp.float32)
    v = jax.random.normal(k3, (B, S, H, D), dtype=jnp.float32)
    return {"q": q, "k": k, "v": v}


def reference(q, k, v):
    return _forward(q, k, v)

if __name__ == "__main__":
    import jax
    _d = setup_inputs()
    print(jax.jit(kernel)(*tuple(_d.values())))

</pallas_src>

<mosaic_0001>
module attributes {stable_mosaic.version = 14 : i64} {
  func.func @_attn_kernel(%arg0: i32, %arg1: i32, %arg2: i32, %arg3: memref<1x256x128xf32, #tpu.memory_space<vmem>>, %arg4: memref<1x256x128xf32, #tpu.memory_space<vmem>>, %arg5: memref<1x256x128xf32, #tpu.memory_space<vmem>>, %arg6: memref<1x256x128xf32, #tpu.memory_space<vmem>>, %arg7: memref<1x256x128xf32, #tpu.memory_space<vmem>>, %arg8: memref<1x256x128xf32, #tpu.memory_space<vmem>>, %arg9: memref<1x1x8x128xf32, #tpu.memory_space<vmem>>, %arg10: memref<1x1x8x128xf32, #tpu.memory_space<vmem>>, %arg11: memref<1x1x8x128xf32, #tpu.memory_space<vmem>>, %arg12: memref<128x2xf32, #tpu.memory_space<vmem>>, %arg13: memref<2x128xf32, #tpu.memory_space<vmem>>, %arg14: memref<1x256x128xf32, #tpu.memory_space<vmem>>, %arg15: memref<1x256x128xf32, #tpu.memory_space<vmem>>) attributes {dimension_semantics = [#tpu.dimension_semantics<arbitrary>, #tpu.dimension_semantics<arbitrary>, #tpu.dimension_semantics<arbitrary>], iteration_bounds = array<i64: 2, 8, 8>, scalar_prefetch = 0 : i64, scratch_operands = 0 : i64, tpu.core_type = #tpu.core_type<tc>, window_params = [{transform_indices = @transform_0, window_bounds = array<i64: 1, 256, 128>}, {transform_indices = @transform_1, window_bounds = array<i64: 1, 256, 128>}, {transform_indices = @transform_2, window_bounds = array<i64: 1, 256, 128>}, {transform_indices = @transform_3, window_bounds = array<i64: 1, 256, 128>}, {transform_indices = @transform_4, window_bounds = array<i64: 1, 256, 128>}, {transform_indices = @transform_5, window_bounds = array<i64: 1, 256, 128>}, {transform_indices = @transform_6, window_bounds = array<i64: 1, 1, 8, 128>}, {transform_indices = @transform_7, window_bounds = array<i64: 1, 1, 8, 128>}, {transform_indices = @transform_8, window_bounds = array<i64: 1, 1, 8, 128>}, {pipeline_mode = #tpu.pipeline_mode<synchronous>, transform_indices = @transform_9, window_bounds = array<i64: 128, 2>}, {pipeline_mode = #tpu.pipeline_mode<synchronous>, transform_indices = @transform_10, window_bounds = array<i64: 2, 128>}, {transform_indices = @transform_11, window_bounds = array<i64: 1, 256, 128>}, {transform_indices = @transform_12, window_bounds = array<i64: 1, 256, 128>}]} {
    %get3A = arith.constant 0 : index
    %get3A_0 = arith.constant 0 : index
    %get3A_1 = vector.load %arg12[%get3A, %get3A_0] : memref<128x2xf32, #tpu.memory_space<vmem>>, vector<128x2xf32>
    %get3A_2 = arith.constant 0 : index
    %get3A_3 = arith.constant 0 : index
    %get3A_4 = vector.load %arg13[%get3A_2, %get3A_3] : memref<2x128xf32, #tpu.memory_space<vmem>>, vector<2x128xf32>
    %get3A_5 = arith.constant 0 : index
    %get3A_6 = arith.constant 0 : index
    %get3A_7 = arith.constant 0 : index
    %get3A_8 = vector.load %arg3[%get3A_5, %get3A_6, %get3A_7] : memref<1x256x128xf32, #tpu.memory_space<vmem>>, vector<1x256x128xf32>
    %get3A_9 = vector.shape_cast %get3A_8 : vector<1x256x128xf32> to vector<256x128xf32>
    %get3A_10 = arith.constant 0 : index
    %get3A_11 = arith.constant 0 : index
    %get3A_12 = arith.constant 0 : index
    %get3A_13 = vector.load %arg6[%get3A_10, %get3A_11, %get3A_12] : memref<1x256x128xf32, #tpu.memory_space<vmem>>, vector<1x256x128xf32>
    %get3A_14 = vector.shape_cast %get3A_13 : vector<1x256x128xf32> to vector<256x128xf32>
    %get3A_15 = arith.constant 0 : index
    %get3A_16 = arith.constant 0 : index
    %get3A_17 = arith.constant 0 : index
    %get3A_18 = vector.load %arg4[%get3A_15, %get3A_16, %get3A_17] : memref<1x256x128xf32, #tpu.memory_space<vmem>>, vector<1x256x128xf32>
    %get3A_19 = vector.shape_cast %get3A_18 : vector<1x256x128xf32> to vector<256x128xf32>
    %get3A_20 = arith.constant 0 : index
    %get3A_21 = arith.constant 0 : index
    %get3A_22 = arith.constant 0 : index
    %get3A_23 = vector.load %arg7[%get3A_20, %get3A_21, %get3A_22] : memref<1x256x128xf32, #tpu.memory_space<vmem>>, vector<1x256x128xf32>
    %get3A_24 = vector.shape_cast %get3A_23 : vector<1x256x128xf32> to vector<256x128xf32>
    %get3A_25 = arith.constant 0 : index
    %get3A_26 = arith.constant 0 : index
    %get3A_27 = arith.constant 0 : index
    %get3A_28 = vector.load %arg5[%get3A_25, %get3A_26, %get3A_27] : memref<1x256x128xf32, #tpu.memory_space<vmem>>, vector<1x256x128xf32>
    %get3A_29 = vector.shape_cast %get3A_28 : vector<1x256x128xf32> to vector<256x128xf32>
    %get3A_30 = arith.constant 0 : index
    %get3A_31 = arith.constant 0 : index
    %get3A_32 = arith.constant 0 : index
    %get3A_33 = vector.load %arg8[%get3A_30, %get3A_31, %get3A_32] : memref<1x256x128xf32, #tpu.memory_space<vmem>>, vector<1x256x128xf32>
    %get3A_34 = vector.shape_cast %get3A_33 : vector<1x256x128xf32> to vector<256x128xf32>
    %add3A = arith.addf %get3A_9, %get3A_14 : vector<256x128xf32>
    %mul3A = arith.constant 5.000000e-01 : f32
    %mul3A_35 = vector.broadcast %mul3A : f32 to vector<256x128xf32>
    %mul3A_36 = arith.mulf %mul3A_35, %add3A : vector<256x128xf32>
    %add3A_37 = arith.addf %get3A_19, %get3A_24 : vector<256x128xf32>
    %mul3A_38 = arith.constant 5.000000e-01 : f32
    %mul3A_39 = vector.broadcast %mul3A_38 : f32 to vector<256x128xf32>
    %mul3A_40 = arith.mulf %mul3A_39, %add3A_37 : vector<256x128xf32>
    %add3A_41 = arith.addf %get3A_29, %get3A_34 : vector<256x128xf32>
    %mul3A_42 = arith.constant 5.000000e-01 : f32
    %mul3A_43 = vector.broadcast %mul3A_42 : f32 to vector<256x128xf32>
    %mul3A_44 = arith.mulf %mul3A_43, %add3A_41 : vector<256x128xf32>
    %mul3A_45 = arith.mulf %mul3A_36, %mul3A_40 : vector<256x128xf32>
    %dot_general3A = arith.constant dense<0.000000e+00> : vector<256x2xf32>
    %dot_general3A_46 = tpu.matmul %mul3A_45, %get3A_1, %dot_general3A {dimension_numbers = #tpu.dot_dimension_numbers<[1], [0], [0], [1], [0, 0, 1, 1], [], []>, transpose_lhs_hint = false} : vector<256x128xf32>, vector<128x2xf32>, vector<256x2xf32> -> vector<256x2xf32>
    %mul3A_47 = arith.constant 1.250000e-01 : f32
    %mul3A_48 = vector.broadcast %mul3A_47 : f32 to vector<256x2xf32>
    %mul3A_49 = arith.mulf %dot_general3A_46, %mul3A_48 : vector<256x2xf32>
    %mul3A_50 = arith.mulf %mul3A_36, %get3A_19 : vector<256x128xf32>
    %dot_general3A_51 = arith.constant dense<0.000000e+00> : vector<256x2xf32>
    %dot_general3A_52 = tpu.matmul %mul3A_50, %get3A_1, %dot_general3A_51 {dimension_numbers = #tpu.dot_dimension_numbers<[1], [0], [0], [1], [0, 0, 1, 1], [], []>, transpose_lhs_hint = false} : vector<256x128xf32>, vector<128x2xf32>, vector<256x2xf32> -> vector<256x2xf32>
    %mul3A_53 = arith.constant 1.250000e-01 : f32
    %mul3A_54 = vector.broadcast %mul3A_53 : f32 to vector<256x2xf32>
    %mul3A_55 = arith.mulf %dot_general3A_52, %mul3A_54 : vector<256x2xf32>
    %mul3A_56 = arith.mulf %mul3A_36, %get3A_24 : vector<256x128xf32>
    %dot_general3A_57 = arith.constant dense<0.000000e+00> : vector<256x2xf32>
    %dot_general3A_58 = tpu.matmul %mul3A_56, %get3A_1, %dot_general3A_57 {dimension_numbers = #tpu.dot_dimension_numbers<[1], [0], [0], [1], [0, 0, 1, 1], [], []>, transpose_lhs_hint = false} : vector<256x128xf32>, vector<128x2xf32>, vector<256x2xf32> -> vector<256x2xf32>
    %mul3A_59 = arith.constant 1.250000e-01 : f32
    %mul3A_60 = vector.broadcast %mul3A_59 : f32 to vector<256x2xf32>
    %mul3A_61 = arith.mulf %dot_general3A_58, %mul3A_60 : vector<256x2xf32>
    %max3A = arith.maximumf %mul3A_55, %mul3A_61 : vector<256x2xf32>
    %max3A_62 = arith.maximumf %mul3A_49, %max3A : vector<256x2xf32>
    %sub3A = arith.subf %mul3A_49, %max3A_62 : vector<256x2xf32>
    %exp3A = math.exp %sub3A : vector<256x2xf32>
    %sub3A_63 = arith.subf %mul3A_55, %max3A_62 : vector<256x2xf32>
    %exp3A_64 = math.exp %sub3A_63 : vector<256x2xf32>
    %sub3A_65 = arith.subf %mul3A_61, %max3A_62 : vector<256x2xf32>
    %exp3A_66 = math.exp %sub3A_65 : vector<256x2xf32>
    %add3A_67 = arith.addf %exp3A, %exp3A_64 : vector<256x2xf32>
    %add3A_68 = arith.addf %add3A_67, %exp3A_66 : vector<256x2xf32>
    %add3A_69 = arith.constant 9.99999971E-10 : f32
    %add3A_70 = vector.broadcast %add3A_69 : f32 to vector<256x2xf32>
    %add3A_71 = arith.addf %add3A_68, %add3A_70 : vector<256x2xf32>
    %div3A = arith.divf %exp3A, %add3A_71 : vector<256x2xf32>
    %dot_general3A_72 = arith.constant dense<0.000000e+00> : vector<256x128xf32>
    %dot_general3A_73 = tpu.matmul %div3A, %get3A_4, %dot_general3A_72 {dimension_numbers = #tpu.dot_dimension_numbers<[1], [0], [0], [1], [0, 0, 1, 1], [], []>, transpose_lhs_hint = false} : vector<256x2xf32>, vector<2x128xf32>, vector<256x128xf32> -> vector<256x128xf32>
    %div3A_74 = arith.divf %exp3A_64, %add3A_71 : vector<256x2xf32>
    %dot_general3A_75 = arith.constant dense<0.000000e+00> : vector<256x128xf32>
    %dot_general3A_76 = tpu.matmul %div3A_74, %get3A_4, %dot_general3A_75 {dimension_numbers = #tpu.dot_dimension_numbers<[1], [0], [0], [1], [0, 0, 1, 1], [], []>, transpose_lhs_hint = false} : vector<256x2xf32>, vector<2x128xf32>, vector<256x128xf32> -> vector<256x128xf32>
    %div3A_77 = arith.divf %exp3A_66, %add3A_71 : vector<256x2xf32>
    %dot_general3A_78 = arith.constant dense<0.000000e+00> : vector<256x128xf32>
    %dot_general3A_79 = tpu.matmul %div3A_77, %get3A_4, %dot_general3A_78 {dimension_numbers = #tpu.dot_dimension_numbers<[1], [0], [0], [1], [0, 0, 1, 1], [], []>, transpose_lhs_hint = false} : vector<256x2xf32>, vector<2x128xf32>, vector<256x128xf32> -> vector<256x128xf32>
    %mul3A_80 = arith.mulf %dot_general3A_73, %mul3A_40 : vector<256x128xf32>
    %mul3A_81 = arith.mulf %dot_general3A_76, %get3A_19 : vector<256x128xf32>
    %add3A_82 = arith.addf %mul3A_80, %mul3A_81 : vector<256x128xf32>
    %mul3A_83 = arith.mulf %dot_general3A_79, %get3A_24 : vector<256x128xf32>
    %add3A_84 = arith.addf %add3A_82, %mul3A_83 : vector<256x128xf32>
    %mul3A_85 = arith.mulf %dot_general3A_73, %mul3A_44 : vector<256x128xf32>
    %mul3A_86 = arith.mulf %dot_general3A_76, %get3A_29 : vector<256x128xf32>
    %add3A_87 = arith.addf %mul3A_85, %mul3A_86 : vector<256x128xf32>
    %mul3A_88 = arith.mulf %dot_general3A_79, %get3A_34 : vector<256x128xf32>
    %add3A_89 = arith.addf %add3A_87, %mul3A_88 : vector<256x128xf32>
    %reshape3A = vector.shape_cast %mul3A_36 : vector<256x128xf32> to vector<128x2x128xf32>
    %slice3A = vector.extract_strided_slice %reshape3A {offsets = [0, 0, 0], sizes = [128, 1, 128], strides = [1, 1, 1]} : vector<128x2x128xf32> to vector<128x1x128xf32>
    %squeeze3A = vector.shape_cast %slice3A : vector<128x1x128xf32> to vector<128x128xf32>
    %slice3A_90 = vector.extract_strided_slice %reshape3A {offsets = [0, 1, 0], sizes = [128, 1, 128], strides = [1, 1, 1]} : vector<128x2x128xf32> to vector<128x1x128xf32>
    %squeeze3A_91 = vector.shape_cast %slice3A_90 : vector<128x1x128xf32> to vector<128x128xf32>
    %reshape3A_92 = vector.shape_cast %add3A_84 : vector<256x128xf32> to vector<128x2x128xf32>
    %slice3A_93 = vector.extract_strided_slice %reshape3A_92 {offsets = [0, 0, 0], sizes = [128, 1, 128], strides = [1, 1, 1]} : vector<128x2x128xf32> to vector<128x1x128xf32>
    %squeeze3A_94 = vector.shape_cast %slice3A_93 : vector<128x1x128xf32> to vector<128x128xf32>
    %slice3A_95 = vector.extract_strided_slice %reshape3A_92 {offsets = [0, 1, 0], sizes = [128, 1, 128], strides = [1, 1, 1]} : vector<128x2x128xf32> to vector<128x1x128xf32>
    %squeeze3A_96 = vector.shape_cast %slice3A_95 : vector<128x1x128xf32> to vector<128x128xf32>
    %reshape3A_97 = vector.shape_cast %add3A_89 : vector<256x128xf32> to vector<128x2x128xf32>
    %slice3A_98 = vector.extract_strided_slice %reshape3A_97 {offsets = [0, 0, 0], sizes = [128, 1, 128], strides = [1, 1, 1]} : vector<128x2x128xf32> to vector<128x1x128xf32>
    %squeeze3A_99 = vector.shape_cast %slice3A_98 : vector<128x1x128xf32> to vector<128x128xf32>
    %slice3A_100 = vector.extract_strided_slice %reshape3A_97 {offsets = [0, 1, 0], sizes = [128, 1, 128], strides = [1, 1, 1]} : vector<128x2x128xf32> to vector<128x1x128xf32>
    %squeeze3A_101 = vector.shape_cast %slice3A_100 : vector<128x1x128xf32> to vector<128x128xf32>
    %add3A_102 = arith.addf %squeeze3A, %squeeze3A_91 : vector<128x128xf32>
    %mul3A_103 = arith.constant 5.000000e-01 : f32
    %mul3A_104 = vector.broadcast %mul3A_103 : f32 to vector<128x128xf32>
    %mul3A_105 = arith.mulf %mul3A_104, %add3A_102 : vector<128x128xf32>
    %add3A_106 = arith.addf %squeeze3A_94, %squeeze3A_96 : vector<128x128xf32>
    %mul3A_107 = arith.constant 5.000000e-01 : f32
    %mul3A_108 = vector.broadcast %mul3A_107 : f32 to vector<128x128xf32>
    %mul3A_109 = arith.mulf %mul3A_108, %add3A_106 : vector<128x128xf32>
    %add3A_110 = arith.addf %squeeze3A_99, %squeeze3A_101 : vector<128x128xf32>
    %mul3A_111 = arith.constant 5.000000e-01 : f32
    %mul3A_112 = vector.broadcast %mul3A_111 : f32 to vector<128x128xf32>
    %mul3A_113 = arith.mulf %mul3A_112, %add3A_110 : vector<128x128xf32>
    %mul3A_114 = arith.mulf %mul3A_105, %mul3A_109 : vector<128x128xf32>
    %dot_general3A_115 = arith.constant dense<0.000000e+00> : vector<128x2xf32>
    %dot_general3A_116 = tpu.matmul %mul3A_114, %get3A_1, %dot_general3A_115 {dimension_numbers = #tpu.dot_dimension_numbers<[1], [0], [0], [1], [0, 0, 1, 1], [], []>, transpose_lhs_hint = false} : vector<128x128xf32>, vector<128x2xf32>, vector<128x2xf32> -> vector<128x2xf32>
    %mul3A_117 = arith.constant 1.250000e-01 : f32
    %mul3A_118 = vector.broadcast %mul3A_117 : f32 to vector<128x2xf32>
    %mul3A_119 = arith.mulf %dot_general3A_116, %mul3A_118 : vector<128x2xf32>
    %mul3A_120 = arith.mulf %mul3A_105, %squeeze3A_94 : vector<128x128xf32>
    %dot_general3A_121 = arith.constant dense<0.000000e+00> : vector<128x2xf32>
    %dot_general3A_122 = tpu.matmul %mul3A_120, %get3A_1, %dot_general3A_121 {dimension_numbers = #tpu.dot_dimension_numbers<[1], [0], [0], [1], [0, 0, 1, 1], [], []>, transpose_lhs_hint = false} : vector<128x128xf32>, vector<128x2xf32>, vector<128x2xf32> -> vector<128x2xf32>
    %mul3A_123 = arith.constant 1.250000e-01 : f32
    %mul3A_124 = vector.broadcast %mul3A_123 : f32 to vector<128x2xf32>
    %mul3A_125 = arith.mulf %dot_general3A_122, %mul3A_124 : vector<128x2xf32>
    %mul3A_126 = arith.mulf %mul3A_105, %squeeze3A_96 : vector<128x128xf32>
    %dot_general3A_127 = arith.constant dense<0.000000e+00> : vector<128x2xf32>
    %dot_general3A_128 = tpu.matmul %mul3A_126, %get3A_1, %dot_general3A_127 {dimension_numbers = #tpu.dot_dimension_numbers<[1], [0], [0], [1], [0, 0, 1, 1], [], []>, transpose_lhs_hint = false} : vector<128x128xf32>, vector<128x2xf32>, vector<128x2xf32> -> vector<128x2xf32>
    %mul3A_129 = arith.constant 1.250000e-01 : f32
    %mul3A_130 = vector.broadcast %mul3A_129 : f32 to vector<128x2xf32>
    %mul3A_131 = arith.mulf %dot_general3A_128, %mul3A_130 : vector<128x2xf32>
    %max3A_132 = arith.maximumf %mul3A_125, %mul3A_131 : vector<128x2xf32>
    %max3A_133 = arith.maximumf %mul3A_119, %max3A_132 : vector<128x2xf32>
    %sub3A_134 = arith.subf %mul3A_119, %max3A_133 : vector<128x2xf32>
    %exp3A_135 = math.exp %sub3A_134 : vector<128x2xf32>
    %sub3A_136 = arith.subf %mul3A_125, %max3A_133 : vector<128x2xf32>
    %exp3A_137 = math.exp %sub3A_136 : vector<128x2xf32>
    %sub3A_138 = arith.subf %mul3A_131, %max3A_133 : vector<128x2xf32>
    %exp3A_139 = math.exp %sub3A_138 : vector<128x2xf32>
    %add3A_140 = arith.addf %exp3A_135, %exp3A_137 : vector<128x2xf32>
    %add3A_141 = arith.addf %add3A_140, %exp3A_139 : vector<128x2xf32>
    %add3A_142 = arith.constant 9.99999971E-10 : f32
    %add3A_143 = vector.broadcast %add3A_142 : f32 to vector<128x2xf32>
    %add3A_144 = arith.addf %add3A_141, %add3A_143 : vector<128x2xf32>
    %div3A_145 = arith.divf %exp3A_135, %add3A_144 : vector<128x2xf32>
    %dot_general3A_146 = arith.constant dense<0.000000e+00> : vector<128x128xf32>
    %dot_general3A_147 = tpu.matmul %div3A_145, %get3A_4, %dot_general3A_146 {dimension_numbers = #tpu.dot_dimension_numbers<[1], [0], [0], [1], [0, 0, 1, 1], [], []>, transpose_lhs_hint = false} : vector<128x2xf32>, vector<2x128xf32>, vector<128x128xf32> -> vector<128x128xf32>
    %div3A_148 = arith.divf %exp3A_137, %add3A_144 : vector<128x2xf32>
    %dot_general3A_149 = arith.constant dense<0.000000e+00> : vector<128x128xf32>
    %dot_general3A_150 = tpu.matmul %div3A_148, %get3A_4, %dot_general3A_149 {dimension_numbers = #tpu.dot_dimension_numbers<[1], [0], [0], [1], [0, 0, 1, 1], [], []>, transpose_lhs_hint = false} : vector<128x2xf32>, vector<2x128xf32>, vector<128x128xf32> -> vector<128x128xf32>
    %div3A_151 = arith.divf %exp3A_139, %add3A_144 : vector<128x2xf32>
    %dot_general3A_152 = arith.constant dense<0.000000e+00> : vector<128x128xf32>
    %dot_general3A_153 = tpu.matmul %div3A_151, %get3A_4, %dot_general3A_152 {dimension_numbers = #tpu.dot_dimension_numbers<[1], [0], [0], [1], [0, 0, 1, 1], [], []>, transpose_lhs_hint = false} : vector<128x2xf32>, vector<2x128xf32>, vector<128x128xf32> -> vector<128x128xf32>
    %mul3A_154 = arith.mulf %dot_general3A_147, %mul3A_109 : vector<128x128xf32>
    %mul3A_155 = arith.mulf %dot_general3A_150, %squeeze3A_94 : vector<128x128xf32>
    %add3A_156 = arith.addf %mul3A_154, %mul3A_155 : vector<128x128xf32>
    %mul3A_157 = arith.mulf %dot_general3A_153, %squeeze3A_96 : vector<128x128xf32>
    %add3A_158 = arith.addf %add3A_156, %mul3A_157 : vector<128x128xf32>
    %mul3A_159 = arith.mulf %dot_general3A_147, %mul3A_113 : vector<128x128xf32>
    %mul3A_160 = arith.mulf %dot_general3A_150, %squeeze3A_99 : vector<128x128xf32>
    %add3A_161 = arith.addf %mul3A_159, %mul3A_160 : vector<128x128xf32>
    %mul3A_162 = arith.mulf %dot_general3A_153, %squeeze3A_101 : vector<128x128xf32>
    %add3A_163 = arith.addf %add3A_161, %mul3A_162 : vector<128x128xf32>
    %reshape3A_164 = vector.shape_cast %mul3A_105 : vector<128x128xf32> to vector<64x2x128xf32>
    %slice3A_165 = vector.extract_strided_slice %reshape3A_164 {offsets = [0, 0, 0], sizes = [64, 1, 128], strides = [1, 1, 1]} : vector<64x2x128xf32> to vector<64x1x128xf32>
    %squeeze3A_166 = vector.shape_cast %slice3A_165 : vector<64x1x128xf32> to vector<64x128xf32>
    %slice3A_167 = vector.extract_strided_slice %reshape3A_164 {offsets = [0, 1, 0], sizes = [64, 1, 128], strides = [1, 1, 1]} : vector<64x2x128xf32> to vector<64x1x128xf32>
    %squeeze3A_168 = vector.shape_cast %slice3A_167 : vector<64x1x128xf32> to vector<64x128xf32>
    %reshape3A_169 = vector.shape_cast %add3A_158 : vector<128x128xf32> to vector<64x2x128xf32>
    %slice3A_170 = vector.extract_strided_slice %reshape3A_169 {offsets = [0, 0, 0], sizes = [64, 1, 128], strides = [1, 1, 1]} : vector<64x2x128xf32> to vector<64x1x128xf32>
    %squeeze3A_171 = vector.shape_cast %slice3A_170 : vector<64x1x128xf32> to vector<64x128xf32>
    %slice3A_172 = vector.extract_strided_slice %reshape3A_169 {offsets = [0, 1, 0], sizes = [64, 1, 128], strides = [1, 1, 1]} : vector<64x2x128xf32> to vector<64x1x128xf32>
    %squeeze3A_173 = vector.shape_cast %slice3A_172 : vector<64x1x128xf32> to vector<64x128xf32>
    %reshape3A_174 = vector.shape_cast %add3A_163 : vector<128x128xf32> to vector<64x2x128xf32>
    %slice3A_175 = vector.extract_strided_slice %reshape3A_174 {offsets = [0, 0, 0], sizes = [64, 1, 128], strides = [1, 1, 1]} : vector<64x2x128xf32> to vector<64x1x128xf32>
    %squeeze3A_176 = vector.shape_cast %slice3A_175 : vector<64x1x128xf32> to vector<64x128xf32>
    %slice3A_177 = vector.extract_strided_slice %reshape3A_174 {offsets = [0, 1, 0], sizes = [64, 1, 128], strides = [1, 1, 1]} : vector<64x2x128xf32> to vector<64x1x128xf32>
    %squeeze3A_178 = vector.shape_cast %slice3A_177 : vector<64x1x128xf32> to vector<64x128xf32>
    %add3A_179 = arith.addf %squeeze3A_166, %squeeze3A_168 : vector<64x128xf32>
    %mul3A_180 = arith.constant 5.000000e-01 : f32
    %mul3A_181 = vector.broadcast %mul3A_180 : f32 to vector<64x128xf32>
    %mul3A_182 = arith.mulf %mul3A_181, %add3A_179 : vector<64x128xf32>
    %add3A_183 = arith.addf %squeeze3A_171, %squeeze3A_173 : vector<64x128xf32>
    %mul3A_184 = arith.constant 5.000000e-01 : f32
    %mul3A_185 = vector.broadcast %mul3A_184 : f32 to vector<64x128xf32>
    %mul3A_186 = arith.mulf %mul3A_185, %add3A_183 : vector<64x128xf32>
    %add3A_187 = arith.addf %squeeze3A_176, %squeeze3A_178 : vector<64x128xf32>
    %mul3A_188 = arith.constant 5.000000e-01 : f32
    %mul3A_189 = vector.broadcast %mul3A_188 : f32 to vector<64x128xf32>
    %mul3A_190 = arith.mulf %mul3A_189, %add3A_187 : vector<64x128xf32>
    %mul3A_191 = arith.mulf %mul3A_182, %mul3A_186 : vector<64x128xf32>
    %dot_general3A_192 = arith.constant dense<0.000000e+00> : vector<64x2xf32>
    %dot_general3A_193 = tpu.matmul %mul3A_191, %get3A_1, %dot_general3A_192 {dimension_numbers = #tpu.dot_dimension_numbers<[1], [0], [0], [1], [0, 0, 1, 1], [], []>, transpose_lhs_hint = false} : vector<64x128xf32>, vector<128x2xf32>, vector<64x2xf32> -> vector<64x2xf32>
    %mul3A_194 = arith.constant 1.250000e-01 : f32
    %mul3A_195 = vector.broadcast %mul3A_194 : f32 to vector<64x2xf32>
    %mul3A_196 = arith.mulf %dot_general3A_193, %mul3A_195 : vector<64x2xf32>
    %mul3A_197 = arith.mulf %mul3A_182, %squeeze3A_171 : vector<64x128xf32>
    %dot_general3A_198 = arith.constant dense<0.000000e+00> : vector<64x2xf32>
    %dot_general3A_199 = tpu.matmul %mul3A_197, %get3A_1, %dot_general3A_198 {dimension_numbers = #tpu.dot_dimension_numbers<[1], [0], [0], [1], [0, 0, 1, 1], [], []>, transpose_lhs_hint = false} : vector<64x128xf32>, vector<128x2xf32>, vector<64x2xf32> -> vector<64x2xf32>
    %mul3A_200 = arith.constant 1.250000e-01 : f32
    %mul3A_201 = vector.broadcast %mul3A_200 : f32 to vector<64x2xf32>
    %mul3A_202 = arith.mulf %dot_general3A_199, %mul3A_201 : vector<64x2xf32>
    %mul3A_203 = arith.mulf %mul3A_182, %squeeze3A_173 : vector<64x128xf32>
    %dot_general3A_204 = arith.constant dense<0.000000e+00> : vector<64x2xf32>
    %dot_general3A_205 = tpu.matmul %mul3A_203, %get3A_1, %dot_general3A_204 {dimension_numbers = #tpu.dot_dimension_numbers<[1], [0], [0], [1], [0, 0, 1, 1], [], []>, transpose_lhs_hint = false} : vector<64x128xf32>, vector<128x2xf32>, vector<64x2xf32> -> vector<64x2xf32>
    %mul3A_206 = arith.constant 1.250000e-01 : f32
    %mul3A_207 = vector.broadcast %mul3A_206 : f32 to vector<64x2xf32>
    %mul3A_208 = arith.mulf %dot_general3A_205, %mul3A_207 : vector<64x2xf32>
    %max3A_209 = arith.maximumf %mul3A_202, %mul3A_208 : vector<64x2xf32>
    %max3A_210 = arith.maximumf %mul3A_196, %max3A_209 : vector<64x2xf32>
    %sub3A_211 = arith.subf %mul3A_196, %max3A_210 : vector<64x2xf32>
    %exp3A_212 = math.exp %sub3A_211 : vector<64x2xf32>
    %sub3A_213 = arith.subf %mul3A_202, %max3A_210 : vector<64x2xf32>
    %exp3A_214 = math.exp %sub3A_213 : vector<64x2xf32>
    %sub3A_215 = arith.subf %mul3A_208, %max3A_210 : vector<64x2xf32>
    %exp3A_216 = math.exp %sub3A_215 : vector<64x2xf32>
    %add3A_217 = arith.addf %exp3A_212, %exp3A_214 : vector<64x2xf32>
    %add3A_218 = arith.addf %add3A_217, %exp3A_216 : vector<64x2xf32>
    %add3A_219 = arith.constant 9.99999971E-10 : f32
    %add3A_220 = vector.broadcast %add3A_219 : f32 to vector<64x2xf32>
    %add3A_221 = arith.addf %add3A_218, %add3A_220 : vector<64x2xf32>
    %div3A_222 = arith.divf %exp3A_212, %add3A_221 : vector<64x2xf32>
    %dot_general3A_223 = arith.constant dense<0.000000e+00> : vector<64x128xf32>
    %dot_general3A_224 = tpu.matmul %div3A_222, %get3A_4, %dot_general3A_223 {dimension_numbers = #tpu.dot_dimension_numbers<[1], [0], [0], [1], [0, 0, 1, 1], [], []>, transpose_lhs_hint = false} : vector<64x2xf32>, vector<2x128xf32>, vector<64x128xf32> -> vector<64x128xf32>
    %div3A_225 = arith.divf %exp3A_214, %add3A_221 : vector<64x2xf32>
    %dot_general3A_226 = arith.constant dense<0.000000e+00> : vector<64x128xf32>
    %dot_general3A_227 = tpu.matmul %div3A_225, %get3A_4, %dot_general3A_226 {dimension_numbers = #tpu.dot_dimension_numbers<[1], [0], [0], [1], [0, 0, 1, 1], [], []>, transpose_lhs_hint = false} : vector<64x2xf32>, vector<2x128xf32>, vector<64x128xf32> -> vector<64x128xf32>
    %div3A_228 = arith.divf %exp3A_216, %add3A_221 : vector<64x2xf32>
    %dot_general3A_229 = arith.constant dense<0.000000e+00> : vector<64x128xf32>
    %dot_general3A_230 = tpu.matmul %div3A_228, %get3A_4, %dot_general3A_229 {dimension_numbers = #tpu.dot_dimension_numbers<[1], [0], [0], [1], [0, 0, 1, 1], [], []>, transpose_lhs_hint = false} : vector<64x2xf32>, vector<2x128xf32>, vector<64x128xf32> -> vector<64x128xf32>
    %mul3A_231 = arith.mulf %dot_general3A_224, %mul3A_186 : vector<64x128xf32>
    %mul3A_232 = arith.mulf %dot_general3A_227, %squeeze3A_171 : vector<64x128xf32>
    %add3A_233 = arith.addf %mul3A_231, %mul3A_232 : vector<64x128xf32>
    %mul3A_234 = arith.mulf %dot_general3A_230, %squeeze3A_173 : vector<64x128xf32>
    %add3A_235 = arith.addf %add3A_233, %mul3A_234 : vector<64x128xf32>
    %mul3A_236 = arith.mulf %dot_general3A_224, %mul3A_190 : vector<64x128xf32>
    %mul3A_237 = arith.mulf %dot_general3A_227, %squeeze3A_176 : vector<64x128xf32>
    %add3A_238 = arith.addf %mul3A_236, %mul3A_237 : vector<64x128xf32>
    %mul3A_239 = arith.mulf %dot_general3A_230, %squeeze3A_178 : vector<64x128xf32>
    %add3A_240 = arith.addf %add3A_238, %mul3A_239 : vector<64x128xf32>
    %reshape3A_241 = vector.shape_cast %mul3A_182 : vector<64x128xf32> to vector<32x2x128xf32>
    %slice3A_242 = vector.extract_strided_slice %reshape3A_241 {offsets = [0, 0, 0], sizes = [32, 1, 128], strides = [1, 1, 1]} : vector<32x2x128xf32> to vector<32x1x128xf32>
    %squeeze3A_243 = vector.shape_cast %slice3A_242 : vector<32x1x128xf32> to vector<32x128xf32>
    %slice3A_244 = vector.extract_strided_slice %reshape3A_241 {offsets = [0, 1, 0], sizes = [32, 1, 128], strides = [1, 1, 1]} : vector<32x2x128xf32> to vector<32x1x128xf32>
    %squeeze3A_245 = vector.shape_cast %slice3A_244 : vector<32x1x128xf32> to vector<32x128xf32>
    %reshape3A_246 = vector.shape_cast %add3A_235 : vector<64x128xf32> to vector<32x2x128xf32>
    %slice3A_247 = vector.extract_strided_slice %reshape3A_246 {offsets = [0, 0, 0], sizes = [32, 1, 128], strides = [1, 1, 1]} : vector<32x2x128xf32> to vector<32x1x128xf32>
    %squeeze3A_248 = vector.shape_cast %slice3A_247 : vector<32x1x128xf32> to vector<32x128xf32>
    %slice3A_249 = vector.extract_strided_slice %reshape3A_246 {offsets = [0, 1, 0], sizes = [32, 1, 128], strides = [1, 1, 1]} : vector<32x2x128xf32> to vector<32x1x128xf32>
    %squeeze3A_250 = vector.shape_cast %slice3A_249 : vector<32x1x128xf32> to vector<32x128xf32>
    %reshape3A_251 = vector.shape_cast %add3A_240 : vector<64x128xf32> to vector<32x2x128xf32>
    %slice3A_252 = vector.extract_strided_slice %reshape3A_251 {offsets = [0, 0, 0], sizes = [32, 1, 128], strides = [1, 1, 1]} : vector<32x2x128xf32> to vector<32x1x128xf32>
    %squeeze3A_253 = vector.shape_cast %slice3A_252 : vector<32x1x128xf32> to vector<32x128xf32>
    %slice3A_254 = vector.extract_strided_slice %reshape3A_251 {offsets = [0, 1, 0], sizes = [32, 1, 128], strides = [1, 1, 1]} : vector<32x2x128xf32> to vector<32x1x128xf32>
    %squeeze3A_255 = vector.shape_cast %slice3A_254 : vector<32x1x128xf32> to vector<32x128xf32>
    %add3A_256 = arith.addf %squeeze3A_243, %squeeze3A_245 : vector<32x128xf32>
    %mul3A_257 = arith.constant 5.000000e-01 : f32
    %mul3A_258 = vector.broadcast %mul3A_257 : f32 to vector<32x128xf32>
    %mul3A_259 = arith.mulf %mul3A_258, %add3A_256 : vector<32x128xf32>
    %add3A_260 = arith.addf %squeeze3A_248, %squeeze3A_250 : vector<32x128xf32>
    %mul3A_261 = arith.constant 5.000000e-01 : f32
    %mul3A_262 = vector.broadcast %mul3A_261 : f32 to vector<32x128xf32>
    %mul3A_263 = arith.mulf %mul3A_262, %add3A_260 : vector<32x128xf32>
    %add3A_264 = arith.addf %squeeze3A_253, %squeeze3A_255 : vector<32x128xf32>
    %mul3A_265 = arith.constant 5.000000e-01 : f32
    %mul3A_266 = vector.broadcast %mul3A_265 : f32 to vector<32x128xf32>
    %mul3A_267 = arith.mulf %mul3A_266, %add3A_264 : vector<32x128xf32>
    %mul3A_268 = arith.mulf %mul3A_259, %mul3A_263 : vector<32x128xf32>
    %dot_general3A_269 = arith.constant dense<0.000000e+00> : vector<32x2xf32>
    %dot_general3A_270 = tpu.matmul %mul3A_268, %get3A_1, %dot_general3A_269 {dimension_numbers = #tpu.dot_dimension_numbers<[1], [0], [0], [1], [0, 0, 1, 1], [], []>, transpose_lhs_hint = false} : vector<32x128xf32>, vector<128x2xf32>, vector<32x2xf32> -> vector<32x2xf32>
    %mul3A_271 = arith.constant 1.250000e-01 : f32
    %mul3A_272 = vector.broadcast %mul3A_271 : f32 to vector<32x2xf32>
    %mul3A_273 = arith.mulf %dot_general3A_270, %mul3A_272 : vector<32x2xf32>
    %mul3A_274 = arith.mulf %mul3A_259, %squeeze3A_248 : vector<32x128xf32>
    %dot_general3A_275 = arith.constant dense<0.000000e+00> : vector<32x2xf32>
    %dot_general3A_276 = tpu.matmul %mul3A_274, %get3A_1, %dot_general3A_275 {dimension_numbers = #tpu.dot_dimension_numbers<[1], [0], [0], [1], [0, 0, 1, 1], [], []>, transpose_lhs_hint = false} : vector<32x128xf32>, vector<128x2xf32>, vector<32x2xf32> -> vector<32x2xf32>
    %mul3A_277 = arith.constant 1.250000e-01 : f32
    %mul3A_278 = vector.broadcast %mul3A_277 : f32 to vector<32x2xf32>
    %mul3A_279 = arith.mulf %dot_general3A_276, %mul3A_278 : vector<32x2xf32>
    %mul3A_280 = arith.mulf %mul3A_259, %squeeze3A_250 : vector<32x128xf32>
    %dot_general3A_281 = arith.constant dense<0.000000e+00> : vector<32x2xf32>
    %dot_general3A_282 = tpu.matmul %mul3A_280, %get3A_1, %dot_general3A_281 {dimension_numbers = #tpu.dot_dimension_numbers<[1], [0], [0], [1], [0, 0, 1, 1], [], []>, transpose_lhs_hint = false} : vector<32x128xf32>, vector<128x2xf32>, vector<32x2xf32> -> vector<32x2xf32>
    %mul3A_283 = arith.constant 1.250000e-01 : f32
    %mul3A_284 = vector.broadcast %mul3A_283 : f32 to vector<32x2xf32>
    %mul3A_285 = arith.mulf %dot_general3A_282, %mul3A_284 : vector<32x2xf32>
    %max3A_286 = arith.maximumf %mul3A_279, %mul3A_285 : vector<32x2xf32>
    %max3A_287 = arith.maximumf %mul3A_273, %max3A_286 : vector<32x2xf32>
    %sub3A_288 = arith.subf %mul3A_273, %max3A_287 : vector<32x2xf32>
    %exp3A_289 = math.exp %sub3A_288 : vector<32x2xf32>
    %sub3A_290 = arith.subf %mul3A_279, %max3A_287 : vector<32x2xf32>
    %exp3A_291 = math.exp %sub3A_290 : vector<32x2xf32>
    %sub3A_292 = arith.subf %mul3A_285, %max3A_287 : vector<32x2xf32>
    %exp3A_293 = math.exp %sub3A_292 : vector<32x2xf32>
    %add3A_294 = arith.addf %exp3A_289, %exp3A_291 : vector<32x2xf32>
    %add3A_295 = arith.addf %add3A_294, %exp3A_293 : vector<32x2xf32>
    %add3A_296 = arith.constant 9.99999971E-10 : f32
    %add3A_297 = vector.broadcast %add3A_296 : f32 to vector<32x2xf32>
    %add3A_298 = arith.addf %add3A_295, %add3A_297 : vector<32x2xf32>
    %div3A_299 = arith.divf %exp3A_289, %add3A_298 : vector<32x2xf32>
    %dot_general3A_300 = arith.constant dense<0.000000e+00> : vector<32x128xf32>
    %dot_general3A_301 = tpu.matmul %div3A_299, %get3A_4, %dot_general3A_300 {dimension_numbers = #tpu.dot_dimension_numbers<[1], [0], [0], [1], [0, 0, 1, 1], [], []>, transpose_lhs_hint = false} : vector<32x2xf32>, vector<2x128xf32>, vector<32x128xf32> -> vector<32x128xf32>
    %div3A_302 = arith.divf %exp3A_291, %add3A_298 : vector<32x2xf32>
    %dot_general3A_303 = arith.constant dense<0.000000e+00> : vector<32x128xf32>
    %dot_general3A_304 = tpu.matmul %div3A_302, %get3A_4, %dot_general3A_303 {dimension_numbers = #tpu.dot_dimension_numbers<[1], [0], [0], [1], [0, 0, 1, 1], [], []>, transpose_lhs_hint = false} : vector<32x2xf32>, vector<2x128xf32>, vector<32x128xf32> -> vector<32x128xf32>
    %div3A_305 = arith.divf %exp3A_293, %add3A_298 : vector<32x2xf32>
    %dot_general3A_306 = arith.constant dense<0.000000e+00> : vector<32x128xf32>
    %dot_general3A_307 = tpu.matmul %div3A_305, %get3A_4, %dot_general3A_306 {dimension_numbers = #tpu.dot_dimension_numbers<[1], [0], [0], [1], [0, 0, 1, 1], [], []>, transpose_lhs_hint = false} : vector<32x2xf32>, vector<2x128xf32>, vector<32x128xf32> -> vector<32x128xf32>
    %mul3A_308 = arith.mulf %dot_general3A_301, %mul3A_263 : vector<32x128xf32>
    %mul3A_309 = arith.mulf %dot_general3A_304, %squeeze3A_248 : vector<32x128xf32>
    %add3A_310 = arith.addf %mul3A_308, %mul3A_309 : vector<32x128xf32>
    %mul3A_311 = arith.mulf %dot_general3A_307, %squeeze3A_250 : vector<32x128xf32>
    %add3A_312 = arith.addf %add3A_310, %mul3A_311 : vector<32x128xf32>
    %mul3A_313 = arith.mulf %dot_general3A_301, %mul3A_267 : vector<32x128xf32>
    %mul3A_314 = arith.mulf %dot_general3A_304, %squeeze3A_253 : vector<32x128xf32>
    %add3A_315 = arith.addf %mul3A_313, %mul3A_314 : vector<32x128xf32>
    %mul3A_316 = arith.mulf %dot_general3A_307, %squeeze3A_255 : vector<32x128xf32>
    %add3A_317 = arith.addf %add3A_315, %mul3A_316 : vector<32x128xf32>
    %reshape3A_318 = vector.shape_cast %mul3A_259 : vector<32x128xf32> to vector<16x2x128xf32>
    %slice3A_319 = vector.extract_strided_slice %reshape3A_318 {offsets = [0, 0, 0], sizes = [16, 1, 128], strides = [1, 1, 1]} : vector<16x2x128xf32> to vector<16x1x128xf32>
    %squeeze3A_320 = vector.shape_cast %slice3A_319 : vector<16x1x128xf32> to vector<16x128xf32>
    %slice3A_321 = vector.extract_strided_slice %reshape3A_318 {offsets = [0, 1, 0], sizes = [16, 1, 128], strides = [1, 1, 1]} : vector<16x2x128xf32> to vector<16x1x128xf32>
    %squeeze3A_322 = vector.shape_cast %slice3A_321 : vector<16x1x128xf32> to vector<16x128xf32>
    %reshape3A_323 = vector.shape_cast %add3A_312 : vector<32x128xf32> to vector<16x2x128xf32>
    %slice3A_324 = vector.extract_strided_slice %reshape3A_323 {offsets = [0, 0, 0], sizes = [16, 1, 128], strides = [1, 1, 1]} : vector<16x2x128xf32> to vector<16x1x128xf32>
    %squeeze3A_325 = vector.shape_cast %slice3A_324 : vector<16x1x128xf32> to vector<16x128xf32>
    %slice3A_326 = vector.extract_strided_slice %reshape3A_323 {offsets = [0, 1, 0], sizes = [16, 1, 128], strides = [1, 1, 1]} : vector<16x2x128xf32> to vector<16x1x128xf32>
    %squeeze3A_327 = vector.shape_cast %slice3A_326 : vector<16x1x128xf32> to vector<16x128xf32>
    %reshape3A_328 = vector.shape_cast %add3A_317 : vector<32x128xf32> to vector<16x2x128xf32>
    %slice3A_329 = vector.extract_strided_slice %reshape3A_328 {offsets = [0, 0, 0], sizes = [16, 1, 128], strides = [1, 1, 1]} : vector<16x2x128xf32> to vector<16x1x128xf32>
    %squeeze3A_330 = vector.shape_cast %slice3A_329 : vector<16x1x128xf32> to vector<16x128xf32>
    %slice3A_331 = vector.extract_strided_slice %reshape3A_328 {offsets = [0, 1, 0], sizes = [16, 1, 128], strides = [1, 1, 1]} : vector<16x2x128xf32> to vector<16x1x128xf32>
    %squeeze3A_332 = vector.shape_cast %slice3A_331 : vector<16x1x128xf32> to vector<16x128xf32>
    %add3A_333 = arith.addf %squeeze3A_320, %squeeze3A_322 : vector<16x128xf32>
    %mul3A_334 = arith.constant 5.000000e-01 : f32
    %mul3A_335 = vector.broadcast %mul3A_334 : f32 to vector<16x128xf32>
    %mul3A_336 = arith.mulf %mul3A_335, %add3A_333 : vector<16x128xf32>
    %add3A_337 = arith.addf %squeeze3A_325, %squeeze3A_327 : vector<16x128xf32>
    %mul3A_338 = arith.constant 5.000000e-01 : f32
    %mul3A_339 = vector.broadcast %mul3A_338 : f32 to vector<16x128xf32>
    %mul3A_340 = arith.mulf %mul3A_339, %add3A_337 : vector<16x128xf32>
    %add3A_341 = arith.addf %squeeze3A_330, %squeeze3A_332 : vector<16x128xf32>
    %mul3A_342 = arith.constant 5.000000e-01 : f32
    %mul3A_343 = vector.broadcast %mul3A_342 : f32 to vector<16x128xf32>
    %mul3A_344 = arith.mulf %mul3A_343, %add3A_341 : vector<16x128xf32>
    %mul3A_345 = arith.mulf %mul3A_336, %mul3A_340 : vector<16x128xf32>
    %dot_general3A_346 = arith.constant dense<0.000000e+00> : vector<16x2xf32>
    %dot_general3A_347 = tpu.matmul %mul3A_345, %get3A_1, %dot_general3A_346 {dimension_numbers = #tpu.dot_dimension_numbers<[1], [0], [0], [1], [0, 0, 1, 1], [], []>, transpose_lhs_hint = false} : vector<16x128xf32>, vector<128x2xf32>, vector<16x2xf32> -> vector<16x2xf32>
    %mul3A_348 = arith.constant 1.250000e-01 : f32
    %mul3A_349 = vector.broadcast %mul3A_348 : f32 to vector<16x2xf32>
    %mul3A_350 = arith.mulf %dot_general3A_347, %mul3A_349 : vector<16x2xf32>
    %mul3A_351 = arith.mulf %mul3A_336, %squeeze3A_325 : vector<16x128xf32>
    %dot_general3A_352 = arith.constant dense<0.000000e+00> : vector<16x2xf32>
    %dot_general3A_353 = tpu.matmul %mul3A_351, %get3A_1, %dot_general3A_352 {dimension_numbers = #tpu.dot_dimension_numbers<[1], [0], [0], [1], [0, 0, 1, 1], [], []>, transpose_lhs_hint = false} : vector<16x128xf32>, vector<128x2xf32>, vector<16x2xf32> -> vector<16x2xf32>
    %mul3A_354 = arith.constant 1.250000e-01 : f32
    %mul3A_355 = vector.broadcast %mul3A_354 : f32 to vector<16x2xf32>
    %mul3A_356 = arith.mulf %dot_general3A_353, %mul3A_355 : vector<16x2xf32>
    %mul3A_357 = arith.mulf %mul3A_336, %squeeze3A_327 : vector<16x128xf32>
    %dot_general3A_358 = arith.constant dense<0.000000e+00> : vector<16x2xf32>
    %dot_general3A_359 = tpu.matmul %mul3A_357, %get3A_1, %dot_general3A_358 {dimension_numbers = #tpu.dot_dimension_numbers<[1], [0], [0], [1], [0, 0, 1, 1], [], []>, transpose_lhs_hint = false} : vector<16x128xf32>, vector<128x2xf32>, vector<16x2xf32> -> vector<16x2xf32>
    %mul3A_360 = arith.constant 1.250000e-01 : f32
    %mul3A_361 = vector.broadcast %mul3A_360 : f32 to vector<16x2xf32>
    %mul3A_362 = arith.mulf %dot_general3A_359, %mul3A_361 : vector<16x2xf32>
    %max3A_363 = arith.maximumf %mul3A_356, %mul3A_362 : vector<16x2xf32>
    %max3A_364 = arith.maximumf %mul3A_350, %max3A_363 : vector<16x2xf32>
    %sub3A_365 = arith.subf %mul3A_350, %max3A_364 : vector<16x2xf32>
    %exp3A_366 = math.exp %sub3A_365 : vector<16x2xf32>
    %sub3A_367 = arith.subf %mul3A_356, %max3A_364 : vector<16x2xf32>
    %exp3A_368 = math.exp %sub3A_367 : vector<16x2xf32>
    %sub3A_369 = arith.subf %mul3A_362, %max3A_364 : vector<16x2xf32>
    %exp3A_370 = math.exp %sub3A_369 : vector<16x2xf32>
    %add3A_371 = arith.addf %exp3A_366, %exp3A_368 : vector<16x2xf32>
    %add3A_372 = arith.addf %add3A_371, %exp3A_370 : vector<16x2xf32>
    %add3A_373 = arith.constant 9.99999971E-10 : f32
    %add3A_374 = vector.broadcast %add3A_373 : f32 to vector<16x2xf32>
    %add3A_375 = arith.addf %add3A_372, %add3A_374 : vector<16x2xf32>
    %div3A_376 = arith.divf %exp3A_366, %add3A_375 : vector<16x2xf32>
    %dot_general3A_377 = arith.constant dense<0.000000e+00> : vector<16x128xf32>
    %dot_general3A_378 = tpu.matmul %div3A_376, %get3A_4, %dot_general3A_377 {dimension_numbers = #tpu.dot_dimension_numbers<[1], [0], [0], [1], [0, 0, 1, 1], [], []>, transpose_lhs_hint = false} : vector<16x2xf32>, vector<2x128xf32>, vector<16x128xf32> -> vector<16x128xf32>
    %div3A_379 = arith.divf %exp3A_368, %add3A_375 : vector<16x2xf32>
    %dot_general3A_380 = arith.constant dense<0.000000e+00> : vector<16x128xf32>
    %dot_general3A_381 = tpu.matmul %div3A_379, %get3A_4, %dot_general3A_380 {dimension_numbers = #tpu.dot_dimension_numbers<[1], [0], [0], [1], [0, 0, 1, 1], [], []>, transpose_lhs_hint = false} : vector<16x2xf32>, vector<2x128xf32>, vector<16x128xf32> -> vector<16x128xf32>
    %div3A_382 = arith.divf %exp3A_370, %add3A_375 : vector<16x2xf32>
    %dot_general3A_383 = arith.constant dense<0.000000e+00> : vector<16x128xf32>
    %dot_general3A_384 = tpu.matmul %div3A_382, %get3A_4, %dot_general3A_383 {dimension_numbers = #tpu.dot_dimension_numbers<[1], [0], [0], [1], [0, 0, 1, 1], [], []>, transpose_lhs_hint = false} : vector<16x2xf32>, vector<2x128xf32>, vector<16x128xf32> -> vector<16x128xf32>
    %mul3A_385 = arith.mulf %dot_general3A_378, %mul3A_340 : vector<16x128xf32>
    %mul3A_386 = arith.mulf %dot_general3A_381, %squeeze3A_325 : vector<16x128xf32>
    %add3A_387 = arith.addf %mul3A_385, %mul3A_386 : vector<16x128xf32>
    %mul3A_388 = arith.mulf %dot_general3A_384, %squeeze3A_327 : vector<16x128xf32>
    %add3A_389 = arith.addf %add3A_387, %mul3A_388 : vector<16x128xf32>
    %mul3A_390 = arith.mulf %dot_general3A_378, %mul3A_344 : vector<16x128xf32>
    %mul3A_391 = arith.mulf %dot_general3A_381, %squeeze3A_330 : vector<16x128xf32>
    %add3A_392 = arith.addf %mul3A_390, %mul3A_391 : vector<16x128xf32>
    %mul3A_393 = arith.mulf %dot_general3A_384, %squeeze3A_332 : vector<16x128xf32>
    %add3A_394 = arith.addf %add3A_392, %mul3A_393 : vector<16x128xf32>
    %reshape3A_395 = vector.shape_cast %mul3A_336 : vector<16x128xf32> to vector<8x2x128xf32>
    %slice3A_396 = vector.extract_strided_slice %reshape3A_395 {offsets = [0, 0, 0], sizes = [8, 1, 128], strides = [1, 1, 1]} : vector<8x2x128xf32> to vector<8x1x128xf32>
    %squeeze3A_397 = vector.shape_cast %slice3A_396 : vector<8x1x128xf32> to vector<8x128xf32>
    %slice3A_398 = vector.extract_strided_slice %reshape3A_395 {offsets = [0, 1, 0], sizes = [8, 1, 128], strides = [1, 1, 1]} : vector<8x2x128xf32> to vector<8x1x128xf32>
    %squeeze3A_399 = vector.shape_cast %slice3A_398 : vector<8x1x128xf32> to vector<8x128xf32>
    %reshape3A_400 = vector.shape_cast %add3A_389 : vector<16x128xf32> to vector<8x2x128xf32>
    %slice3A_401 = vector.extract_strided_slice %reshape3A_400 {offsets = [0, 0, 0], sizes = [8, 1, 128], strides = [1, 1, 1]} : vector<8x2x128xf32> to vector<8x1x128xf32>
    %squeeze3A_402 = vector.shape_cast %slice3A_401 : vector<8x1x128xf32> to vector<8x128xf32>
    %slice3A_403 = vector.extract_strided_slice %reshape3A_400 {offsets = [0, 1, 0], sizes = [8, 1, 128], strides = [1, 1, 1]} : vector<8x2x128xf32> to vector<8x1x128xf32>
    %squeeze3A_404 = vector.shape_cast %slice3A_403 : vector<8x1x128xf32> to vector<8x128xf32>
    %reshape3A_405 = vector.shape_cast %add3A_394 : vector<16x128xf32> to vector<8x2x128xf32>
    %slice3A_406 = vector.extract_strided_slice %reshape3A_405 {offsets = [0, 0, 0], sizes = [8, 1, 128], strides = [1, 1, 1]} : vector<8x2x128xf32> to vector<8x1x128xf32>
    %squeeze3A_407 = vector.shape_cast %slice3A_406 : vector<8x1x128xf32> to vector<8x128xf32>
    %slice3A_408 = vector.extract_strided_slice %reshape3A_405 {offsets = [0, 1, 0], sizes = [8, 1, 128], strides = [1, 1, 1]} : vector<8x2x128xf32> to vector<8x1x128xf32>
    %squeeze3A_409 = vector.shape_cast %slice3A_408 : vector<8x1x128xf32> to vector<8x128xf32>
    %add3A_410 = arith.addf %squeeze3A_397, %squeeze3A_399 : vector<8x128xf32>
    %mul3A_411 = arith.constant 5.000000e-01 : f32
    %mul3A_412 = vector.broadcast %mul3A_411 : f32 to vector<8x128xf32>
    %mul3A_413 = arith.mulf %mul3A_412, %add3A_410 : vector<8x128xf32>
    %add3A_414 = arith.addf %squeeze3A_402, %squeeze3A_404 : vector<8x128xf32>
    %mul3A_415 = arith.constant 5.000000e-01 : f32
    %mul3A_416 = vector.broadcast %mul3A_415 : f32 to vector<8x128xf32>
    %mul3A_417 = arith.mulf %mul3A_416, %add3A_414 : vector<8x128xf32>
    %add3A_418 = arith.addf %squeeze3A_407, %squeeze3A_409 : vector<8x128xf32>
    %mul3A_419 = arith.constant 5.000000e-01 : f32
    %mul3A_420 = vector.broadcast %mul3A_419 : f32 to vector<8x128xf32>
    %mul3A_421 = arith.mulf %mul3A_420, %add3A_418 : vector<8x128xf32>
    %mul3A_422 = arith.mulf %mul3A_413, %mul3A_417 : vector<8x128xf32>
    %dot_general3A_423 = arith.constant dense<0.000000e+00> : vector<8x2xf32>
    %dot_general3A_424 = tpu.matmul %mul3A_422, %get3A_1, %dot_general3A_423 {dimension_numbers = #tpu.dot_dimension_numbers<[1], [0], [0], [1], [0, 0, 1, 1], [], []>, transpose_lhs_hint = false} : vector<8x128xf32>, vector<128x2xf32>, vector<8x2xf32> -> vector<8x2xf32>
    %mul3A_425 = arith.constant 1.250000e-01 : f32
    %mul3A_426 = vector.broadcast %mul3A_425 : f32 to vector<8x2xf32>
    %mul3A_427 = arith.mulf %dot_general3A_424, %mul3A_426 : vector<8x2xf32>
    %mul3A_428 = arith.mulf %mul3A_413, %squeeze3A_402 : vector<8x128xf32>
    %dot_general3A_429 = arith.constant dense<0.000000e+00> : vector<8x2xf32>
    %dot_general3A_430 = tpu.matmul %mul3A_428, %get3A_1, %dot_general3A_429 {dimension_numbers = #tpu.dot_dimension_numbers<[1], [0], [0], [1], [0, 0, 1, 1], [], []>, transpose_lhs_hint = false} : vector<8x128xf32>, vector<128x2xf32>, vector<8x2xf32> -> vector<8x2xf32>
    %mul3A_431 = arith.constant 1.250000e-01 : f32
    %mul3A_432 = vector.broadcast %mul3A_431 : f32 to vector<8x2xf32>
    %mul3A_433 = arith.mulf %dot_general3A_430, %mul3A_432 : vector<8x2xf32>
    %mul3A_434 = arith.mulf %mul3A_413, %squeeze3A_404 : vector<8x128xf32>
    %dot_general3A_435 = arith.constant dense<0.000000e+00> : vector<8x2xf32>
    %dot_general3A_436 = tpu.matmul %mul3A_434, %get3A_1, %dot_general3A_435 {dimension_numbers = #tpu.dot_dimension_numbers<[1], [0], [0], [1], [0, 0, 1, 1], [], []>, transpose_lhs_hint = false} : vector<8x128xf32>, vector<128x2xf32>, vector<8x2xf32> -> vector<8x2xf32>
    %mul3A_437 = arith.constant 1.250000e-01 : f32
    %mul3A_438 = vector.broadcast %mul3A_437 : f32 to vector<8x2xf32>
    %mul3A_439 = arith.mulf %dot_general3A_436, %mul3A_438 : vector<8x2xf32>
    %max3A_440 = arith.maximumf %mul3A_433, %mul3A_439 : vector<8x2xf32>
    %max3A_441 = arith.maximumf %mul3A_427, %max3A_440 : vector<8x2xf32>
    %sub3A_442 = arith.subf %mul3A_427, %max3A_441 : vector<8x2xf32>
    %exp3A_443 = math.exp %sub3A_442 : vector<8x2xf32>
    %sub3A_444 = arith.subf %mul3A_433, %max3A_441 : vector<8x2xf32>
    %exp3A_445 = math.exp %sub3A_444 : vector<8x2xf32>
    %sub3A_446 = arith.subf %mul3A_439, %max3A_441 : vector<8x2xf32>
    %exp3A_447 = math.exp %sub3A_446 : vector<8x2xf32>
    %add3A_448 = arith.addf %exp3A_443, %exp3A_445 : vector<8x2xf32>
    %add3A_449 = arith.addf %add3A_448, %exp3A_447 : vector<8x2xf32>
    %add3A_450 = arith.constant 9.99999971E-10 : f32
    %add3A_451 = vector.broadcast %add3A_450 : f32 to vector<8x2xf32>
    %add3A_452 = arith.addf %add3A_449, %add3A_451 : vector<8x2xf32>
    %div3A_453 = arith.divf %exp3A_443, %add3A_452 : vector<8x2xf32>
    %dot_general3A_454 = arith.constant dense<0.000000e+00> : vector<8x128xf32>
    %dot_general3A_455 = tpu.matmul %div3A_453, %get3A_4, %dot_general3A_454 {dimension_numbers = #tpu.dot_dimension_numbers<[1], [0], [0], [1], [0, 0, 1, 1], [], []>, transpose_lhs_hint = false} : vector<8x2xf32>, vector<2x128xf32>, vector<8x128xf32> -> vector<8x128xf32>
    %div3A_456 = arith.divf %exp3A_445, %add3A_452 : vector<8x2xf32>
    %dot_general3A_457 = arith.constant dense<0.000000e+00> : vector<8x128xf32>
    %dot_general3A_458 = tpu.matmul %div3A_456, %get3A_4, %dot_general3A_457 {dimension_numbers = #tpu.dot_dimension_numbers<[1], [0], [0], [1], [0, 0, 1, 1], [], []>, transpose_lhs_hint = false} : vector<8x2xf32>, vector<2x128xf32>, vector<8x128xf32> -> vector<8x128xf32>
    %div3A_459 = arith.divf %exp3A_447, %add3A_452 : vector<8x2xf32>
    %dot_general3A_460 = arith.constant dense<0.000000e+00> : vector<8x128xf32>
    %dot_general3A_461 = tpu.matmul %div3A_459, %get3A_4, %dot_general3A_460 {dimension_numbers = #tpu.dot_dimension_numbers<[1], [0], [0], [1], [0, 0, 1, 1], [], []>, transpose_lhs_hint = false} : vector<8x2xf32>, vector<2x128xf32>, vector<8x128xf32> -> vector<8x128xf32>
    %mul3A_462 = arith.mulf %dot_general3A_455, %mul3A_417 : vector<8x128xf32>
    %mul3A_463 = arith.mulf %dot_general3A_458, %squeeze3A_402 : vector<8x128xf32>
    %add3A_464 = arith.addf %mul3A_462, %mul3A_463 : vector<8x128xf32>
    %mul3A_465 = arith.mulf %dot_general3A_461, %squeeze3A_404 : vector<8x128xf32>
    %add3A_466 = arith.addf %add3A_464, %mul3A_465 : vector<8x128xf32>
    %mul3A_467 = arith.mulf %dot_general3A_455, %mul3A_421 : vector<8x128xf32>
    %mul3A_468 = arith.mulf %dot_general3A_458, %squeeze3A_407 : vector<8x128xf32>
    %add3A_469 = arith.addf %mul3A_467, %mul3A_468 : vector<8x128xf32>
    %mul3A_470 = arith.mulf %dot_general3A_461, %squeeze3A_409 : vector<8x128xf32>
    %add3A_471 = arith.addf %add3A_469, %mul3A_470 : vector<8x128xf32>
    %reshape3A_472 = vector.shape_cast %mul3A_413 : vector<8x128xf32> to vector<4x2x128xf32>
    %slice3A_473 = vector.extract_strided_slice %reshape3A_472 {offsets = [0, 0, 0], sizes = [4, 1, 128], strides = [1, 1, 1]} : vector<4x2x128xf32> to vector<4x1x128xf32>
    %squeeze3A_474 = vector.shape_cast %slice3A_473 : vector<4x1x128xf32> to vector<4x128xf32>
    %slice3A_475 = vector.extract_strided_slice %reshape3A_472 {offsets = [0, 1, 0], sizes = [4, 1, 128], strides = [1, 1, 1]} : vector<4x2x128xf32> to vector<4x1x128xf32>
    %squeeze3A_476 = vector.shape_cast %slice3A_475 : vector<4x1x128xf32> to vector<4x128xf32>
    %reshape3A_477 = vector.shape_cast %add3A_466 : vector<8x128xf32> to vector<4x2x128xf32>
    %slice3A_478 = vector.extract_strided_slice %reshape3A_477 {offsets = [0, 0, 0], sizes = [4, 1, 128], strides = [1, 1, 1]} : vector<4x2x128xf32> to vector<4x1x128xf32>
    %squeeze3A_479 = vector.shape_cast %slice3A_478 : vector<4x1x128xf32> to vector<4x128xf32>
    %slice3A_480 = vector.extract_strided_slice %reshape3A_477 {offsets = [0, 1, 0], sizes = [4, 1, 128], strides = [1, 1, 1]} : vector<4x2x128xf32> to vector<4x1x128xf32>
    %squeeze3A_481 = vector.shape_cast %slice3A_480 : vector<4x1x128xf32> to vector<4x128xf32>
    %reshape3A_482 = vector.shape_cast %add3A_471 : vector<8x128xf32> to vector<4x2x128xf32>
    %slice3A_483 = vector.extract_strided_slice %reshape3A_482 {offsets = [0, 0, 0], sizes = [4, 1, 128], strides = [1, 1, 1]} : vector<4x2x128xf32> to vector<4x1x128xf32>
    %squeeze3A_484 = vector.shape_cast %slice3A_483 : vector<4x1x128xf32> to vector<4x128xf32>
    %slice3A_485 = vector.extract_strided_slice %reshape3A_482 {offsets = [0, 1, 0], sizes = [4, 1, 128], strides = [1, 1, 1]} : vector<4x2x128xf32> to vector<4x1x128xf32>
    %squeeze3A_486 = vector.shape_cast %slice3A_485 : vector<4x1x128xf32> to vector<4x128xf32>
    %add3A_487 = arith.addf %squeeze3A_474, %squeeze3A_476 : vector<4x128xf32>
    %mul3A_488 = arith.constant 5.000000e-01 : f32
    %mul3A_489 = vector.broadcast %mul3A_488 : f32 to vector<4x128xf32>
    %mul3A_490 = arith.mulf %mul3A_489, %add3A_487 : vector<4x128xf32>
    %add3A_491 = arith.addf %squeeze3A_479, %squeeze3A_481 : vector<4x128xf32>
    %mul3A_492 = arith.constant 5.000000e-01 : f32
    %mul3A_493 = vector.broadcast %mul3A_492 : f32 to vector<4x128xf32>
    %mul3A_494 = arith.mulf %mul3A_493, %add3A_491 : vector<4x128xf32>
    %add3A_495 = arith.addf %squeeze3A_484, %squeeze3A_486 : vector<4x128xf32>
    %mul3A_496 = arith.constant 5.000000e-01 : f32
    %mul3A_497 = vector.broadcast %mul3A_496 : f32 to vector<4x128xf32>
    %mul3A_498 = arith.mulf %mul3A_497, %add3A_495 : vector<4x128xf32>
    %mul3A_499 = arith.mulf %mul3A_490, %mul3A_494 : vector<4x128xf32>
    %dot_general3A_500 = arith.constant dense<0.000000e+00> : vector<4x2xf32>
    %dot_general3A_501 = tpu.matmul %mul3A_499, %get3A_1, %dot_general3A_500 {dimension_numbers = #tpu.dot_dimension_numbers<[1], [0], [0], [1], [0, 0, 1, 1], [], []>, transpose_lhs_hint = false} : vector<4x128xf32>, vector<128x2xf32>, vector<4x2xf32> -> vector<4x2xf32>
    %mul3A_502 = arith.constant 1.250000e-01 : f32
    %mul3A_503 = vector.broadcast %mul3A_502 : f32 to vector<4x2xf32>
    %mul3A_504 = arith.mulf %dot_general3A_501, %mul3A_503 : vector<4x2xf32>
    %mul3A_505 = arith.mulf %mul3A_490, %squeeze3A_479 : vector<4x128xf32>
    %dot_general3A_506 = arith.constant dense<0.000000e+00> : vector<4x2xf32>
    %dot_general3A_507 = tpu.matmul %mul3A_505, %get3A_1, %dot_general3A_506 {dimension_numbers = #tpu.dot_dimension_numbers<[1], [0], [0], [1], [0, 0, 1, 1], [], []>, transpose_lhs_hint = false} : vector<4x128xf32>, vector<128x2xf32>, vector<4x2xf32> -> vector<4x2xf32>
    %mul3A_508 = arith.constant 1.250000e-01 : f32
    %mul3A_509 = vector.broadcast %mul3A_508 : f32 to vector<4x2xf32>
    %mul3A_510 = arith.mulf %dot_general3A_507, %mul3A_509 : vector<4x2xf32>
    %mul3A_511 = arith.mulf %mul3A_490, %squeeze3A_481 : vector<4x128xf32>
    %dot_general3A_512 = arith.constant dense<0.000000e+00> : vector<4x2xf32>
    %dot_general3A_513 = tpu.matmul %mul3A_511, %get3A_1, %dot_general3A_512 {dimension_numbers = #tpu.dot_dimension_numbers<[1], [0], [0], [1], [0, 0, 1, 1], [], []>, transpose_lhs_hint = false} : vector<4x128xf32>, vector<128x2xf32>, vector<4x2xf32> -> vector<4x2xf32>
    %mul3A_514 = arith.constant 1.250000e-01 : f32
    %mul3A_515 = vector.broadcast %mul3A_514 : f32 to vector<4x2xf32>
    %mul3A_516 = arith.mulf %dot_general3A_513, %mul3A_515 : vector<4x2xf32>
    %max3A_517 = arith.maximumf %mul3A_510, %mul3A_516 : vector<4x2xf32>
    %max3A_518 = arith.maximumf %mul3A_504, %max3A_517 : vector<4x2xf32>
    %sub3A_519 = arith.subf %mul3A_504, %max3A_518 : vector<4x2xf32>
    %exp3A_520 = math.exp %sub3A_519 : vector<4x2xf32>
    %sub3A_521 = arith.subf %mul3A_510, %max3A_518 : vector<4x2xf32>
    %exp3A_522 = math.exp %sub3A_521 : vector<4x2xf32>
    %sub3A_523 = arith.subf %mul3A_516, %max3A_518 : vector<4x2xf32>
    %exp3A_524 = math.exp %sub3A_523 : vector<4x2xf32>
    %add3A_525 = arith.addf %exp3A_520, %exp3A_522 : vector<4x2xf32>
    %add3A_526 = arith.addf %add3A_525, %exp3A_524 : vector<4x2xf32>
    %add3A_527 = arith.constant 9.99999971E-10 : f32
    %add3A_528 = vector.broadcast %add3A_527 : f32 to vector<4x2xf32>
    %add3A_529 = arith.addf %add3A_526, %add3A_528 : vector<4x2xf32>
    %div3A_530 = arith.divf %exp3A_520, %add3A_529 : vector<4x2xf32>
    %dot_general3A_531 = arith.constant dense<0.000000e+00> : vector<4x128xf32>
    %dot_general3A_532 = tpu.matmul %div3A_530, %get3A_4, %dot_general3A_531 {dimension_numbers = #tpu.dot_dimension_numbers<[1], [0], [0], [1], [0, 0, 1, 1], [], []>, transpose_lhs_hint = false} : vector<4x2xf32>, vector<2x128xf32>, vector<4x128xf32> -> vector<4x128xf32>
    %div3A_533 = arith.divf %exp3A_522, %add3A_529 : vector<4x2xf32>
    %dot_general3A_534 = arith.constant dense<0.000000e+00> : vector<4x128xf32>
    %dot_general3A_535 = tpu.matmul %div3A_533, %get3A_4, %dot_general3A_534 {dimension_numbers = #tpu.dot_dimension_numbers<[1], [0], [0], [1], [0, 0, 1, 1], [], []>, transpose_lhs_hint = false} : vector<4x2xf32>, vector<2x128xf32>, vector<4x128xf32> -> vector<4x128xf32>
    %div3A_536 = arith.divf %exp3A_524, %add3A_529 : vector<4x2xf32>
    %dot_general3A_537 = arith.constant dense<0.000000e+00> : vector<4x128xf32>
    %dot_general3A_538 = tpu.matmul %div3A_536, %get3A_4, %dot_general3A_537 {dimension_numbers = #tpu.dot_dimension_numbers<[1], [0], [0], [1], [0, 0, 1, 1], [], []>, transpose_lhs_hint = false} : vector<4x2xf32>, vector<2x128xf32>, vector<4x128xf32> -> vector<4x128xf32>
    %mul3A_539 = arith.mulf %dot_general3A_532, %mul3A_494 : vector<4x128xf32>
    %mul3A_540 = arith.mulf %dot_general3A_535, %squeeze3A_479 : vector<4x128xf32>
    %add3A_541 = arith.addf %mul3A_539, %mul3A_540 : vector<4x128xf32>
    %mul3A_542 = arith.mulf %dot_general3A_538, %squeeze3A_481 : vector<4x128xf32>
    %add3A_543 = arith.addf %add3A_541, %mul3A_542 : vector<4x128xf32>
    %mul3A_544 = arith.mulf %dot_general3A_532, %mul3A_498 : vector<4x128xf32>
    %mul3A_545 = arith.mulf %dot_general3A_535, %squeeze3A_484 : vector<4x128xf32>
    %add3A_546 = arith.addf %mul3A_544, %mul3A_545 : vector<4x128xf32>
    %mul3A_547 = arith.mulf %dot_general3A_538, %squeeze3A_486 : vector<4x128xf32>
    %add3A_548 = arith.addf %add3A_546, %mul3A_547 : vector<4x128xf32>
    %reshape3A_549 = vector.shape_cast %mul3A_490 : vector<4x128xf32> to vector<2x2x128xf32>
    %slice3A_550 = vector.extract_strided_slice %reshape3A_549 {offsets = [0, 0, 0], sizes = [2, 1, 128], strides = [1, 1, 1]} : vector<2x2x128xf32> to vector<2x1x128xf32>
    %squeeze3A_551 = vector.shape_cast %slice3A_550 : vector<2x1x128xf32> to vector<2x128xf32>
    %slice3A_552 = vector.extract_strided_slice %reshape3A_549 {offsets = [0, 1, 0], sizes = [2, 1, 128], strides = [1, 1, 1]} : vector<2x2x128xf32> to vector<2x1x128xf32>
    %squeeze3A_553 = vector.shape_cast %slice3A_552 : vector<2x1x128xf32> to vector<2x128xf32>
    %reshape3A_554 = vector.shape_cast %add3A_543 : vector<4x128xf32> to vector<2x2x128xf32>
    %slice3A_555 = vector.extract_strided_slice %reshape3A_554 {offsets = [0, 0, 0], sizes = [2, 1, 128], strides = [1, 1, 1]} : vector<2x2x128xf32> to vector<2x1x128xf32>
    %squeeze3A_556 = vector.shape_cast %slice3A_555 : vector<2x1x128xf32> to vector<2x128xf32>
    %slice3A_557 = vector.extract_strided_slice %reshape3A_554 {offsets = [0, 1, 0], sizes = [2, 1, 128], strides = [1, 1, 1]} : vector<2x2x128xf32> to vector<2x1x128xf32>
    %squeeze3A_558 = vector.shape_cast %slice3A_557 : vector<2x1x128xf32> to vector<2x128xf32>
    %reshape3A_559 = vector.shape_cast %add3A_548 : vector<4x128xf32> to vector<2x2x128xf32>
    %slice3A_560 = vector.extract_strided_slice %reshape3A_559 {offsets = [0, 0, 0], sizes = [2, 1, 128], strides = [1, 1, 1]} : vector<2x2x128xf32> to vector<2x1x128xf32>
    %squeeze3A_561 = vector.shape_cast %slice3A_560 : vector<2x1x128xf32> to vector<2x128xf32>
    %slice3A_562 = vector.extract_strided_slice %reshape3A_559 {offsets = [0, 1, 0], sizes = [2, 1, 128], strides = [1, 1, 1]} : vector<2x2x128xf32> to vector<2x1x128xf32>
    %squeeze3A_563 = vector.shape_cast %slice3A_562 : vector<2x1x128xf32> to vector<2x128xf32>
    %add3A_564 = arith.addf %squeeze3A_551, %squeeze3A_553 : vector<2x128xf32>
    %mul3A_565 = arith.constant 5.000000e-01 : f32
    %mul3A_566 = vector.broadcast %mul3A_565 : f32 to vector<2x128xf32>
    %mul3A_567 = arith.mulf %mul3A_566, %add3A_564 : vector<2x128xf32>
    %add3A_568 = arith.addf %squeeze3A_556, %squeeze3A_558 : vector<2x128xf32>
    %mul3A_569 = arith.constant 5.000000e-01 : f32
    %mul3A_570 = vector.broadcast %mul3A_569 : f32 to vector<2x128xf32>
    %mul3A_571 = arith.mulf %mul3A_570, %add3A_568 : vector<2x128xf32>
    %add3A_572 = arith.addf %squeeze3A_561, %squeeze3A_563 : vector<2x128xf32>
    %mul3A_573 = arith.constant 5.000000e-01 : f32
    %mul3A_574 = vector.broadcast %mul3A_573 : f32 to vector<2x128xf32>
    %mul3A_575 = arith.mulf %mul3A_574, %add3A_572 : vector<2x128xf32>
    %mul3A_576 = arith.mulf %mul3A_567, %mul3A_571 : vector<2x128xf32>
    %dot_general3A_577 = arith.constant dense<0.000000e+00> : vector<2x2xf32>
    %dot_general3A_578 = tpu.matmul %mul3A_576, %get3A_1, %dot_general3A_577 {dimension_numbers = #tpu.dot_dimension_numbers<[1], [0], [0], [1], [0, 0, 1, 1], [], []>, transpose_lhs_hint = false} : vector<2x128xf32>, vector<128x2xf32>, vector<2x2xf32> -> vector<2x2xf32>
    %mul3A_579 = arith.constant 1.250000e-01 : f32
    %mul3A_580 = vector.broadcast %mul3A_579 : f32 to vector<2x2xf32>
    %mul3A_581 = arith.mulf %dot_general3A_578, %mul3A_580 : vector<2x2xf32>
    %mul3A_582 = arith.mulf %mul3A_567, %squeeze3A_556 : vector<2x128xf32>
    %dot_general3A_583 = arith.constant dense<0.000000e+00> : vector<2x2xf32>
    %dot_general3A_584 = tpu.matmul %mul3A_582, %get3A_1, %dot_general3A_583 {dimension_numbers = #tpu.dot_dimension_numbers<[1], [0], [0], [1], [0, 0, 1, 1], [], []>, transpose_lhs_hint = false} : vector<2x128xf32>, vector<128x2xf32>, vector<2x2xf32> -> vector<2x2xf32>
    %mul3A_585 = arith.constant 1.250000e-01 : f32
    %mul3A_586 = vector.broadcast %mul3A_585 : f32 to vector<2x2xf32>
    %mul3A_587 = arith.mulf %dot_general3A_584, %mul3A_586 : vector<2x2xf32>
    %mul3A_588 = arith.mulf %mul3A_567, %squeeze3A_558 : vector<2x128xf32>
    %dot_general3A_589 = arith.constant dense<0.000000e+00> : vector<2x2xf32>
    %dot_general3A_590 = tpu.matmul %mul3A_588, %get3A_1, %dot_general3A_589 {dimension_numbers = #tpu.dot_dimension_numbers<[1], [0], [0], [1], [0, 0, 1, 1], [], []>, transpose_lhs_hint = false} : vector<2x128xf32>, vector<128x2xf32>, vector<2x2xf32> -> vector<2x2xf32>
    %mul3A_591 = arith.constant 1.250000e-01 : f32
    %mul3A_592 = vector.broadcast %mul3A_591 : f32 to vector<2x2xf32>
    %mul3A_593 = arith.mulf %dot_general3A_590, %mul3A_592 : vector<2x2xf32>
    %max3A_594 = arith.maximumf %mul3A_587, %mul3A_593 : vector<2x2xf32>
    %max3A_595 = arith.maximumf %mul3A_581, %max3A_594 : vector<2x2xf32>
    %sub3A_596 = arith.subf %mul3A_581, %max3A_595 : vector<2x2xf32>
    %exp3A_597 = math.exp %sub3A_596 : vector<2x2xf32>
    %sub3A_598 = arith.subf %mul3A_587, %max3A_595 : vector<2x2xf32>
    %exp3A_599 = math.exp %sub3A_598 : vector<2x2xf32>
    %sub3A_600 = arith.subf %mul3A_593, %max3A_595 : vector<2x2xf32>
    %exp3A_601 = math.exp %sub3A_600 : vector<2x2xf32>
    %add3A_602 = arith.addf %exp3A_597, %exp3A_599 : vector<2x2xf32>
    %add3A_603 = arith.addf %add3A_602, %exp3A_601 : vector<2x2xf32>
    %add3A_604 = arith.constant 9.99999971E-10 : f32
    %add3A_605 = vector.broadcast %add3A_604 : f32 to vector<2x2xf32>
    %add3A_606 = arith.addf %add3A_603, %add3A_605 : vector<2x2xf32>
    %div3A_607 = arith.divf %exp3A_597, %add3A_606 : vector<2x2xf32>
    %dot_general3A_608 = arith.constant dense<0.000000e+00> : vector<2x128xf32>
    %dot_general3A_609 = tpu.matmul %div3A_607, %get3A_4, %dot_general3A_608 {dimension_numbers = #tpu.dot_dimension_numbers<[1], [0], [0], [1], [0, 0, 1, 1], [], []>, transpose_lhs_hint = false} : vector<2x2xf32>, vector<2x128xf32>, vector<2x128xf32> -> vector<2x128xf32>
    %div3A_610 = arith.divf %exp3A_599, %add3A_606 : vector<2x2xf32>
    %dot_general3A_611 = arith.constant dense<0.000000e+00> : vector<2x128xf32>
    %dot_general3A_612 = tpu.matmul %div3A_610, %get3A_4, %dot_general3A_611 {dimension_numbers = #tpu.dot_dimension_numbers<[1], [0], [0], [1], [0, 0, 1, 1], [], []>, transpose_lhs_hint = false} : vector<2x2xf32>, vector<2x128xf32>, vector<2x128xf32> -> vector<2x128xf32>
    %div3A_613 = arith.divf %exp3A_601, %add3A_606 : vector<2x2xf32>
    %dot_general3A_614 = arith.constant dense<0.000000e+00> : vector<2x128xf32>
    %dot_general3A_615 = tpu.matmul %div3A_613, %get3A_4, %dot_general3A_614 {dimension_numbers = #tpu.dot_dimension_numbers<[1], [0], [0], [1], [0, 0, 1, 1], [], []>, transpose_lhs_hint = false} : vector<2x2xf32>, vector<2x128xf32>, vector<2x128xf32> -> vector<2x128xf32>
    %mul3A_616 = arith.mulf %dot_general3A_609, %mul3A_571 : vector<2x128xf32>
    %mul3A_617 = arith.mulf %dot_general3A_612, %squeeze3A_556 : vector<2x128xf32>
    %add3A_618 = arith.addf %mul3A_616, %mul3A_617 : vector<2x128xf32>
    %mul3A_619 = arith.mulf %dot_general3A_615, %squeeze3A_558 : vector<2x128xf32>
    %add3A_620 = arith.addf %add3A_618, %mul3A_619 : vector<2x128xf32>
    %mul3A_621 = arith.mulf %dot_general3A_609, %mul3A_575 : vector<2x128xf32>
    %mul3A_622 = arith.mulf %dot_general3A_612, %squeeze3A_561 : vector<2x128xf32>
    %add3A_623 = arith.addf %mul3A_621, %mul3A_622 : vector<2x128xf32>
    %mul3A_624 = arith.mulf %dot_general3A_615, %squeeze3A_563 : vector<2x128xf32>
    %add3A_625 = arith.addf %add3A_623, %mul3A_624 : vector<2x128xf32>
    %get3A_626 = arith.constant 0 : index
    %get3A_627 = arith.constant 0 : index
    %get3A_628 = arith.constant 0 : index
    %get3A_629 = arith.constant 0 : index
    %get3A_630 = vector.load %arg9[%get3A_626, %get3A_627, %get3A_628, %get3A_629] : memref<1x1x8x128xf32, #tpu.memory_space<vmem>>, vector<1x1x8x128xf32>
    %get3A_631 = vector.shape_cast %get3A_630 : vector<1x1x8x128xf32> to vector<8x128xf32>
    %get3A_632 = arith.constant 0 : index
    %get3A_633 = arith.constant 0 : index
    %get3A_634 = arith.constant 0 : index
    %get3A_635 = arith.constant 0 : index
    %get3A_636 = vector.load %arg10[%get3A_632, %get3A_633, %get3A_634, %get3A_635] : memref<1x1x8x128xf32, #tpu.memory_space<vmem>>, vector<1x1x8x128xf32>
    %get3A_637 = vector.shape_cast %get3A_636 : vector<1x1x8x128xf32> to vector<8x128xf32>
    %get3A_638 = arith.constant 0 : index
    %get3A_639 = arith.constant 0 : index
    %get3A_640 = arith.constant 0 : index
    %get3A_641 = arith.constant 0 : index
    %get3A_642 = vector.load %arg11[%get3A_638, %get3A_639, %get3A_640, %get3A_641] : memref<1x1x8x128xf32, #tpu.memory_space<vmem>>, vector<1x1x8x128xf32>
    %get3A_643 = vector.shape_cast %get3A_642 : vector<1x1x8x128xf32> to vector<8x128xf32>
    %reshape3A_644 = vector.shape_cast %get3A_631 : vector<8x128xf32> to vector<4x2x128xf32>
    %slice3A_645 = vector.extract_strided_slice %reshape3A_644 {offsets = [0, 0, 0], sizes = [4, 1, 128], strides = [1, 1, 1]} : vector<4x2x128xf32> to vector<4x1x128xf32>
    %squeeze3A_646 = vector.shape_cast %slice3A_645 : vector<4x1x128xf32> to vector<4x128xf32>
    %slice3A_647 = vector.extract_strided_slice %reshape3A_644 {offsets = [0, 1, 0], sizes = [4, 1, 128], strides = [1, 1, 1]} : vector<4x2x128xf32> to vector<4x1x128xf32>
    %squeeze3A_648 = vector.shape_cast %slice3A_647 : vector<4x1x128xf32> to vector<4x128xf32>
    %reshape3A_649 = vector.shape_cast %get3A_637 : vector<8x128xf32> to vector<4x2x128xf32>
    %slice3A_650 = vector.extract_strided_slice %reshape3A_649 {offsets = [0, 0, 0], sizes = [4, 1, 128], strides = [1, 1, 1]} : vector<4x2x128xf32> to vector<4x1x128xf32>
    %squeeze3A_651 = vector.shape_cast %slice3A_650 : vector<4x1x128xf32> to vector<4x128xf32>
    %slice3A_652 = vector.extract_strided_slice %reshape3A_649 {offsets = [0, 1, 0], sizes = [4, 1, 128], strides = [1, 1, 1]} : vector<4x2x128xf32> to vector<4x1x128xf32>
    %squeeze3A_653 = vector.shape_cast %slice3A_652 : vector<4x1x128xf32> to vector<4x128xf32>
    %reshape3A_654 = vector.shape_cast %get3A_643 : vector<8x128xf32> to vector<4x2x128xf32>
    %slice3A_655 = vector.extract_strided_slice %reshape3A_654 {offsets = [0, 0, 0], sizes = [4, 1, 128], strides = [1, 1, 1]} : vector<4x2x128xf32> to vector<4x1x128xf32>
    %squeeze3A_656 = vector.shape_cast %slice3A_655 : vector<4x1x128xf32> to vector<4x128xf32>
    %slice3A_657 = vector.extract_strided_slice %reshape3A_654 {offsets = [0, 1, 0], sizes = [4, 1, 128], strides = [1, 1, 1]} : vector<4x2x128xf32> to vector<4x1x128xf32>
    %squeeze3A_658 = vector.shape_cast %slice3A_657 : vector<4x1x128xf32> to vector<4x128xf32>
    %add3A_659 = arith.addf %squeeze3A_646, %squeeze3A_648 : vector<4x128xf32>
    %mul3A_660 = arith.constant 5.000000e-01 : f32
    %mul3A_661 = vector.broadcast %mul3A_660 : f32 to vector<4x128xf32>
    %mul3A_662 = arith.mulf %mul3A_661, %add3A_659 : vector<4x128xf32>
    %add3A_663 = arith.addf %squeeze3A_651, %squeeze3A_653 : vector<4x128xf32>
    %mul3A_664 = arith.constant 5.000000e-01 : f32
    %mul3A_665 = vector.broadcast %mul3A_664 : f32 to vector<4x128xf32>
    %mul3A_666 = arith.mulf %mul3A_665, %add3A_663 : vector<4x128xf32>
    %add3A_667 = arith.addf %squeeze3A_656, %squeeze3A_658 : vector<4x128xf32>
    %mul3A_668 = arith.constant 5.000000e-01 : f32
    %mul3A_669 = vector.broadcast %mul3A_668 : f32 to vector<4x128xf32>
    %mul3A_670 = arith.mulf %mul3A_669, %add3A_667 : vector<4x128xf32>
    %mul3A_671 = arith.mulf %mul3A_662, %mul3A_666 : vector<4x128xf32>
    %dot_general3A_672 = arith.constant dense<0.000000e+00> : vector<4x2xf32>
    %dot_general3A_673 = tpu.matmul %mul3A_671, %get3A_1, %dot_general3A_672 {dimension_numbers = #tpu.dot_dimension_numbers<[1], [0], [0], [1], [0, 0, 1, 1], [], []>, transpose_lhs_hint = false} : vector<4x128xf32>, vector<128x2xf32>, vector<4x2xf32> -> vector<4x2xf32>
    %mul3A_674 = arith.constant 1.250000e-01 : f32
    %mul3A_675 = vector.broadcast %mul3A_674 : f32 to vector<4x2xf32>
    %mul3A_676 = arith.mulf %dot_general3A_673, %mul3A_675 : vector<4x2xf32>
    %mul3A_677 = arith.mulf %mul3A_662, %squeeze3A_651 : vector<4x128xf32>
    %dot_general3A_678 = arith.constant dense<0.000000e+00> : vector<4x2xf32>
    %dot_general3A_679 = tpu.matmul %mul3A_677, %get3A_1, %dot_general3A_678 {dimension_numbers = #tpu.dot_dimension_numbers<[1], [0], [0], [1], [0, 0, 1, 1], [], []>, transpose_lhs_hint = false} : vector<4x128xf32>, vector<128x2xf32>, vector<4x2xf32> -> vector<4x2xf32>
    %mul3A_680 = arith.constant 1.250000e-01 : f32
    %mul3A_681 = vector.broadcast %mul3A_680 : f32 to vector<4x2xf32>
    %mul3A_682 = arith.mulf %dot_general3A_679, %mul3A_681 : vector<4x2xf32>
    %mul3A_683 = arith.mulf %mul3A_662, %squeeze3A_653 : vector<4x128xf32>
    %dot_general3A_684 = arith.constant dense<0.000000e+00> : vector<4x2xf32>
    %dot_general3A_685 = tpu.matmul %mul3A_683, %get3A_1, %dot_general3A_684 {dimension_numbers = #tpu.dot_dimension_numbers<[1], [0], [0], [1], [0, 0, 1, 1], [], []>, transpose_lhs_hint = false} : vector<4x128xf32>, vector<128x2xf32>, vector<4x2xf32> -> vector<4x2xf32>
    %mul3A_686 = arith.constant 1.250000e-01 : f32
    %mul3A_687 = vector.broadcast %mul3A_686 : f32 to vector<4x2xf32>
    %mul3A_688 = arith.mulf %dot_general3A_685, %mul3A_687 : vector<4x2xf32>
    %max3A_689 = arith.maximumf %mul3A_682, %mul3A_688 : vector<4x2xf32>
    %max3A_690 = arith.maximumf %mul3A_676, %max3A_689 : vector<4x2xf32>
    %sub3A_691 = arith.subf %mul3A_676, %max3A_690 : vector<4x2xf32>
    %exp3A_692 = math.exp %sub3A_691 : vector<4x2xf32>
    %sub3A_693 = arith.subf %mul3A_682, %max3A_690 : vector<4x2xf32>
    %exp3A_694 = math.exp %sub3A_693 : vector<4x2xf32>
    %sub3A_695 = arith.subf %mul3A_688, %max3A_690 : vector<4x2xf32>
    %exp3A_696 = math.exp %sub3A_695 : vector<4x2xf32>
    %add3A_697 = arith.addf %exp3A_692, %exp3A_694 : vector<4x2xf32>
    %add3A_698 = arith.addf %add3A_697, %exp3A_696 : vector<4x2xf32>
    %add3A_699 = arith.constant 9.99999971E-10 : f32
    %add3A_700 = vector.broadcast %add3A_699 : f32 to vector<4x2xf32>
    %add3A_701 = arith.addf %add3A_698, %add3A_700 : vector<4x2xf32>
    %div3A_702 = arith.divf %exp3A_692, %add3A_701 : vector<4x2xf32>
    %dot_general3A_703 = arith.constant dense<0.000000e+00> : vector<4x128xf32>
    %dot_general3A_704 = tpu.matmul %div3A_702, %get3A_4, %dot_general3A_703 {dimension_numbers = #tpu.dot_dimension_numbers<[1], [0], [0], [1], [0, 0, 1, 1], [], []>, transpose_lhs_hint = false} : vector<4x2xf32>, vector<2x128xf32>, vector<4x128xf32> -> vector<4x128xf32>
    %div3A_705 = arith.divf %exp3A_694, %add3A_701 : vector<4x2xf32>
    %dot_general3A_706 = arith.constant dense<0.000000e+00> : vector<4x128xf32>
    %dot_general3A_707 = tpu.matmul %div3A_705, %get3A_4, %dot_general3A_706 {dimension_numbers = #tpu.dot_dimension_numbers<[1], [0], [0], [1], [0, 0, 1, 1], [], []>, transpose_lhs_hint = false} : vector<4x2xf32>, vector<2x128xf32>, vector<4x128xf32> -> vector<4x128xf32>
    %div3A_708 = arith.divf %exp3A_696, %add3A_701 : vector<4x2xf32>
    %dot_general3A_709 = arith.constant dense<0.000000e+00> : vector<4x128xf32>
    %dot_general3A_710 = tpu.matmul %div3A_708, %get3A_4, %dot_general3A_709 {dimension_numbers = #tpu.dot_dimension_numbers<[1], [0], [0], [1], [0, 0, 1, 1], [], []>, transpose_lhs_hint = false} : vector<4x2xf32>, vector<2x128xf32>, vector<4x128xf32> -> vector<4x128xf32>
    %mul3A_711 = arith.mulf %dot_general3A_704, %mul3A_666 : vector<4x128xf32>
    %mul3A_712 = arith.mulf %dot_general3A_707, %squeeze3A_651 : vector<4x128xf32>
    %add3A_713 = arith.addf %mul3A_711, %mul3A_712 : vector<4x128xf32>
    %mul3A_714 = arith.mulf %dot_general3A_710, %squeeze3A_653 : vector<4x128xf32>
    %add3A_715 = arith.addf %add3A_713, %mul3A_714 : vector<4x128xf32>
    %mul3A_716 = arith.mulf %dot_general3A_704, %mul3A_670 : vector<4x128xf32>
    %mul3A_717 = arith.mulf %dot_general3A_707, %squeeze3A_656 : vector<4x128xf32>
    %add3A_718 = arith.addf %mul3A_716, %mul3A_717 : vector<4x128xf32>
    %mul3A_719 = arith.mulf %dot_general3A_710, %squeeze3A_658 : vector<4x128xf32>
    %add3A_720 = arith.addf %add3A_718, %mul3A_719 : vector<4x128xf32>
    %reshape3A_721 = vector.shape_cast %mul3A_662 : vector<4x128xf32> to vector<2x2x128xf32>
    %slice3A_722 = vector.extract_strided_slice %reshape3A_721 {offsets = [0, 0, 0], sizes = [2, 1, 128], strides = [1, 1, 1]} : vector<2x2x128xf32> to vector<2x1x128xf32>
    %squeeze3A_723 = vector.shape_cast %slice3A_722 : vector<2x1x128xf32> to vector<2x128xf32>
    %slice3A_724 = vector.extract_strided_slice %reshape3A_721 {offsets = [0, 1, 0], sizes = [2, 1, 128], strides = [1, 1, 1]} : vector<2x2x128xf32> to vector<2x1x128xf32>
    %squeeze3A_725 = vector.shape_cast %slice3A_724 : vector<2x1x128xf32> to vector<2x128xf32>
    %reshape3A_726 = vector.shape_cast %add3A_715 : vector<4x128xf32> to vector<2x2x128xf32>
    %slice3A_727 = vector.extract_strided_slice %reshape3A_726 {offsets = [0, 0, 0], sizes = [2, 1, 128], strides = [1, 1, 1]} : vector<2x2x128xf32> to vector<2x1x128xf32>
    %squeeze3A_728 = vector.shape_cast %slice3A_727 : vector<2x1x128xf32> to vector<2x128xf32>
    %slice3A_729 = vector.extract_strided_slice %reshape3A_726 {offsets = [0, 1, 0], sizes = [2, 1, 128], strides = [1, 1, 1]} : vector<2x2x128xf32> to vector<2x1x128xf32>
    %squeeze3A_730 = vector.shape_cast %slice3A_729 : vector<2x1x128xf32> to vector<2x128xf32>
    %reshape3A_731 = vector.shape_cast %add3A_720 : vector<4x128xf32> to vector<2x2x128xf32>
    %slice3A_732 = vector.extract_strided_slice %reshape3A_731 {offsets = [0, 0, 0], sizes = [2, 1, 128], strides = [1, 1, 1]} : vector<2x2x128xf32> to vector<2x1x128xf32>
    %squeeze3A_733 = vector.shape_cast %slice3A_732 : vector<2x1x128xf32> to vector<2x128xf32>
    %slice3A_734 = vector.extract_strided_slice %reshape3A_731 {offsets = [0, 1, 0], sizes = [2, 1, 128], strides = [1, 1, 1]} : vector<2x2x128xf32> to vector<2x1x128xf32>
    %squeeze3A_735 = vector.shape_cast %slice3A_734 : vector<2x1x128xf32> to vector<2x128xf32>
    %add3A_736 = arith.addf %squeeze3A_723, %squeeze3A_725 : vector<2x128xf32>
    %mul3A_737 = arith.constant 5.000000e-01 : f32
    %mul3A_738 = vector.broadcast %mul3A_737 : f32 to vector<2x128xf32>
    %mul3A_739 = arith.mulf %mul3A_738, %add3A_736 : vector<2x128xf32>
    %add3A_740 = arith.addf %squeeze3A_728, %squeeze3A_730 : vector<2x128xf32>
    %mul3A_741 = arith.constant 5.000000e-01 : f32
    %mul3A_742 = vector.broadcast %mul3A_741 : f32 to vector<2x128xf32>
    %mul3A_743 = arith.mulf %mul3A_742, %add3A_740 : vector<2x128xf32>
    %add3A_744 = arith.addf %squeeze3A_733, %squeeze3A_735 : vector<2x128xf32>
    %mul3A_745 = arith.constant 5.000000e-01 : f32
    %mul3A_746 = vector.broadcast %mul3A_745 : f32 to vector<2x128xf32>
    %mul3A_747 = arith.mulf %mul3A_746, %add3A_744 : vector<2x128xf32>
    %mul3A_748 = arith.mulf %mul3A_739, %mul3A_743 : vector<2x128xf32>
    %dot_general3A_749 = arith.constant dense<0.000000e+00> : vector<2x2xf32>
    %dot_general3A_750 = tpu.matmul %mul3A_748, %get3A_1, %dot_general3A_749 {dimension_numbers = #tpu.dot_dimension_numbers<[1], [0], [0], [1], [0, 0, 1, 1], [], []>, transpose_lhs_hint = false} : vector<2x128xf32>, vector<128x2xf32>, vector<2x2xf32> -> vector<2x2xf32>
    %mul3A_751 = arith.constant 1.250000e-01 : f32
    %mul3A_752 = vector.broadcast %mul3A_751 : f32 to vector<2x2xf32>
    %mul3A_753 = arith.mulf %dot_general3A_750, %mul3A_752 : vector<2x2xf32>
    %mul3A_754 = arith.mulf %mul3A_739, %squeeze3A_728 : vector<2x128xf32>
    %dot_general3A_755 = arith.constant dense<0.000000e+00> : vector<2x2xf32>
    %dot_general3A_756 = tpu.matmul %mul3A_754, %get3A_1, %dot_general3A_755 {dimension_numbers = #tpu.dot_dimension_numbers<[1], [0], [0], [1], [0, 0, 1, 1], [], []>, transpose_lhs_hint = false} : vector<2x128xf32>, vector<128x2xf32>, vector<2x2xf32> -> vector<2x2xf32>
    %mul3A_757 = arith.constant 1.250000e-01 : f32
    %mul3A_758 = vector.broadcast %mul3A_757 : f32 to vector<2x2xf32>
    %mul3A_759 = arith.mulf %dot_general3A_756, %mul3A_758 : vector<2x2xf32>
    %mul3A_760 = arith.mulf %mul3A_739, %squeeze3A_730 : vector<2x128xf32>
    %dot_general3A_761 = arith.constant dense<0.000000e+00> : vector<2x2xf32>
    %dot_general3A_762 = tpu.matmul %mul3A_760, %get3A_1, %dot_general3A_761 {dimension_numbers = #tpu.dot_dimension_numbers<[1], [0], [0], [1], [0, 0, 1, 1], [], []>, transpose_lhs_hint = false} : vector<2x128xf32>, vector<128x2xf32>, vector<2x2xf32> -> vector<2x2xf32>
    %mul3A_763 = arith.constant 1.250000e-01 : f32
    %mul3A_764 = vector.broadcast %mul3A_763 : f32 to vector<2x2xf32>
    %mul3A_765 = arith.mulf %dot_general3A_762, %mul3A_764 : vector<2x2xf32>
    %max3A_766 = arith.maximumf %mul3A_759, %mul3A_765 : vector<2x2xf32>
    %max3A_767 = arith.maximumf %mul3A_753, %max3A_766 : vector<2x2xf32>
    %sub3A_768 = arith.subf %mul3A_753, %max3A_767 : vector<2x2xf32>
    %exp3A_769 = math.exp %sub3A_768 : vector<2x2xf32>
    %sub3A_770 = arith.subf %mul3A_759, %max3A_767 : vector<2x2xf32>
    %exp3A_771 = math.exp %sub3A_770 : vector<2x2xf32>
    %sub3A_772 = arith.subf %mul3A_765, %max3A_767 : vector<2x2xf32>
    %exp3A_773 = math.exp %sub3A_772 : vector<2x2xf32>
    %add3A_774 = arith.addf %exp3A_769, %exp3A_771 : vector<2x2xf32>
    %add3A_775 = arith.addf %add3A_774, %exp3A_773 : vector<2x2xf32>
    %add3A_776 = arith.constant 9.99999971E-10 : f32
    %add3A_777 = vector.broadcast %add3A_776 : f32 to vector<2x2xf32>
    %add3A_778 = arith.addf %add3A_775, %add3A_777 : vector<2x2xf32>
    %div3A_779 = arith.divf %exp3A_769, %add3A_778 : vector<2x2xf32>
    %dot_general3A_780 = arith.constant dense<0.000000e+00> : vector<2x128xf32>
    %dot_general3A_781 = tpu.matmul %div3A_779, %get3A_4, %dot_general3A_780 {dimension_numbers = #tpu.dot_dimension_numbers<[1], [0], [0], [1], [0, 0, 1, 1], [], []>, transpose_lhs_hint = false} : vector<2x2xf32>, vector<2x128xf32>, vector<2x128xf32> -> vector<2x128xf32>
    %div3A_782 = arith.divf %exp3A_771, %add3A_778 : vector<2x2xf32>
    %dot_general3A_783 = arith.constant dense<0.000000e+00> : vector<2x128xf32>
    %dot_general3A_784 = tpu.matmul %div3A_782, %get3A_4, %dot_general3A_783 {dimension_numbers = #tpu.dot_dimension_numbers<[1], [0], [0], [1], [0, 0, 1, 1], [], []>, transpose_lhs_hint = false} : vector<2x2xf32>, vector<2x128xf32>, vector<2x128xf32> -> vector<2x128xf32>
    %div3A_785 = arith.divf %exp3A_773, %add3A_778 : vector<2x2xf32>
    %dot_general3A_786 = arith.constant dense<0.000000e+00> : vector<2x128xf32>
    %dot_general3A_787 = tpu.matmul %div3A_785, %get3A_4, %dot_general3A_786 {dimension_numbers = #tpu.dot_dimension_numbers<[1], [0], [0], [1], [0, 0, 1, 1], [], []>, transpose_lhs_hint = false} : vector<2x2xf32>, vector<2x128xf32>, vector<2x128xf32> -> vector<2x128xf32>
    %mul3A_788 = arith.mulf %dot_general3A_781, %mul3A_743 : vector<2x128xf32>
    %mul3A_789 = arith.mulf %dot_general3A_784, %squeeze3A_728 : vector<2x128xf32>
    %add3A_790 = arith.addf %mul3A_788, %mul3A_789 : vector<2x128xf32>
    %mul3A_791 = arith.mulf %dot_general3A_787, %squeeze3A_730 : vector<2x128xf32>
    %add3A_792 = arith.addf %add3A_790, %mul3A_791 : vector<2x128xf32>
    %mul3A_793 = arith.mulf %dot_general3A_781, %mul3A_747 : vector<2x128xf32>
    %mul3A_794 = arith.mulf %dot_general3A_784, %squeeze3A_733 : vector<2x128xf32>
    %add3A_795 = arith.addf %mul3A_793, %mul3A_794 : vector<2x128xf32>
    %mul3A_796 = arith.mulf %dot_general3A_787, %squeeze3A_735 : vector<2x128xf32>
    %add3A_797 = arith.addf %add3A_795, %mul3A_796 : vector<2x128xf32>
    %iota3A = tpu.iota {dimensions = array<i32: 0>} : vector<256x1xi32>
    %reshape3A_798 = vector.shape_cast %add3A_84 : vector<256x128xf32> to vector<128x2x128xf32>
    %slice3A_799 = vector.extract_strided_slice %reshape3A_798 {offsets = [0, 1, 0], sizes = [128, 1, 128], strides = [1, 1, 1]} : vector<128x2x128xf32> to vector<128x1x128xf32>
    %slice3A_800 = vector.extract_strided_slice %reshape3A_798 {offsets = [0, 0, 0], sizes = [128, 1, 128], strides = [1, 1, 1]} : vector<128x2x128xf32> to vector<128x1x128xf32>
    %concatenate3A = tpu.concatenate %slice3A_799, %slice3A_800 in 1 : vector<128x1x128xf32>, vector<128x1x128xf32> -> vector<128x2x128xf32>
    %reshape3A_801 = vector.shape_cast %concatenate3A : vector<128x2x128xf32> to vector<256x128xf32>
    %reshape3A_802 = vector.shape_cast %add3A_89 : vector<256x128xf32> to vector<128x2x128xf32>
    %slice3A_803 = vector.extract_strided_slice %reshape3A_802 {offsets = [0, 1, 0], sizes = [128, 1, 128], strides = [1, 1, 1]} : vector<128x2x128xf32> to vector<128x1x128xf32>
    %slice3A_804 = vector.extract_strided_slice %reshape3A_802 {offsets = [0, 0, 0], sizes = [128, 1, 128], strides = [1, 1, 1]} : vector<128x2x128xf32> to vector<128x1x128xf32>
    %concatenate3A_805 = tpu.concatenate %slice3A_803, %slice3A_804 in 1 : vector<128x1x128xf32>, vector<128x1x128xf32> -> vector<128x2x128xf32>
    %reshape3A_806 = vector.shape_cast %concatenate3A_805 : vector<128x2x128xf32> to vector<256x128xf32>
    %shift_right_arithmetic3A = arith.constant 0 : i32
    %shift_right_arithmetic3A_807 = vector.broadcast %shift_right_arithmetic3A : i32 to vector<256x1xi32>
    %shift_right_arithmetic3A_808 = arith.shrsi %iota3A, %shift_right_arithmetic3A_807 : vector<256x1xi32>
    %and3A = arith.constant 1 : i32
    %and3A_809 = vector.broadcast %and3A : i32 to vector<256x1xi32>
    %and3A_810 = arith.andi %shift_right_arithmetic3A_808, %and3A_809 : vector<256x1xi32>
    %eq3A = arith.constant 0 : i32
    %eq3A_811 = vector.broadcast %eq3A : i32 to vector<256x1xi32>
    %eq3A_812 = arith.cmpi eq, %and3A_810, %eq3A_811 : vector<256x1xi32>
    %reshape3A_813 = vector.shape_cast %add3A_158 : vector<128x128xf32> to vector<64x2x128xf32>
    %slice3A_814 = vector.extract_strided_slice %reshape3A_813 {offsets = [0, 1, 0], sizes = [64, 1, 128], strides = [1, 1, 1]} : vector<64x2x128xf32> to vector<64x1x128xf32>
    %slice3A_815 = vector.extract_strided_slice %reshape3A_813 {offsets = [0, 0, 0], sizes = [64, 1, 128], strides = [1, 1, 1]} : vector<64x2x128xf32> to vector<64x1x128xf32>
    %concatenate3A_816 = tpu.concatenate %slice3A_814, %slice3A_815 in 1 : vector<64x1x128xf32>, vector<64x1x128xf32> -> vector<64x2x128xf32>
    %reshape3A_817 = vector.shape_cast %concatenate3A_816 : vector<64x2x128xf32> to vector<128x128xf32>
    %reshape3A_818 = vector.shape_cast %add3A_163 : vector<128x128xf32> to vector<64x2x128xf32>
    %slice3A_819 = vector.extract_strided_slice %reshape3A_818 {offsets = [0, 1, 0], sizes = [64, 1, 128], strides = [1, 1, 1]} : vector<64x2x128xf32> to vector<64x1x128xf32>
    %slice3A_820 = vector.extract_strided_slice %reshape3A_818 {offsets = [0, 0, 0], sizes = [64, 1, 128], strides = [1, 1, 1]} : vector<64x2x128xf32> to vector<64x1x128xf32>
    %concatenate3A_821 = tpu.concatenate %slice3A_819, %slice3A_820 in 1 : vector<64x1x128xf32>, vector<64x1x128xf32> -> vector<64x2x128xf32>
    %reshape3A_822 = vector.shape_cast %concatenate3A_821 : vector<64x2x128xf32> to vector<128x128xf32>
    %broadcast_in_dim3A = vector.shape_cast %reshape3A_817 : vector<128x128xf32> to vector<128x1x128xf32>
    %broadcast_in_dim3A_823 = vector.broadcast %broadcast_in_dim3A : vector<128x1x128xf32> to vector<128x2x128xf32>
    %reshape3A_824 = vector.shape_cast %broadcast_in_dim3A_823 : vector<128x2x128xf32> to vector<256x128xf32>
    %broadcast_in_dim3A_825 = vector.shape_cast %reshape3A_822 : vector<128x128xf32> to vector<128x1x128xf32>
    %broadcast_in_dim3A_826 = vector.broadcast %broadcast_in_dim3A_825 : vector<128x1x128xf32> to vector<128x2x128xf32>
    %reshape3A_827 = vector.shape_cast %broadcast_in_dim3A_826 : vector<128x2x128xf32> to vector<256x128xf32>
    %shift_right_arithmetic3A_828 = arith.constant 1 : i32
    %shift_right_arithmetic3A_829 = vector.broadcast %shift_right_arithmetic3A_828 : i32 to vector<256x1xi32>
    %shift_right_arithmetic3A_830 = arith.shrsi %iota3A, %shift_right_arithmetic3A_829 : vector<256x1xi32>
    %and3A_831 = arith.constant 1 : i32
    %and3A_832 = vector.broadcast %and3A_831 : i32 to vector<256x1xi32>
    %and3A_833 = arith.andi %shift_right_arithmetic3A_830, %and3A_832 : vector<256x1xi32>
    %eq3A_834 = arith.constant 0 : i32
    %eq3A_835 = vector.broadcast %eq3A_834 : i32 to vector<256x1xi32>
    %eq3A_836 = arith.cmpi eq, %and3A_833, %eq3A_835 : vector<256x1xi32>
    %reshape3A_837 = vector.shape_cast %add3A_235 : vector<64x128xf32> to vector<32x2x128xf32>
    %slice3A_838 = vector.extract_strided_slice %reshape3A_837 {offsets = [0, 1, 0], sizes = [32, 1, 128], strides = [1, 1, 1]} : vector<32x2x128xf32> to vector<32x1x128xf32>
    %slice3A_839 = vector.extract_strided_slice %reshape3A_837 {offsets = [0, 0, 0], sizes = [32, 1, 128], strides = [1, 1, 1]} : vector<32x2x128xf32> to vector<32x1x128xf32>
    %concatenate3A_840 = tpu.concatenate %slice3A_838, %slice3A_839 in 1 : vector<32x1x128xf32>, vector<32x1x128xf32> -> vector<32x2x128xf32>
    %reshape3A_841 = vector.shape_cast %concatenate3A_840 : vector<32x2x128xf32> to vector<64x128xf32>
    %reshape3A_842 = vector.shape_cast %add3A_240 : vector<64x128xf32> to vector<32x2x128xf32>
    %slice3A_843 = vector.extract_strided_slice %reshape3A_842 {offsets = [0, 1, 0], sizes = [32, 1, 128], strides = [1, 1, 1]} : vector<32x2x128xf32> to vector<32x1x128xf32>
    %slice3A_844 = vector.extract_strided_slice %reshape3A_842 {offsets = [0, 0, 0], sizes = [32, 1, 128], strides = [1, 1, 1]} : vector<32x2x128xf32> to vector<32x1x128xf32>
    %concatenate3A_845 = tpu.concatenate %slice3A_843, %slice3A_844 in 1 : vector<32x1x128xf32>, vector<32x1x128xf32> -> vector<32x2x128xf32>
    %reshape3A_846 = vector.shape_cast %concatenate3A_845 : vector<32x2x128xf32> to vector<64x128xf32>
    %broadcast_in_dim3A_847 = vector.shape_cast %reshape3A_841 : vector<64x128xf32> to vector<64x1x128xf32>
    %broadcast_in_dim3A_848 = vector.broadcast %broadcast_in_dim3A_847 : vector<64x1x128xf32> to vector<64x4x128xf32>
    %reshape3A_849 = vector.shape_cast %broadcast_in_dim3A_848 : vector<64x4x128xf32> to vector<256x128xf32>
    %broadcast_in_dim3A_850 = vector.shape_cast %reshape3A_846 : vector<64x128xf32> to vector<64x1x128xf32>
    %broadcast_in_dim3A_851 = vector.broadcast %broadcast_in_dim3A_850 : vector<64x1x128xf32> to vector<64x4x128xf32>
    %reshape3A_852 = vector.shape_cast %broadcast_in_dim3A_851 : vector<64x4x128xf32> to vector<256x128xf32>
    %shift_right_arithmetic3A_853 = arith.constant 2 : i32
    %shift_right_arithmetic3A_854 = vector.broadcast %shift_right_arithmetic3A_853 : i32 to vector<256x1xi32>
    %shift_right_arithmetic3A_855 = arith.shrsi %iota3A, %shift_right_arithmetic3A_854 : vector<256x1xi32>
    %and3A_856 = arith.constant 1 : i32
    %and3A_857 = vector.broadcast %and3A_856 : i32 to vector<256x1xi32>
    %and3A_858 = arith.andi %shift_right_arithmetic3A_855, %and3A_857 : vector<256x1xi32>
    %eq3A_859 = arith.constant 0 : i32
    %eq3A_860 = vector.broadcast %eq3A_859 : i32 to vector<256x1xi32>
    %eq3A_861 = arith.cmpi eq, %and3A_858, %eq3A_860 : vector<256x1xi32>
    %reshape3A_862 = vector.shape_cast %add3A_312 : vector<32x128xf32> to vector<16x2x128xf32>
    %slice3A_863 = vector.extract_strided_slice %reshape3A_862 {offsets = [0, 1, 0], sizes = [16, 1, 128], strides = [1, 1, 1]} : vector<16x2x128xf32> to vector<16x1x128xf32>
    %slice3A_864 = vector.extract_strided_slice %reshape3A_862 {offsets = [0, 0, 0], sizes = [16, 1, 128], strides = [1, 1, 1]} : vector<16x2x128xf32> to vector<16x1x128xf32>
    %concatenate3A_865 = tpu.concatenate %slice3A_863, %slice3A_864 in 1 : vector<16x1x128xf32>, vector<16x1x128xf32> -> vector<16x2x128xf32>
    %reshape3A_866 = vector.shape_cast %concatenate3A_865 : vector<16x2x128xf32> to vector<32x128xf32>
    %reshape3A_867 = vector.shape_cast %add3A_317 : vector<32x128xf32> to vector<16x2x128xf32>
    %slice3A_868 = vector.extract_strided_slice %reshape3A_867 {offsets = [0, 1, 0], sizes = [16, 1, 128], strides = [1, 1, 1]} : vector<16x2x128xf32> to vector<16x1x128xf32>
    %slice3A_869 = vector.extract_strided_slice %reshape3A_867 {offsets = [0, 0, 0], sizes = [16, 1, 128], strides = [1, 1, 1]} : vector<16x2x128xf32> to vector<16x1x128xf32>
    %concatenate3A_870 = tpu.concatenate %slice3A_868, %slice3A_869 in 1 : vector<16x1x128xf32>, vector<16x1x128xf32> -> vector<16x2x128xf32>
    %reshape3A_871 = vector.shape_cast %concatenate3A_870 : vector<16x2x128xf32> to vector<32x128xf32>
    %broadcast_in_dim3A_872 = vector.shape_cast %reshape3A_866 : vector<32x128xf32> to vector<32x1x128xf32>
    %broadcast_in_dim3A_873 = vector.broadcast %broadcast_in_dim3A_872 : vector<32x1x128xf32> to vector<32x8x128xf32>
    %reshape3A_874 = vector.shape_cast %broadcast_in_dim3A_873 : vector<32x8x128xf32> to vector<256x128xf32>
    %broadcast_in_dim3A_875 = vector.shape_cast %reshape3A_871 : vector<32x128xf32> to vector<32x1x128xf32>
    %broadcast_in_dim3A_876 = vector.broadcast %broadcast_in_dim3A_875 : vector<32x1x128xf32> to vector<32x8x128xf32>
    %reshape3A_877 = vector.shape_cast %broadcast_in_dim3A_876 : vector<32x8x128xf32> to vector<256x128xf32>
    %shift_right_arithmetic3A_878 = arith.constant 3 : i32
    %shift_right_arithmetic3A_879 = vector.broadcast %shift_right_arithmetic3A_878 : i32 to vector<256x1xi32>
    %shift_right_arithmetic3A_880 = arith.shrsi %iota3A, %shift_right_arithmetic3A_879 : vector<256x1xi32>
    %and3A_881 = arith.constant 1 : i32
    %and3A_882 = vector.broadcast %and3A_881 : i32 to vector<256x1xi32>
    %and3A_883 = arith.andi %shift_right_arithmetic3A_880, %and3A_882 : vector<256x1xi32>
    %eq3A_884 = arith.constant 0 : i32
    %eq3A_885 = vector.broadcast %eq3A_884 : i32 to vector<256x1xi32>
    %eq3A_886 = arith.cmpi eq, %and3A_883, %eq3A_885 : vector<256x1xi32>
    %reshape3A_887 = vector.shape_cast %add3A_389 : vector<16x128xf32> to vector<8x2x128xf32>
    %slice3A_888 = vector.extract_strided_slice %reshape3A_887 {offsets = [0, 1, 0], sizes = [8, 1, 128], strides = [1, 1, 1]} : vector<8x2x128xf32> to vector<8x1x128xf32>
    %slice3A_889 = vector.extract_strided_slice %reshape3A_887 {offsets = [0, 0, 0], sizes = [8, 1, 128], strides = [1, 1, 1]} : vector<8x2x128xf32> to vector<8x1x128xf32>
    %concatenate3A_890 = tpu.concatenate %slice3A_888, %slice3A_889 in 1 : vector<8x1x128xf32>, vector<8x1x128xf32> -> vector<8x2x128xf32>
    %reshape3A_891 = vector.shape_cast %concatenate3A_890 : vector<8x2x128xf32> to vector<16x128xf32>
    %reshape3A_892 = vector.shape_cast %add3A_394 : vector<16x128xf32> to vector<8x2x128xf32>
    %slice3A_893 = vector.extract_strided_slice %reshape3A_892 {offsets = [0, 1, 0], sizes = [8, 1, 128], strides = [1, 1, 1]} : vector<8x2x128xf32> to vector<8x1x128xf32>
    %slice3A_894 = vector.extract_strided_slice %reshape3A_892 {offsets = [0, 0, 0], sizes = [8, 1, 128], strides = [1, 1, 1]} : vector<8x2x128xf32> to vector<8x1x128xf32>
    %concatenate3A_895 = tpu.concatenate %slice3A_893, %slice3A_894 in 1 : vector<8x1x128xf32>, vector<8x1x128xf32> -> vector<8x2x128xf32>
    %reshape3A_896 = vector.shape_cast %concatenate3A_895 : vector<8x2x128xf32> to vector<16x128xf32>
    %broadcast_in_dim3A_897 = vector.shape_cast %reshape3A_891 : vector<16x128xf32> to vector<16x1x128xf32>
    %broadcast_in_dim3A_898 = vector.broadcast %broadcast_in_dim3A_897 : vector<16x1x128xf32> to vector<16x16x128xf32>
    %reshape3A_899 = vector.shape_cast %broadcast_in_dim3A_898 : vector<16x16x128xf32> to vector<256x128xf32>
    %broadcast_in_dim3A_900 = vector.shape_cast %reshape3A_896 : vector<16x128xf32> to vector<16x1x128xf32>
    %broadcast_in_dim3A_901 = vector.broadcast %broadcast_in_dim3A_900 : vector<16x1x128xf32> to vector<16x16x128xf32>
    %reshape3A_902 = vector.shape_cast %broadcast_in_dim3A_901 : vector<16x16x128xf32> to vector<256x128xf32>
    %shift_right_arithmetic3A_903 = arith.constant 4 : i32
    %shift_right_arithmetic3A_904 = vector.broadcast %shift_right_arithmetic3A_903 : i32 to vector<256x1xi32>
    %shift_right_arithmetic3A_905 = arith.shrsi %iota3A, %shift_right_arithmetic3A_904 : vector<256x1xi32>
    %and3A_906 = arith.constant 1 : i32
    %and3A_907 = vector.broadcast %and3A_906 : i32 to vector<256x1xi32>
    %and3A_908 = arith.andi %shift_right_arithmetic3A_905, %and3A_907 : vector<256x1xi32>
    %eq3A_909 = arith.constant 0 : i32
    %eq3A_910 = vector.broadcast %eq3A_909 : i32 to vector<256x1xi32>
    %eq3A_911 = arith.cmpi eq, %and3A_908, %eq3A_910 : vector<256x1xi32>
    %reshape3A_912 = vector.shape_cast %add3A_466 : vector<8x128xf32> to vector<4x2x128xf32>
    %slice3A_913 = vector.extract_strided_slice %reshape3A_912 {offsets = [0, 1, 0], sizes = [4, 1, 128], strides = [1, 1, 1]} : vector<4x2x128xf32> to vector<4x1x128xf32>
    %slice3A_914 = vector.extract_strided_slice %reshape3A_912 {offsets = [0, 0, 0], sizes = [4, 1, 128], strides = [1, 1, 1]} : vector<4x2x128xf32> to vector<4x1x128xf32>
    %concatenate3A_915 = tpu.concatenate %slice3A_913, %slice3A_914 in 1 : vector<4x1x128xf32>, vector<4x1x128xf32> -> vector<4x2x128xf32>
    %reshape3A_916 = vector.shape_cast %concatenate3A_915 : vector<4x2x128xf32> to vector<8x128xf32>
    %reshape3A_917 = vector.shape_cast %add3A_471 : vector<8x128xf32> to vector<4x2x128xf32>
    %slice3A_918 = vector.extract_strided_slice %reshape3A_917 {offsets = [0, 1, 0], sizes = [4, 1, 128], strides = [1, 1, 1]} : vector<4x2x128xf32> to vector<4x1x128xf32>
    %slice3A_919 = vector.extract_strided_slice %reshape3A_917 {offsets = [0, 0, 0], sizes = [4, 1, 128], strides = [1, 1, 1]} : vector<4x2x128xf32> to vector<4x1x128xf32>
    %concatenate3A_920 = tpu.concatenate %slice3A_918, %slice3A_919 in 1 : vector<4x1x128xf32>, vector<4x1x128xf32> -> vector<4x2x128xf32>
    %reshape3A_921 = vector.shape_cast %concatenate3A_920 : vector<4x2x128xf32> to vector<8x128xf32>
    %broadcast_in_dim3A_922 = vector.shape_cast %reshape3A_916 : vector<8x128xf32> to vector<8x1x128xf32>
    %broadcast_in_dim3A_923 = vector.broadcast %broadcast_in_dim3A_922 : vector<8x1x128xf32> to vector<8x32x128xf32>
    %reshape3A_924 = vector.shape_cast %broadcast_in_dim3A_923 : vector<8x32x128xf32> to vector<256x128xf32>
    %broadcast_in_dim3A_925 = vector.shape_cast %reshape3A_921 : vector<8x128xf32> to vector<8x1x128xf32>
    %broadcast_in_dim3A_926 = vector.broadcast %broadcast_in_dim3A_925 : vector<8x1x128xf32> to vector<8x32x128xf32>
    %reshape3A_927 = vector.shape_cast %broadcast_in_dim3A_926 : vector<8x32x128xf32> to vector<256x128xf32>
    %shift_right_arithmetic3A_928 = arith.constant 5 : i32
    %shift_right_arithmetic3A_929 = vector.broadcast %shift_right_arithmetic3A_928 : i32 to vector<256x1xi32>
    %shift_right_arithmetic3A_930 = arith.shrsi %iota3A, %shift_right_arithmetic3A_929 : vector<256x1xi32>
    %and3A_931 = arith.constant 1 : i32
    %and3A_932 = vector.broadcast %and3A_931 : i32 to vector<256x1xi32>
    %and3A_933 = arith.andi %shift_right_arithmetic3A_930, %and3A_932 : vector<256x1xi32>
    %eq3A_934 = arith.constant 0 : i32
    %eq3A_935 = vector.broadcast %eq3A_934 : i32 to vector<256x1xi32>
    %eq3A_936 = arith.cmpi eq, %and3A_933, %eq3A_935 : vector<256x1xi32>
    %reshape3A_937 = vector.shape_cast %add3A_543 : vector<4x128xf32> to vector<2x2x128xf32>
    %slice3A_938 = vector.extract_strided_slice %reshape3A_937 {offsets = [0, 1, 0], sizes = [2, 1, 128], strides = [1, 1, 1]} : vector<2x2x128xf32> to vector<2x1x128xf32>
    %slice3A_939 = vector.extract_strided_slice %reshape3A_937 {offsets = [0, 0, 0], sizes = [2, 1, 128], strides = [1, 1, 1]} : vector<2x2x128xf32> to vector<2x1x128xf32>
    %concatenate3A_940 = tpu.concatenate %slice3A_938, %slice3A_939 in 1 : vector<2x1x128xf32>, vector<2x1x128xf32> -> vector<2x2x128xf32>
    %reshape3A_941 = vector.shape_cast %concatenate3A_940 : vector<2x2x128xf32> to vector<4x128xf32>
    %reshape3A_942 = vector.shape_cast %add3A_548 : vector<4x128xf32> to vector<2x2x128xf32>
    %slice3A_943 = vector.extract_strided_slice %reshape3A_942 {offsets = [0, 1, 0], sizes = [2, 1, 128], strides = [1, 1, 1]} : vector<2x2x128xf32> to vector<2x1x128xf32>
    %slice3A_944 = vector.extract_strided_slice %reshape3A_942 {offsets = [0, 0, 0], sizes = [2, 1, 128], strides = [1, 1, 1]} : vector<2x2x128xf32> to vector<2x1x128xf32>
    %concatenate3A_945 = tpu.concatenate %slice3A_943, %slice3A_944 in 1 : vector<2x1x128xf32>, vector<2x1x128xf32> -> vector<2x2x128xf32>
    %reshape3A_946 = vector.shape_cast %concatenate3A_945 : vector<2x2x128xf32> to vector<4x128xf32>
    %broadcast_in_dim3A_947 = vector.shape_cast %reshape3A_941 : vector<4x128xf32> to vector<4x1x128xf32>
    %broadcast_in_dim3A_948 = vector.broadcast %broadcast_in_dim3A_947 : vector<4x1x128xf32> to vector<4x64x128xf32>
    %reshape3A_949 = vector.shape_cast %broadcast_in_dim3A_948 : vector<4x64x128xf32> to vector<256x128xf32>
    %broadcast_in_dim3A_950 = vector.shape_cast %reshape3A_946 : vector<4x128xf32> to vector<4x1x128xf32>
    %broadcast_in_dim3A_951 = vector.broadcast %broadcast_in_dim3A_950 : vector<4x1x128xf32> to vector<4x64x128xf32>
    %reshape3A_952 = vector.shape_cast %broadcast_in_dim3A_951 : vector<4x64x128xf32> to vector<256x128xf32>
    %shift_right_arithmetic3A_953 = arith.constant 6 : i32
    %shift_right_arithmetic3A_954 = vector.broadcast %shift_right_arithmetic3A_953 : i32 to vector<256x1xi32>
    %shift_right_arithmetic3A_955 = arith.shrsi %iota3A, %shift_right_arithmetic3A_954 : vector<256x1xi32>
    %and3A_956 = arith.constant 1 : i32
    %and3A_957 = vector.broadcast %and3A_956 : i32 to vector<256x1xi32>
    %and3A_958 = arith.andi %shift_right_arithmetic3A_955, %and3A_957 : vector<256x1xi32>
    %eq3A_959 = arith.constant 0 : i32
    %eq3A_960 = vector.broadcast %eq3A_959 : i32 to vector<256x1xi32>
    %eq3A_961 = arith.cmpi eq, %and3A_958, %eq3A_960 : vector<256x1xi32>
    %reshape3A_962 = vector.shape_cast %add3A_620 : vector<2x128xf32> to vector<1x2x128xf32>
    %slice3A_963 = vector.extract_strided_slice %reshape3A_962 {offsets = [0, 1, 0], sizes = [1, 1, 128], strides = [1, 1, 1]} : vector<1x2x128xf32> to vector<1x1x128xf32>
    %slice3A_964 = vector.extract_strided_slice %reshape3A_962 {offsets = [0, 0, 0], sizes = [1, 1, 128], strides = [1, 1, 1]} : vector<1x2x128xf32> to vector<1x1x128xf32>
    %concatenate3A_965 = tpu.concatenate %slice3A_963, %slice3A_964 in 1 : vector<1x1x128xf32>, vector<1x1x128xf32> -> vector<1x2x128xf32>
    %reshape3A_966 = vector.shape_cast %concatenate3A_965 : vector<1x2x128xf32> to vector<2x128xf32>
    %reshape3A_967 = vector.shape_cast %add3A_625 : vector<2x128xf32> to vector<1x2x128xf32>
    %slice3A_968 = vector.extract_strided_slice %reshape3A_967 {offsets = [0, 1, 0], sizes = [1, 1, 128], strides = [1, 1, 1]} : vector<1x2x128xf32> to vector<1x1x128xf32>
    %slice3A_969 = vector.extract_strided_slice %reshape3A_967 {offsets = [0, 0, 0], sizes = [1, 1, 128], strides = [1, 1, 1]} : vector<1x2x128xf32> to vector<1x1x128xf32>
    %concatenate3A_970 = tpu.concatenate %slice3A_968, %slice3A_969 in 1 : vector<1x1x128xf32>, vector<1x1x128xf32> -> vector<1x2x128xf32>
    %reshape3A_971 = vector.shape_cast %concatenate3A_970 : vector<1x2x128xf32> to vector<2x128xf32>
    %broadcast_in_dim3A_972 = vector.shape_cast %reshape3A_966 : vector<2x128xf32> to vector<2x1x128xf32>
    %broadcast_in_dim3A_973 = vector.broadcast %broadcast_in_dim3A_972 : vector<2x1x128xf32> to vector<2x128x128xf32>
    %reshape3A_974 = vector.shape_cast %broadcast_in_dim3A_973 : vector<2x128x128xf32> to vector<256x128xf32>
    %broadcast_in_dim3A_975 = vector.shape_cast %reshape3A_971 : vector<2x128xf32> to vector<2x1x128xf32>
    %broadcast_in_dim3A_976 = vector.broadcast %broadcast_in_dim3A_975 : vector<2x1x128xf32> to vector<2x128x128xf32>
    %reshape3A_977 = vector.shape_cast %broadcast_in_dim3A_976 : vector<2x128x128xf32> to vector<256x128xf32>
    %shift_right_arithmetic3A_978 = arith.constant 7 : i32
    %shift_right_arithmetic3A_979 = vector.broadcast %shift_right_arithmetic3A_978 : i32 to vector<256x1xi32>
    %shift_right_arithmetic3A_980 = arith.shrsi %iota3A, %shift_right_arithmetic3A_979 : vector<256x1xi32>
    %and3A_981 = arith.constant 1 : i32
    %and3A_982 = vector.broadcast %and3A_981 : i32 to vector<256x1xi32>
    %and3A_983 = arith.andi %shift_right_arithmetic3A_980, %and3A_982 : vector<256x1xi32>
    %eq3A_984 = arith.constant 0 : i32
    %eq3A_985 = vector.broadcast %eq3A_984 : i32 to vector<256x1xi32>
    %eq3A_986 = arith.cmpi eq, %and3A_983, %eq3A_985 : vector<256x1xi32>
    %shift_right_arithmetic3A_987 = arith.constant 0 : i32
    %shift_right_arithmetic3A_988 = arith.shrsi %arg2, %shift_right_arithmetic3A_987 : i32
    %xor3A = arith.constant 1 : i32
    %xor3A_989 = arith.xori %shift_right_arithmetic3A_988, %xor3A : i32
    %iota3A_990 = tpu.iota {dimensions = array<i32: 0>} : vector<8x1xi32>
    %eq3A_991 = vector.broadcast %xor3A_989 : i32 to vector<8x1xi32>
    %eq3A_992 = arith.cmpi eq, %iota3A_990, %eq3A_991 : vector<8x1xi32>
    %convert_element_type3A = arith.extui %eq3A_992 : vector<8x1xi1> to vector<8x1xi32>
    %convert_element_type3A_993 = arith.sitofp %convert_element_type3A : vector<8x1xi32> to vector<8x1xf32>
    %mul3A_994 = vector.broadcast %convert_element_type3A_993 : vector<8x1xf32> to vector<8x128xf32>
    %mul3A_995 = arith.mulf %get3A_637, %mul3A_994 : vector<8x128xf32>
    %reduce_sum3A = arith.constant dense<0.000000e+00> : vector<128xf32>
    %reduce_sum3A_996 = vector.multi_reduction <add>, %mul3A_995, %reduce_sum3A [0] : vector<8x128xf32> to vector<128xf32>
    %broadcast_in_dim3A_997 = vector.shape_cast %reduce_sum3A_996 : vector<128xf32> to vector<1x128xf32>
    %mul3A_998 = vector.broadcast %convert_element_type3A_993 : vector<8x1xf32> to vector<8x128xf32>
    %mul3A_999 = arith.mulf %get3A_643, %mul3A_998 : vector<8x128xf32>
    %reduce_sum3A_1000 = arith.constant dense<0.000000e+00> : vector<128xf32>
    %reduce_sum3A_1001 = vector.multi_reduction <add>, %mul3A_999, %reduce_sum3A_1000 [0] : vector<8x128xf32> to vector<128xf32>
    %broadcast_in_dim3A_1002 = vector.shape_cast %reduce_sum3A_1001 : vector<128xf32> to vector<1x128xf32>
    %shift_right_arithmetic3A_1003 = arith.constant 0 : i32
    %shift_right_arithmetic3A_1004 = arith.shrsi %arg2, %shift_right_arithmetic3A_1003 : i32
    %and3A_1005 = arith.constant 1 : i32
    %and3A_1006 = arith.andi %shift_right_arithmetic3A_1004, %and3A_1005 : i32
    %eq3A_1007 = arith.constant 0 : i32
    %eq3A_1008 = arith.cmpi eq, %and3A_1006, %eq3A_1007 : i32
    %shift_right_arithmetic3A_1009 = arith.constant 1 : i32
    %shift_right_arithmetic3A_1010 = arith.shrsi %arg2, %shift_right_arithmetic3A_1009 : i32
    %xor3A_1011 = arith.constant 1 : i32
    %xor3A_1012 = arith.xori %shift_right_arithmetic3A_1010, %xor3A_1011 : i32
    %iota3A_1013 = tpu.iota {dimensions = array<i32: 0>} : vector<4x1xi32>
    %eq3A_1014 = vector.broadcast %xor3A_1012 : i32 to vector<4x1xi32>
    %eq3A_1015 = arith.cmpi eq, %iota3A_1013, %eq3A_1014 : vector<4x1xi32>
    %convert_element_type3A_1016 = arith.extui %eq3A_1015 : vector<4x1xi1> to vector<4x1xi32>
    %convert_element_type3A_1017 = arith.sitofp %convert_element_type3A_1016 : vector<4x1xi32> to vector<4x1xf32>
    %mul3A_1018 = vector.broadcast %convert_element_type3A_1017 : vector<4x1xf32> to vector<4x128xf32>
    %mul3A_1019 = arith.mulf %add3A_715, %mul3A_1018 : vector<4x128xf32>
    %reduce_sum3A_1020 = arith.constant dense<0.000000e+00> : vector<128xf32>
    %reduce_sum3A_1021 = vector.multi_reduction <add>, %mul3A_1019, %reduce_sum3A_1020 [0] : vector<4x128xf32> to vector<128xf32>
    %broadcast_in_dim3A_1022 = vector.shape_cast %reduce_sum3A_1021 : vector<128xf32> to vector<1x128xf32>
    %mul3A_1023 = vector.broadcast %convert_element_type3A_1017 : vector<4x1xf32> to vector<4x128xf32>
    %mul3A_1024 = arith.mulf %add3A_720, %mul3A_1023 : vector<4x128xf32>
    %reduce_sum3A_1025 = arith.constant dense<0.000000e+00> : vector<128xf32>
    %reduce_sum3A_1026 = vector.multi_reduction <add>, %mul3A_1024, %reduce_sum3A_1025 [0] : vector<4x128xf32> to vector<128xf32>
    %broadcast_in_dim3A_1027 = vector.shape_cast %reduce_sum3A_1026 : vector<128xf32> to vector<1x128xf32>
    %shift_right_arithmetic3A_1028 = arith.constant 1 : i32
    %shift_right_arithmetic3A_1029 = arith.shrsi %arg2, %shift_right_arithmetic3A_1028 : i32
    %and3A_1030 = arith.constant 1 : i32
    %and3A_1031 = arith.andi %shift_right_arithmetic3A_1029, %and3A_1030 : i32
    %eq3A_1032 = arith.constant 0 : i32
    %eq3A_1033 = arith.cmpi eq, %and3A_1031, %eq3A_1032 : i32
    %shift_right_arithmetic3A_1034 = arith.constant 2 : i32
    %shift_right_arithmetic3A_1035 = arith.shrsi %arg2, %shift_right_arithmetic3A_1034 : i32
    %xor3A_1036 = arith.constant 1 : i32
    %xor3A_1037 = arith.xori %shift_right_arithmetic3A_1035, %xor3A_1036 : i32
    %iota3A_1038 = tpu.iota {dimensions = array<i32: 0>} : vector<2x1xi32>
    %eq3A_1039 = vector.broadcast %xor3A_1037 : i32 to vector<2x1xi32>
    %eq3A_1040 = arith.cmpi eq, %iota3A_1038, %eq3A_1039 : vector<2x1xi32>
    %convert_element_type3A_1041 = arith.extui %eq3A_1040 : vector<2x1xi1> to vector<2x1xi32>
    %convert_element_type3A_1042 = arith.sitofp %convert_element_type3A_1041 : vector<2x1xi32> to vector<2x1xf32>
    %mul3A_1043 = vector.broadcast %convert_element_type3A_1042 : vector<2x1xf32> to vector<2x128xf32>
    %mul3A_1044 = arith.mulf %add3A_792, %mul3A_1043 : vector<2x128xf32>
    %reduce_sum3A_1045 = arith.constant dense<0.000000e+00> : vector<128xf32>
    %reduce_sum3A_1046 = vector.multi_reduction <add>, %mul3A_1044, %reduce_sum3A_1045 [0] : vector<2x128xf32> to vector<128xf32>
    %broadcast_in_dim3A_1047 = vector.shape_cast %reduce_sum3A_1046 : vector<128xf32> to vector<1x128xf32>
    %mul3A_1048 = vector.broadcast %convert_element_type3A_1042 : vector<2x1xf32> to vector<2x128xf32>
    %mul3A_1049 = arith.mulf %add3A_797, %mul3A_1048 : vector<2x128xf32>
    %reduce_sum3A_1050 = arith.constant dense<0.000000e+00> : vector<128xf32>
    %reduce_sum3A_1051 = vector.multi_reduction <add>, %mul3A_1049, %reduce_sum3A_1050 [0] : vector<2x128xf32> to vector<128xf32>
    %broadcast_in_dim3A_1052 = vector.shape_cast %reduce_sum3A_1051 : vector<128xf32> to vector<1x128xf32>
    %shift_right_arithmetic3A_1053 = arith.constant 2 : i32
    %shift_right_arithmetic3A_1054 = arith.shrsi %arg2, %shift_right_arithmetic3A_1053 : i32
    %and3A_1055 = arith.constant 1 : i32
    %and3A_1056 = arith.andi %shift_right_arithmetic3A_1054, %and3A_1055 : i32
    %eq3A_1057 = arith.constant 0 : i32
    %eq3A_1058 = arith.cmpi eq, %and3A_1056, %eq3A_1057 : i32
    %get3A_1059 = arith.constant 0 : index
    %get3A_1060 = arith.constant 0 : index
    %get3A_1061 = arith.constant 0 : index
    %get3A_1062 = vector.load %arg3[%get3A_1059, %get3A_1060, %get3A_1061] : memref<1x256x128xf32, #tpu.memory_space<vmem>>, vector<1x256x128xf32>
    %get3A_1063 = vector.shape_cast %get3A_1062 : vector<1x256x128xf32> to vector<256x128xf32>
    %get3A_1064 = arith.constant 0 : index
    %get3A_1065 = arith.constant 0 : index
    %get3A_1066 = arith.constant 0 : index
    %get3A_1067 = vector.load %arg4[%get3A_1064, %get3A_1065, %get3A_1066] : memref<1x256x128xf32, #tpu.memory_space<vmem>>, vector<1x256x128xf32>
    %get3A_1068 = vector.shape_cast %get3A_1067 : vector<1x256x128xf32> to vector<256x128xf32>
    %get3A_1069 = arith.constant 0 : index
    %get3A_1070 = arith.constant 0 : index
    %get3A_1071 = arith.constant 0 : index
    %get3A_1072 = vector.load %arg5[%get3A_1069, %get3A_1070, %get3A_1071] : memref<1x256x128xf32, #tpu.memory_space<vmem>>, vector<1x256x128xf32>
    %get3A_1073 = vector.shape_cast %get3A_1072 : vector<1x256x128xf32> to vector<256x128xf32>
    %mul3A_1074 = arith.mulf %get3A_1063, %get3A_1068 : vector<256x128xf32>
    %dot_general3A_1075 = arith.constant dense<0.000000e+00> : vector<256x2xf32>
    %dot_general3A_1076 = tpu.matmul %mul3A_1074, %get3A_1, %dot_general3A_1075 {dimension_numbers = #tpu.dot_dimension_numbers<[1], [0], [0], [1], [0, 0, 1, 1], [], []>, transpose_lhs_hint = false} : vector<256x128xf32>, vector<128x2xf32>, vector<256x2xf32> -> vector<256x2xf32>
    %mul3A_1077 = arith.constant 1.250000e-01 : f32
    %mul3A_1078 = vector.broadcast %mul3A_1077 : f32 to vector<256x2xf32>
    %mul3A_1079 = arith.mulf %dot_general3A_1076, %mul3A_1078 : vector<256x2xf32>
    %mul3A_1080 = arith.mulf %get3A_1063, %reshape3A_801 : vector<256x128xf32>
    %dot_general3A_1081 = arith.constant dense<0.000000e+00> : vector<256x2xf32>
    %dot_general3A_1082 = tpu.matmul %mul3A_1080, %get3A_1, %dot_general3A_1081 {dimension_numbers = #tpu.dot_dimension_numbers<[1], [0], [0], [1], [0, 0, 1, 1], [], []>, transpose_lhs_hint = false} : vector<256x128xf32>, vector<128x2xf32>, vector<256x2xf32> -> vector<256x2xf32>
    %mul3A_1083 = arith.constant 1.250000e-01 : f32
    %mul3A_1084 = vector.broadcast %mul3A_1083 : f32 to vector<256x2xf32>
    %mul3A_1085 = arith.mulf %dot_general3A_1082, %mul3A_1084 : vector<256x2xf32>
    %jit3A = arith.constant -1.000000e+09 : f32
    %broadcast_in_dim3A_1086 = vector.shape_cast %eq3A_812 : vector<256x1xi1> to vector<256x1xi1>
    %broadcast_in_dim3A_1087 = vector.broadcast %broadcast_in_dim3A_1086 : vector<256x1xi1> to vector<256x2xi1>
    %broadcast_in_dim3A_1088 = vector.broadcast %jit3A : f32 to vector<256x2xf32>
    %select_n3A = arith.select %broadcast_in_dim3A_1087, %broadcast_in_dim3A_1088, %mul3A_1085 : vector<256x2xi1>, vector<256x2xf32>
    %mul3A_1089 = arith.mulf %get3A_1063, %reshape3A_824 : vector<256x128xf32>
    %dot_general3A_1090 = arith.constant dense<0.000000e+00> : vector<256x2xf32>
    %dot_general3A_1091 = tpu.matmul %mul3A_1089, %get3A_1, %dot_general3A_1090 {dimension_numbers = #tpu.dot_dimension_numbers<[1], [0], [0], [1], [0, 0, 1, 1], [], []>, transpose_lhs_hint = false} : vector<256x128xf32>, vector<128x2xf32>, vector<256x2xf32> -> vector<256x2xf32>
    %mul3A_1092 = arith.constant 1.250000e-01 : f32
    %mul3A_1093 = vector.broadcast %mul3A_1092 : f32 to vector<256x2xf32>
    %mul3A_1094 = arith.mulf %dot_general3A_1091, %mul3A_1093 : vector<256x2xf32>
    %jit3A_1095 = arith.constant -1.000000e+09 : f32
    %broadcast_in_dim3A_1096 = vector.shape_cast %eq3A_836 : vector<256x1xi1> to vector<256x1xi1>
    %broadcast_in_dim3A_1097 = vector.broadcast %broadcast_in_dim3A_1096 : vector<256x1xi1> to vector<256x2xi1>
    %broadcast_in_dim3A_1098 = vector.broadcast %jit3A_1095 : f32 to vector<256x2xf32>
    %select_n3A_1099 = arith.select %broadcast_in_dim3A_1097, %broadcast_in_dim3A_1098, %mul3A_1094 : vector<256x2xi1>, vector<256x2xf32>
    %mul3A_1100 = arith.mulf %get3A_1063, %reshape3A_849 : vector<256x128xf32>
    %dot_general3A_1101 = arith.constant dense<0.000000e+00> : vector<256x2xf32>
    %dot_general3A_1102 = tpu.matmul %mul3A_1100, %get3A_1, %dot_general3A_1101 {dimension_numbers = #tpu.dot_dimension_numbers<[1], [0], [0], [1], [0, 0, 1, 1], [], []>, transpose_lhs_hint = false} : vector<256x128xf32>, vector<128x2xf32>, vector<256x2xf32> -> vector<256x2xf32>
    %mul3A_1103 = arith.constant 1.250000e-01 : f32
    %mul3A_1104 = vector.broadcast %mul3A_1103 : f32 to vector<256x2xf32>
    %mul3A_1105 = arith.mulf %dot_general3A_1102, %mul3A_1104 : vector<256x2xf32>
    %jit3A_1106 = arith.constant -1.000000e+09 : f32
    %broadcast_in_dim3A_1107 = vector.shape_cast %eq3A_861 : vector<256x1xi1> to vector<256x1xi1>
    %broadcast_in_dim3A_1108 = vector.broadcast %broadcast_in_dim3A_1107 : vector<256x1xi1> to vector<256x2xi1>
    %broadcast_in_dim3A_1109 = vector.broadcast %jit3A_1106 : f32 to vector<256x2xf32>
    %select_n3A_1110 = arith.select %broadcast_in_dim3A_1108, %broadcast_in_dim3A_1109, %mul3A_1105 : vector<256x2xi1>, vector<256x2xf32>
    %mul3A_1111 = arith.mulf %get3A_1063, %reshape3A_874 : vector<256x128xf32>
    %dot_general3A_1112 = arith.constant dense<0.000000e+00> : vector<256x2xf32>
    %dot_general3A_1113 = tpu.matmul %mul3A_1111, %get3A_1, %dot_general3A_1112 {dimension_numbers = #tpu.dot_dimension_numbers<[1], [0], [0], [1], [0, 0, 1, 1], [], []>, transpose_lhs_hint = false} : vector<256x128xf32>, vector<128x2xf32>, vector<256x2xf32> -> vector<256x2xf32>
    %mul3A_1114 = arith.constant 1.250000e-01 : f32
    %mul3A_1115 = vector.broadcast %mul3A_1114 : f32 to vector<256x2xf32>
    %mul3A_1116 = arith.mulf %dot_general3A_1113, %mul3A_1115 : vector<256x2xf32>
    %jit3A_1117 = arith.constant -1.000000e+09 : f32
    %broadcast_in_dim3A_1118 = vector.shape_cast %eq3A_886 : vector<256x1xi1> to vector<256x1xi1>
    %broadcast_in_dim3A_1119 = vector.broadcast %broadcast_in_dim3A_1118 : vector<256x1xi1> to vector<256x2xi1>
    %broadcast_in_dim3A_1120 = vector.broadcast %jit3A_1117 : f32 to vector<256x2xf32>
    %select_n3A_1121 = arith.select %broadcast_in_dim3A_1119, %broadcast_in_dim3A_1120, %mul3A_1116 : vector<256x2xi1>, vector<256x2xf32>
    %mul3A_1122 = arith.mulf %get3A_1063, %reshape3A_899 : vector<256x128xf32>
    %dot_general3A_1123 = arith.constant dense<0.000000e+00> : vector<256x2xf32>
    %dot_general3A_1124 = tpu.matmul %mul3A_1122, %get3A_1, %dot_general3A_1123 {dimension_numbers = #tpu.dot_dimension_numbers<[1], [0], [0], [1], [0, 0, 1, 1], [], []>, transpose_lhs_hint = false} : vector<256x128xf32>, vector<128x2xf32>, vector<256x2xf32> -> vector<256x2xf32>
    %mul3A_1125 = arith.constant 1.250000e-01 : f32
    %mul3A_1126 = vector.broadcast %mul3A_1125 : f32 to vector<256x2xf32>
    %mul3A_1127 = arith.mulf %dot_general3A_1124, %mul3A_1126 : vector<256x2xf32>
    %jit3A_1128 = arith.constant -1.000000e+09 : f32
    %broadcast_in_dim3A_1129 = vector.shape_cast %eq3A_911 : vector<256x1xi1> to vector<256x1xi1>
    %broadcast_in_dim3A_1130 = vector.broadcast %broadcast_in_dim3A_1129 : vector<256x1xi1> to vector<256x2xi1>
    %broadcast_in_dim3A_1131 = vector.broadcast %jit3A_1128 : f32 to vector<256x2xf32>
    %select_n3A_1132 = arith.select %broadcast_in_dim3A_1130, %broadcast_in_dim3A_1131, %mul3A_1127 : vector<256x2xi1>, vector<256x2xf32>
    %mul3A_1133 = arith.mulf %get3A_1063, %reshape3A_924 : vector<256x128xf32>
    %dot_general3A_1134 = arith.constant dense<0.000000e+00> : vector<256x2xf32>
    %dot_general3A_1135 = tpu.matmul %mul3A_1133, %get3A_1, %dot_general3A_1134 {dimension_numbers = #tpu.dot_dimension_numbers<[1], [0], [0], [1], [0, 0, 1, 1], [], []>, transpose_lhs_hint = false} : vector<256x128xf32>, vector<128x2xf32>, vector<256x2xf32> -> vector<256x2xf32>
    %mul3A_1136 = arith.constant 1.250000e-01 : f32
    %mul3A_1137 = vector.broadcast %mul3A_1136 : f32 to vector<256x2xf32>
    %mul3A_1138 = arith.mulf %dot_general3A_1135, %mul3A_1137 : vector<256x2xf32>
    %jit3A_1139 = arith.constant -1.000000e+09 : f32
    %broadcast_in_dim3A_1140 = vector.shape_cast %eq3A_936 : vector<256x1xi1> to vector<256x1xi1>
    %broadcast_in_dim3A_1141 = vector.broadcast %broadcast_in_dim3A_1140 : vector<256x1xi1> to vector<256x2xi1>
    %broadcast_in_dim3A_1142 = vector.broadcast %jit3A_1139 : f32 to vector<256x2xf32>
    %select_n3A_1143 = arith.select %broadcast_in_dim3A_1141, %broadcast_in_dim3A_1142, %mul3A_1138 : vector<256x2xi1>, vector<256x2xf32>
    %mul3A_1144 = arith.mulf %get3A_1063, %reshape3A_949 : vector<256x128xf32>
    %dot_general3A_1145 = arith.constant dense<0.000000e+00> : vector<256x2xf32>
    %dot_general3A_1146 = tpu.matmul %mul3A_1144, %get3A_1, %dot_general3A_1145 {dimension_numbers = #tpu.dot_dimension_numbers<[1], [0], [0], [1], [0, 0, 1, 1], [], []>, transpose_lhs_hint = false} : vector<256x128xf32>, vector<128x2xf32>, vector<256x2xf32> -> vector<256x2xf32>
    %mul3A_1147 = arith.constant 1.250000e-01 : f32
    %mul3A_1148 = vector.broadcast %mul3A_1147 : f32 to vector<256x2xf32>
    %mul3A_1149 = arith.mulf %dot_general3A_1146, %mul3A_1148 : vector<256x2xf32>
    %jit3A_1150 = arith.constant -1.000000e+09 : f32
    %broadcast_in_dim3A_1151 = vector.shape_cast %eq3A_961 : vector<256x1xi1> to vector<256x1xi1>
    %broadcast_in_dim3A_1152 = vector.broadcast %broadcast_in_dim3A_1151 : vector<256x1xi1> to vector<256x2xi1>
    %broadcast_in_dim3A_1153 = vector.broadcast %jit3A_1150 : f32 to vector<256x2xf32>
    %select_n3A_1154 = arith.select %broadcast_in_dim3A_1152, %broadcast_in_dim3A_1153, %mul3A_1149 : vector<256x2xi1>, vector<256x2xf32>
    %mul3A_1155 = arith.mulf %get3A_1063, %reshape3A_974 : vector<256x128xf32>
    %dot_general3A_1156 = arith.constant dense<0.000000e+00> : vector<256x2xf32>
    %dot_general3A_1157 = tpu.matmul %mul3A_1155, %get3A_1, %dot_general3A_1156 {dimension_numbers = #tpu.dot_dimension_numbers<[1], [0], [0], [1], [0, 0, 1, 1], [], []>, transpose_lhs_hint = false} : vector<256x128xf32>, vector<128x2xf32>, vector<256x2xf32> -> vector<256x2xf32>
    %mul3A_1158 = arith.constant 1.250000e-01 : f32
    %mul3A_1159 = vector.broadcast %mul3A_1158 : f32 to vector<256x2xf32>
    %mul3A_1160 = arith.mulf %dot_general3A_1157, %mul3A_1159 : vector<256x2xf32>
    %jit3A_1161 = arith.constant -1.000000e+09 : f32
    %broadcast_in_dim3A_1162 = vector.shape_cast %eq3A_986 : vector<256x1xi1> to vector<256x1xi1>
    %broadcast_in_dim3A_1163 = vector.broadcast %broadcast_in_dim3A_1162 : vector<256x1xi1> to vector<256x2xi1>
    %broadcast_in_dim3A_1164 = vector.broadcast %jit3A_1161 : f32 to vector<256x2xf32>
    %select_n3A_1165 = arith.select %broadcast_in_dim3A_1163, %broadcast_in_dim3A_1164, %mul3A_1160 : vector<256x2xi1>, vector<256x2xf32>
    %mul3A_1166 = vector.broadcast %broadcast_in_dim3A_997 : vector<1x128xf32> to vector<256x128xf32>
    %mul3A_1167 = arith.mulf %get3A_1063, %mul3A_1166 : vector<256x128xf32>
    %dot_general3A_1168 = arith.constant dense<0.000000e+00> : vector<256x2xf32>
    %dot_general3A_1169 = tpu.matmul %mul3A_1167, %get3A_1, %dot_general3A_1168 {dimension_numbers = #tpu.dot_dimension_numbers<[1], [0], [0], [1], [0, 0, 1, 1], [], []>, transpose_lhs_hint = false} : vector<256x128xf32>, vector<128x2xf32>, vector<256x2xf32> -> vector<256x2xf32>
    %mul3A_1170 = arith.constant 1.250000e-01 : f32
    %mul3A_1171 = vector.broadcast %mul3A_1170 : f32 to vector<256x2xf32>
    %mul3A_1172 = arith.mulf %dot_general3A_1169, %mul3A_1171 : vector<256x2xf32>
    %broadcast_in_dim3A_1173 = arith.constant -1.000000e+09 : f32
    %broadcast_in_dim3A_1174 = vector.broadcast %broadcast_in_dim3A_1173 : f32 to vector<256x2xf32>
    %select_n3A_1175 = arith.select %eq3A_1008, %broadcast_in_dim3A_1174, %mul3A_1172 : vector<256x2xf32>
    %mul3A_1176 = vector.broadcast %broadcast_in_dim3A_1022 : vector<1x128xf32> to vector<256x128xf32>
    %mul3A_1177 = arith.mulf %get3A_1063, %mul3A_1176 : vector<256x128xf32>
    %dot_general3A_1178 = arith.constant dense<0.000000e+00> : vector<256x2xf32>
    %dot_general3A_1179 = tpu.matmul %mul3A_1177, %get3A_1, %dot_general3A_1178 {dimension_numbers = #tpu.dot_dimension_numbers<[1], [0], [0], [1], [0, 0, 1, 1], [], []>, transpose_lhs_hint = false} : vector<256x128xf32>, vector<128x2xf32>, vector<256x2xf32> -> vector<256x2xf32>
    %mul3A_1180 = arith.constant 1.250000e-01 : f32
    %mul3A_1181 = vector.broadcast %mul3A_1180 : f32 to vector<256x2xf32>
    %mul3A_1182 = arith.mulf %dot_general3A_1179, %mul3A_1181 : vector<256x2xf32>
    %broadcast_in_dim3A_1183 = arith.constant -1.000000e+09 : f32
    %broadcast_in_dim3A_1184 = vector.broadcast %broadcast_in_dim3A_1183 : f32 to vector<256x2xf32>
    %select_n3A_1185 = arith.select %eq3A_1033, %broadcast_in_dim3A_1184, %mul3A_1182 : vector<256x2xf32>
    %mul3A_1186 = vector.broadcast %broadcast_in_dim3A_1047 : vector<1x128xf32> to vector<256x128xf32>
    %mul3A_1187 = arith.mulf %get3A_1063, %mul3A_1186 : vector<256x128xf32>
    %dot_general3A_1188 = arith.constant dense<0.000000e+00> : vector<256x2xf32>
    %dot_general3A_1189 = tpu.matmul %mul3A_1187, %get3A_1, %dot_general3A_1188 {dimension_numbers = #tpu.dot_dimension_numbers<[1], [0], [0], [1], [0, 0, 1, 1], [], []>, transpose_lhs_hint = false} : vector<256x128xf32>, vector<128x2xf32>, vector<256x2xf32> -> vector<256x2xf32>
    %mul3A_1190 = arith.constant 1.250000e-01 : f32
    %mul3A_1191 = vector.broadcast %mul3A_1190 : f32 to vector<256x2xf32>
    %mul3A_1192 = arith.mulf %dot_general3A_1189, %mul3A_1191 : vector<256x2xf32>
    %broadcast_in_dim3A_1193 = arith.constant -1.000000e+09 : f32
    %broadcast_in_dim3A_1194 = vector.broadcast %broadcast_in_dim3A_1193 : f32 to vector<256x2xf32>
    %select_n3A_1195 = arith.select %eq3A_1058, %broadcast_in_dim3A_1194, %mul3A_1192 : vector<256x2xf32>
    %max3A_1196 = arith.maximumf %mul3A_1079, %select_n3A : vector<256x2xf32>
    %max3A_1197 = arith.maximumf %max3A_1196, %select_n3A_1099 : vector<256x2xf32>
    %max3A_1198 = arith.maximumf %max3A_1197, %select_n3A_1110 : vector<256x2xf32>
    %max3A_1199 = arith.maximumf %max3A_1198, %select_n3A_1121 : vector<256x2xf32>
    %max3A_1200 = arith.maximumf %max3A_1199, %select_n3A_1132 : vector<256x2xf32>
    %max3A_1201 = arith.maximumf %max3A_1200, %select_n3A_1143 : vector<256x2xf32>
    %max3A_1202 = arith.maximumf %max3A_1201, %select_n3A_1154 : vector<256x2xf32>
    %max3A_1203 = arith.maximumf %max3A_1202, %select_n3A_1165 : vector<256x2xf32>
    %max3A_1204 = arith.maximumf %max3A_1203, %select_n3A_1175 : vector<256x2xf32>
    %max3A_1205 = arith.maximumf %max3A_1204, %select_n3A_1185 : vector<256x2xf32>
    %max3A_1206 = arith.maximumf %max3A_1205, %select_n3A_1195 : vector<256x2xf32>
    %sub3A_1207 = arith.subf %mul3A_1079, %max3A_1206 : vector<256x2xf32>
    %exp3A_1208 = math.exp %sub3A_1207 : vector<256x2xf32>
    %sub3A_1209 = arith.subf %select_n3A, %max3A_1206 : vector<256x2xf32>
    %exp3A_1210 = math.exp %sub3A_1209 : vector<256x2xf32>
    %sub3A_1211 = arith.subf %select_n3A_1099, %max3A_1206 : vector<256x2xf32>
    %exp3A_1212 = math.exp %sub3A_1211 : vector<256x2xf32>
    %sub3A_1213 = arith.subf %select_n3A_1110, %max3A_1206 : vector<256x2xf32>
    %exp3A_1214 = math.exp %sub3A_1213 : vector<256x2xf32>
    %sub3A_1215 = arith.subf %select_n3A_1121, %max3A_1206 : vector<256x2xf32>
    %exp3A_1216 = math.exp %sub3A_1215 : vector<256x2xf32>
    %sub3A_1217 = arith.subf %select_n3A_1132, %max3A_1206 : vector<256x2xf32>
    %exp3A_1218 = math.exp %sub3A_1217 : vector<256x2xf32>
    %sub3A_1219 = arith.subf %select_n3A_1143, %max3A_1206 : vector<256x2xf32>
    %exp3A_1220 = math.exp %sub3A_1219 : vector<256x2xf32>
    %sub3A_1221 = arith.subf %select_n3A_1154, %max3A_1206 : vector<256x2xf32>
    %exp3A_1222 = math.exp %sub3A_1221 : vector<256x2xf32>
    %sub3A_1223 = arith.subf %select_n3A_1165, %max3A_1206 : vector<256x2xf32>
    %exp3A_1224 = math.exp %sub3A_1223 : vector<256x2xf32>
    %sub3A_1225 = arith.subf %select_n3A_1175, %max3A_1206 : vector<256x2xf32>
    %exp3A_1226 = math.exp %sub3A_1225 : vector<256x2xf32>
    %sub3A_1227 = arith.subf %select_n3A_1185, %max3A_1206 : vector<256x2xf32>
    %exp3A_1228 = math.exp %sub3A_1227 : vector<256x2xf32>
    %sub3A_1229 = arith.subf %select_n3A_1195, %max3A_1206 : vector<256x2xf32>
    %exp3A_1230 = math.exp %sub3A_1229 : vector<256x2xf32>
    %add3A_1231 = arith.addf %exp3A_1208, %exp3A_1210 : vector<256x2xf32>
    %add3A_1232 = arith.addf %add3A_1231, %exp3A_1212 : vector<256x2xf32>
    %add3A_1233 = arith.addf %add3A_1232, %exp3A_1214 : vector<256x2xf32>
    %add3A_1234 = arith.addf %add3A_1233, %exp3A_1216 : vector<256x2xf32>
    %add3A_1235 = arith.addf %add3A_1234, %exp3A_1218 : vector<256x2xf32>
    %add3A_1236 = arith.addf %add3A_1235, %exp3A_1220 : vector<256x2xf32>
    %add3A_1237 = arith.addf %add3A_1236, %exp3A_1222 : vector<256x2xf32>
    %add3A_1238 = arith.addf %add3A_1237, %exp3A_1224 : vector<256x2xf32>
    %add3A_1239 = arith.addf %add3A_1238, %exp3A_1226 : vector<256x2xf32>
    %add3A_1240 = arith.addf %add3A_1239, %exp3A_1228 : vector<256x2xf32>
    %add3A_1241 = arith.addf %add3A_1240, %exp3A_1230 : vector<256x2xf32>
    %add3A_1242 = arith.constant 9.99999971E-10 : f32
    %add3A_1243 = vector.broadcast %add3A_1242 : f32 to vector<256x2xf32>
    %add3A_1244 = arith.addf %add3A_1241, %add3A_1243 : vector<256x2xf32>
    %div3A_1245 = arith.divf %exp3A_1208, %add3A_1244 : vector<256x2xf32>
    %dot_general3A_1246 = arith.constant dense<0.000000e+00> : vector<256x128xf32>
    %dot_general3A_1247 = tpu.matmul %div3A_1245, %get3A_4, %dot_general3A_1246 {dimension_numbers = #tpu.dot_dimension_numbers<[1], [0], [0], [1], [0, 0, 1, 1], [], []>, transpose_lhs_hint = false} : vector<256x2xf32>, vector<2x128xf32>, vector<256x128xf32> -> vector<256x128xf32>
    %mul3A_1248 = arith.mulf %dot_general3A_1247, %get3A_1073 : vector<256x128xf32>
    %div3A_1249 = arith.divf %exp3A_1210, %add3A_1244 : vector<256x2xf32>
    %dot_general3A_1250 = arith.constant dense<0.000000e+00> : vector<256x128xf32>
    %dot_general3A_1251 = tpu.matmul %div3A_1249, %get3A_4, %dot_general3A_1250 {dimension_numbers = #tpu.dot_dimension_numbers<[1], [0], [0], [1], [0, 0, 1, 1], [], []>, transpose_lhs_hint = false} : vector<256x2xf32>, vector<2x128xf32>, vector<256x128xf32> -> vector<256x128xf32>
    %mul3A_1252 = arith.mulf %dot_general3A_1251, %reshape3A_806 : vector<256x128xf32>
    %add3A_1253 = arith.addf %mul3A_1248, %mul3A_1252 : vector<256x128xf32>
    %div3A_1254 = arith.divf %exp3A_1212, %add3A_1244 : vector<256x2xf32>
    %dot_general3A_1255 = arith.constant dense<0.000000e+00> : vector<256x128xf32>
    %dot_general3A_1256 = tpu.matmul %div3A_1254, %get3A_4, %dot_general3A_1255 {dimension_numbers = #tpu.dot_dimension_numbers<[1], [0], [0], [1], [0, 0, 1, 1], [], []>, transpose_lhs_hint = false} : vector<256x2xf32>, vector<2x128xf32>, vector<256x128xf32> -> vector<256x128xf32>
    %mul3A_1257 = arith.mulf %dot_general3A_1256, %reshape3A_827 : vector<256x128xf32>
    %add3A_1258 = arith.addf %add3A_1253, %mul3A_1257 : vector<256x128xf32>
    %div3A_1259 = arith.divf %exp3A_1214, %add3A_1244 : vector<256x2xf32>
    %dot_general3A_1260 = arith.constant dense<0.000000e+00> : vector<256x128xf32>
    %dot_general3A_1261 = tpu.matmul %div3A_1259, %get3A_4, %dot_general3A_1260 {dimension_numbers = #tpu.dot_dimension_numbers<[1], [0], [0], [1], [0, 0, 1, 1], [], []>, transpose_lhs_hint = false} : vector<256x2xf32>, vector<2x128xf32>, vector<256x128xf32> -> vector<256x128xf32>
    %mul3A_1262 = arith.mulf %dot_general3A_1261, %reshape3A_852 : vector<256x128xf32>
    %add3A_1263 = arith.addf %add3A_1258, %mul3A_1262 : vector<256x128xf32>
    %div3A_1264 = arith.divf %exp3A_1216, %add3A_1244 : vector<256x2xf32>
    %dot_general3A_1265 = arith.constant dense<0.000000e+00> : vector<256x128xf32>
    %dot_general3A_1266 = tpu.matmul %div3A_1264, %get3A_4, %dot_general3A_1265 {dimension_numbers = #tpu.dot_dimension_numbers<[1], [0], [0], [1], [0, 0, 1, 1], [], []>, transpose_lhs_hint = false} : vector<256x2xf32>, vector<2x128xf32>, vector<256x128xf32> -> vector<256x128xf32>
    %mul3A_1267 = arith.mulf %dot_general3A_1266, %reshape3A_877 : vector<256x128xf32>
    %add3A_1268 = arith.addf %add3A_1263, %mul3A_1267 : vector<256x128xf32>
    %div3A_1269 = arith.divf %exp3A_1218, %add3A_1244 : vector<256x2xf32>
    %dot_general3A_1270 = arith.constant dense<0.000000e+00> : vector<256x128xf32>
    %dot_general3A_1271 = tpu.matmul %div3A_1269, %get3A_4, %dot_general3A_1270 {dimension_numbers = #tpu.dot_dimension_numbers<[1], [0], [0], [1], [0, 0, 1, 1], [], []>, transpose_lhs_hint = false} : vector<256x2xf32>, vector<2x128xf32>, vector<256x128xf32> -> vector<256x128xf32>
    %mul3A_1272 = arith.mulf %dot_general3A_1271, %reshape3A_902 : vector<256x128xf32>
    %add3A_1273 = arith.addf %add3A_1268, %mul3A_1272 : vector<256x128xf32>
    %div3A_1274 = arith.divf %exp3A_1220, %add3A_1244 : vector<256x2xf32>
    %dot_general3A_1275 = arith.constant dense<0.000000e+00> : vector<256x128xf32>
    %dot_general3A_1276 = tpu.matmul %div3A_1274, %get3A_4, %dot_general3A_1275 {dimension_numbers = #tpu.dot_dimension_numbers<[1], [0], [0], [1], [0, 0, 1, 1], [], []>, transpose_lhs_hint = false} : vector<256x2xf32>, vector<2x128xf32>, vector<256x128xf32> -> vector<256x128xf32>
    %mul3A_1277 = arith.mulf %dot_general3A_1276, %reshape3A_927 : vector<256x128xf32>
    %add3A_1278 = arith.addf %add3A_1273, %mul3A_1277 : vector<256x128xf32>
    %div3A_1279 = arith.divf %exp3A_1222, %add3A_1244 : vector<256x2xf32>
    %dot_general3A_1280 = arith.constant dense<0.000000e+00> : vector<256x128xf32>
    %dot_general3A_1281 = tpu.matmul %div3A_1279, %get3A_4, %dot_general3A_1280 {dimension_numbers = #tpu.dot_dimension_numbers<[1], [0], [0], [1], [0, 0, 1, 1], [], []>, transpose_lhs_hint = false} : vector<256x2xf32>, vector<2x128xf32>, vector<256x128xf32> -> vector<256x128xf32>
    %mul3A_1282 = arith.mulf %dot_general3A_1281, %reshape3A_952 : vector<256x128xf32>
    %add3A_1283 = arith.addf %add3A_1278, %mul3A_1282 : vector<256x128xf32>
    %div3A_1284 = arith.divf %exp3A_1224, %add3A_1244 : vector<256x2xf32>
    %dot_general3A_1285 = arith.constant dense<0.000000e+00> : vector<256x128xf32>
    %dot_general3A_1286 = tpu.matmul %div3A_1284, %get3A_4, %dot_general3A_1285 {dimension_numbers = #tpu.dot_dimension_numbers<[1], [0], [0], [1], [0, 0, 1, 1], [], []>, transpose_lhs_hint = false} : vector<256x2xf32>, vector<2x128xf32>, vector<256x128xf32> -> vector<256x128xf32>
    %mul3A_1287 = arith.mulf %dot_general3A_1286, %reshape3A_977 : vector<256x128xf32>
    %add3A_1288 = arith.addf %add3A_1283, %mul3A_1287 : vector<256x128xf32>
    %div3A_1289 = arith.divf %exp3A_1226, %add3A_1244 : vector<256x2xf32>
    %dot_general3A_1290 = arith.constant dense<0.000000e+00> : vector<256x128xf32>
    %dot_general3A_1291 = tpu.matmul %div3A_1289, %get3A_4, %dot_general3A_1290 {dimension_numbers = #tpu.dot_dimension_numbers<[1], [0], [0], [1], [0, 0, 1, 1], [], []>, transpose_lhs_hint = false} : vector<256x2xf32>, vector<2x128xf32>, vector<256x128xf32> -> vector<256x128xf32>
    %mul3A_1292 = vector.broadcast %broadcast_in_dim3A_1002 : vector<1x128xf32> to vector<256x128xf32>
    %mul3A_1293 = arith.mulf %dot_general3A_1291, %mul3A_1292 : vector<256x128xf32>
    %add3A_1294 = arith.addf %add3A_1288, %mul3A_1293 : vector<256x128xf32>
    %div3A_1295 = arith.divf %exp3A_1228, %add3A_1244 : vector<256x2xf32>
    %dot_general3A_1296 = arith.constant dense<0.000000e+00> : vector<256x128xf32>
    %dot_general3A_1297 = tpu.matmul %div3A_1295, %get3A_4, %dot_general3A_1296 {dimension_numbers = #tpu.dot_dimension_numbers<[1], [0], [0], [1], [0, 0, 1, 1], [], []>, transpose_lhs_hint = false} : vector<256x2xf32>, vector<2x128xf32>, vector<256x128xf32> -> vector<256x128xf32>
    %mul3A_1298 = vector.broadcast %broadcast_in_dim3A_1027 : vector<1x128xf32> to vector<256x128xf32>
    %mul3A_1299 = arith.mulf %dot_general3A_1297, %mul3A_1298 : vector<256x128xf32>
    %add3A_1300 = arith.addf %add3A_1294, %mul3A_1299 : vector<256x128xf32>
    %div3A_1301 = arith.divf %exp3A_1230, %add3A_1244 : vector<256x2xf32>
    %dot_general3A_1302 = arith.constant dense<0.000000e+00> : vector<256x128xf32>
    %dot_general3A_1303 = tpu.matmul %div3A_1301, %get3A_4, %dot_general3A_1302 {dimension_numbers = #tpu.dot_dimension_numbers<[1], [0], [0], [1], [0, 0, 1, 1], [], []>, transpose_lhs_hint = false} : vector<256x2xf32>, vector<2x128xf32>, vector<256x128xf32> -> vector<256x128xf32>
    %mul3A_1304 = vector.broadcast %broadcast_in_dim3A_1052 : vector<1x128xf32> to vector<256x128xf32>
    %mul3A_1305 = arith.mulf %dot_general3A_1303, %mul3A_1304 : vector<256x128xf32>
    %add3A_1306 = arith.addf %add3A_1300, %mul3A_1305 : vector<256x128xf32>
    %swap3A = arith.constant 0 : index
    %swap3A_1307 = arith.constant 0 : index
    %swap3A_1308 = arith.constant 0 : index
    %swap3A_1309 = vector.load %arg14[%swap3A, %swap3A_1307, %swap3A_1308] : memref<1x256x128xf32, #tpu.memory_space<vmem>>, vector<1x256x128xf32>
    %swap3A_1310 = vector.shape_cast %swap3A_1309 : vector<1x256x128xf32> to vector<256x128xf32>
    %swap3A_1311 = vector.shape_cast %add3A_1306 : vector<256x128xf32> to vector<1x256x128xf32>
    tpu.vector_store %arg14[%swap3A, %swap3A_1307, %swap3A_1308], %swap3A_1311 {strides = array<i32>} : memref<1x256x128xf32, #tpu.memory_space<vmem>>, vector<1x256x128xf32>,
    %get3A_1312 = arith.constant 0 : index
    %get3A_1313 = arith.constant 0 : index
    %get3A_1314 = arith.constant 0 : index
    %get3A_1315 = vector.load %arg6[%get3A_1312, %get3A_1313, %get3A_1314] : memref<1x256x128xf32, #tpu.memory_space<vmem>>, vector<1x256x128xf32>
    %get3A_1316 = vector.shape_cast %get3A_1315 : vector<1x256x128xf32> to vector<256x128xf32>
    %get3A_1317 = arith.constant 0 : index
    %get3A_1318 = arith.constant 0 : index
    %get3A_1319 = arith.constant 0 : index
    %get3A_1320 = vector.load %arg7[%get3A_1317, %get3A_1318, %get3A_1319] : memref<1x256x128xf32, #tpu.memory_space<vmem>>, vector<1x256x128xf32>
    %get3A_1321 = vector.shape_cast %get3A_1320 : vector<1x256x128xf32> to vector<256x128xf32>
    %get3A_1322 = arith.constant 0 : index
    %get3A_1323 = arith.constant 0 : index
    %get3A_1324 = arith.constant 0 : index
    %get3A_1325 = vector.load %arg8[%get3A_1322, %get3A_1323, %get3A_1324] : memref<1x256x128xf32, #tpu.memory_space<vmem>>, vector<1x256x128xf32>
    %get3A_1326 = vector.shape_cast %get3A_1325 : vector<1x256x128xf32> to vector<256x128xf32>
    %get3A_1327 = arith.constant 0 : index
    %get3A_1328 = arith.constant 0 : index
    %get3A_1329 = arith.constant 0 : index
    %get3A_1330 = vector.load %arg4[%get3A_1327, %get3A_1328, %get3A_1329] : memref<1x256x128xf32, #tpu.memory_space<vmem>>, vector<1x256x128xf32>
    %get3A_1331 = vector.shape_cast %get3A_1330 : vector<1x256x128xf32> to vector<256x128xf32>
    %get3A_1332 = arith.constant 0 : index
    %get3A_1333 = arith.constant 0 : index
    %get3A_1334 = arith.constant 0 : index
    %get3A_1335 = vector.load %arg5[%get3A_1332, %get3A_1333, %get3A_1334] : memref<1x256x128xf32, #tpu.memory_space<vmem>>, vector<1x256x128xf32>
    %get3A_1336 = vector.shape_cast %get3A_1335 : vector<1x256x128xf32> to vector<256x128xf32>
    %mul3A_1337 = arith.mulf %get3A_1316, %get3A_1321 : vector<256x128xf32>
    %dot_general3A_1338 = arith.constant dense<0.000000e+00> : vector<256x2xf32>
    %dot_general3A_1339 = tpu.matmul %mul3A_1337, %get3A_1, %dot_general3A_1338 {dimension_numbers = #tpu.dot_dimension_numbers<[1], [0], [0], [1], [0, 0, 1, 1], [], []>, transpose_lhs_hint = false} : vector<256x128xf32>, vector<128x2xf32>, vector<256x2xf32> -> vector<256x2xf32>
    %mul3A_1340 = arith.constant 1.250000e-01 : f32
    %mul3A_1341 = vector.broadcast %mul3A_1340 : f32 to vector<256x2xf32>
    %mul3A_1342 = arith.mulf %dot_general3A_1339, %mul3A_1341 : vector<256x2xf32>
    %mul3A_1343 = arith.mulf %get3A_1316, %get3A_1331 : vector<256x128xf32>
    %dot_general3A_1344 = arith.constant dense<0.000000e+00> : vector<256x2xf32>
    %dot_general3A_1345 = tpu.matmul %mul3A_1343, %get3A_1, %dot_general3A_1344 {dimension_numbers = #tpu.dot_dimension_numbers<[1], [0], [0], [1], [0, 0, 1, 1], [], []>, transpose_lhs_hint = false} : vector<256x128xf32>, vector<128x2xf32>, vector<256x2xf32> -> vector<256x2xf32>
    %mul3A_1346 = arith.constant 1.250000e-01 : f32
    %mul3A_1347 = vector.broadcast %mul3A_1346 : f32 to vector<256x2xf32>
    %mul3A_1348 = arith.mulf %dot_general3A_1345, %mul3A_1347 : vector<256x2xf32>
    %mul3A_1349 = arith.mulf %get3A_1316, %reshape3A_801 : vector<256x128xf32>
    %dot_general3A_1350 = arith.constant dense<0.000000e+00> : vector<256x2xf32>
    %dot_general3A_1351 = tpu.matmul %mul3A_1349, %get3A_1, %dot_general3A_1350 {dimension_numbers = #tpu.dot_dimension_numbers<[1], [0], [0], [1], [0, 0, 1, 1], [], []>, transpose_lhs_hint = false} : vector<256x128xf32>, vector<128x2xf32>, vector<256x2xf32> -> vector<256x2xf32>
    %mul3A_1352 = arith.constant 1.250000e-01 : f32
    %mul3A_1353 = vector.broadcast %mul3A_1352 : f32 to vector<256x2xf32>
    %mul3A_1354 = arith.mulf %dot_general3A_1351, %mul3A_1353 : vector<256x2xf32>
    %jit3A_1355 = arith.constant -1.000000e+09 : f32
    %broadcast_in_dim3A_1356 = vector.shape_cast %eq3A_812 : vector<256x1xi1> to vector<256x1xi1>
    %broadcast_in_dim3A_1357 = vector.broadcast %broadcast_in_dim3A_1356 : vector<256x1xi1> to vector<256x2xi1>
    %broadcast_in_dim3A_1358 = vector.broadcast %jit3A_1355 : f32 to vector<256x2xf32>
    %select_n3A_1359 = arith.select %broadcast_in_dim3A_1357, %broadcast_in_dim3A_1358, %mul3A_1354 : vector<256x2xi1>, vector<256x2xf32>
    %mul3A_1360 = arith.mulf %get3A_1316, %reshape3A_824 : vector<256x128xf32>
    %dot_general3A_1361 = arith.constant dense<0.000000e+00> : vector<256x2xf32>
    %dot_general3A_1362 = tpu.matmul %mul3A_1360, %get3A_1, %dot_general3A_1361 {dimension_numbers = #tpu.dot_dimension_numbers<[1], [0], [0], [1], [0, 0, 1, 1], [], []>, transpose_lhs_hint = false} : vector<256x128xf32>, vector<128x2xf32>, vector<256x2xf32> -> vector<256x2xf32>
    %mul3A_1363 = arith.constant 1.250000e-01 : f32
    %mul3A_1364 = vector.broadcast %mul3A_1363 : f32 to vector<256x2xf32>
    %mul3A_1365 = arith.mulf %dot_general3A_1362, %mul3A_1364 : vector<256x2xf32>
    %jit3A_1366 = arith.constant -1.000000e+09 : f32
    %broadcast_in_dim3A_1367 = vector.shape_cast %eq3A_836 : vector<256x1xi1> to vector<256x1xi1>
    %broadcast_in_dim3A_1368 = vector.broadcast %broadcast_in_dim3A_1367 : vector<256x1xi1> to vector<256x2xi1>
    %broadcast_in_dim3A_1369 = vector.broadcast %jit3A_1366 : f32 to vector<256x2xf32>
    %select_n3A_1370 = arith.select %broadcast_in_dim3A_1368, %broadcast_in_dim3A_1369, %mul3A_1365 : vector<256x2xi1>, vector<256x2xf32>
    %mul3A_1371 = arith.mulf %get3A_1316, %reshape3A_849 : vector<256x128xf32>
    %dot_general3A_1372 = arith.constant dense<0.000000e+00> : vector<256x2xf32>
    %dot_general3A_1373 = tpu.matmul %mul3A_1371, %get3A_1, %dot_general3A_1372 {dimension_numbers = #tpu.dot_dimension_numbers<[1], [0], [0], [1], [0, 0, 1, 1], [], []>, transpose_lhs_hint = false} : vector<256x128xf32>, vector<128x2xf32>, vector<256x2xf32> -> vector<256x2xf32>
    %mul3A_1374 = arith.constant 1.250000e-01 : f32
    %mul3A_1375 = vector.broadcast %mul3A_1374 : f32 to vector<256x2xf32>
    %mul3A_1376 = arith.mulf %dot_general3A_1373, %mul3A_1375 : vector<256x2xf32>
    %jit3A_1377 = arith.constant -1.000000e+09 : f32
    %broadcast_in_dim3A_1378 = vector.shape_cast %eq3A_861 : vector<256x1xi1> to vector<256x1xi1>
    %broadcast_in_dim3A_1379 = vector.broadcast %broadcast_in_dim3A_1378 : vector<256x1xi1> to vector<256x2xi1>
    %broadcast_in_dim3A_1380 = vector.broadcast %jit3A_1377 : f32 to vector<256x2xf32>
    %select_n3A_1381 = arith.select %broadcast_in_dim3A_1379, %broadcast_in_dim3A_1380, %mul3A_1376 : vector<256x2xi1>, vector<256x2xf32>
    %mul3A_1382 = arith.mulf %get3A_1316, %reshape3A_874 : vector<256x128xf32>
    %dot_general3A_1383 = arith.constant dense<0.000000e+00> : vector<256x2xf32>
    %dot_general3A_1384 = tpu.matmul %mul3A_1382, %get3A_1, %dot_general3A_1383 {dimension_numbers = #tpu.dot_dimension_numbers<[1], [0], [0], [1], [0, 0, 1, 1], [], []>, transpose_lhs_hint = false} : vector<256x128xf32>, vector<128x2xf32>, vector<256x2xf32> -> vector<256x2xf32>
    %mul3A_1385 = arith.constant 1.250000e-01 : f32
    %mul3A_1386 = vector.broadcast %mul3A_1385 : f32 to vector<256x2xf32>
    %mul3A_1387 = arith.mulf %dot_general3A_1384, %mul3A_1386 : vector<256x2xf32>
    %jit3A_1388 = arith.constant -1.000000e+09 : f32
    %broadcast_in_dim3A_1389 = vector.shape_cast %eq3A_886 : vector<256x1xi1> to vector<256x1xi1>
    %broadcast_in_dim3A_1390 = vector.broadcast %broadcast_in_dim3A_1389 : vector<256x1xi1> to vector<256x2xi1>
    %broadcast_in_dim3A_1391 = vector.broadcast %jit3A_1388 : f32 to vector<256x2xf32>
    %select_n3A_1392 = arith.select %broadcast_in_dim3A_1390, %broadcast_in_dim3A_1391, %mul3A_1387 : vector<256x2xi1>, vector<256x2xf32>
    %mul3A_1393 = arith.mulf %get3A_1316, %reshape3A_899 : vector<256x128xf32>
    %dot_general3A_1394 = arith.constant dense<0.000000e+00> : vector<256x2xf32>
    %dot_general3A_1395 = tpu.matmul %mul3A_1393, %get3A_1, %dot_general3A_1394 {dimension_numbers = #tpu.dot_dimension_numbers<[1], [0], [0], [1], [0, 0, 1, 1], [], []>, transpose_lhs_hint = false} : vector<256x128xf32>, vector<128x2xf32>, vector<256x2xf32> -> vector<256x2xf32>
    %mul3A_1396 = arith.constant 1.250000e-01 : f32
    %mul3A_1397 = vector.broadcast %mul3A_1396 : f32 to vector<256x2xf32>
    %mul3A_1398 = arith.mulf %dot_general3A_1395, %mul3A_1397 : vector<256x2xf32>
    %jit3A_1399 = arith.constant -1.000000e+09 : f32
    %broadcast_in_dim3A_1400 = vector.shape_cast %eq3A_911 : vector<256x1xi1> to vector<256x1xi1>
    %broadcast_in_dim3A_1401 = vector.broadcast %broadcast_in_dim3A_1400 : vector<256x1xi1> to vector<256x2xi1>
    %broadcast_in_dim3A_1402 = vector.broadcast %jit3A_1399 : f32 to vector<256x2xf32>
    %select_n3A_1403 = arith.select %broadcast_in_dim3A_1401, %broadcast_in_dim3A_1402, %mul3A_1398 : vector<256x2xi1>, vector<256x2xf32>
    %mul3A_1404 = arith.mulf %get3A_1316, %reshape3A_924 : vector<256x128xf32>
    %dot_general3A_1405 = arith.constant dense<0.000000e+00> : vector<256x2xf32>
    %dot_general3A_1406 = tpu.matmul %mul3A_1404, %get3A_1, %dot_general3A_1405 {dimension_numbers = #tpu.dot_dimension_numbers<[1], [0], [0], [1], [0, 0, 1, 1], [], []>, transpose_lhs_hint = false} : vector<256x128xf32>, vector<128x2xf32>, vector<256x2xf32> -> vector<256x2xf32>
    %mul3A_1407 = arith.constant 1.250000e-01 : f32
    %mul3A_1408 = vector.broadcast %mul3A_1407 : f32 to vector<256x2xf32>
    %mul3A_1409 = arith.mulf %dot_general3A_1406, %mul3A_1408 : vector<256x2xf32>
    %jit3A_1410 = arith.constant -1.000000e+09 : f32
    %broadcast_in_dim3A_1411 = vector.shape_cast %eq3A_936 : vector<256x1xi1> to vector<256x1xi1>
    %broadcast_in_dim3A_1412 = vector.broadcast %broadcast_in_dim3A_1411 : vector<256x1xi1> to vector<256x2xi1>
    %broadcast_in_dim3A_1413 = vector.broadcast %jit3A_1410 : f32 to vector<256x2xf32>
    %select_n3A_1414 = arith.select %broadcast_in_dim3A_1412, %broadcast_in_dim3A_1413, %mul3A_1409 : vector<256x2xi1>, vector<256x2xf32>
    %mul3A_1415 = arith.mulf %get3A_1316, %reshape3A_949 : vector<256x128xf32>
    %dot_general3A_1416 = arith.constant dense<0.000000e+00> : vector<256x2xf32>
    %dot_general3A_1417 = tpu.matmul %mul3A_1415, %get3A_1, %dot_general3A_1416 {dimension_numbers = #tpu.dot_dimension_numbers<[1], [0], [0], [1], [0, 0, 1, 1], [], []>, transpose_lhs_hint = false} : vector<256x128xf32>, vector<128x2xf32>, vector<256x2xf32> -> vector<256x2xf32>
    %mul3A_1418 = arith.constant 1.250000e-01 : f32
    %mul3A_1419 = vector.broadcast %mul3A_1418 : f32 to vector<256x2xf32>
    %mul3A_1420 = arith.mulf %dot_general3A_1417, %mul3A_1419 : vector<256x2xf32>
    %jit3A_1421 = arith.constant -1.000000e+09 : f32
    %broadcast_in_dim3A_1422 = vector.shape_cast %eq3A_961 : vector<256x1xi1> to vector<256x1xi1>
    %broadcast_in_dim3A_1423 = vector.broadcast %broadcast_in_dim3A_1422 : vector<256x1xi1> to vector<256x2xi1>
    %broadcast_in_dim3A_1424 = vector.broadcast %jit3A_1421 : f32 to vector<256x2xf32>
    %select_n3A_1425 = arith.select %broadcast_in_dim3A_1423, %broadcast_in_dim3A_1424, %mul3A_1420 : vector<256x2xi1>, vector<256x2xf32>
    %mul3A_1426 = arith.mulf %get3A_1316, %reshape3A_974 : vector<256x128xf32>
    %dot_general3A_1427 = arith.constant dense<0.000000e+00> : vector<256x2xf32>
    %dot_general3A_1428 = tpu.matmul %mul3A_1426, %get3A_1, %dot_general3A_1427 {dimension_numbers = #tpu.dot_dimension_numbers<[1], [0], [0], [1], [0, 0, 1, 1], [], []>, transpose_lhs_hint = false} : vector<256x128xf32>, vector<128x2xf32>, vector<256x2xf32> -> vector<256x2xf32>
    %mul3A_1429 = arith.constant 1.250000e-01 : f32
    %mul3A_1430 = vector.broadcast %mul3A_1429 : f32 to vector<256x2xf32>
    %mul3A_1431 = arith.mulf %dot_general3A_1428, %mul3A_1430 : vector<256x2xf32>
    %jit3A_1432 = arith.constant -1.000000e+09 : f32
    %broadcast_in_dim3A_1433 = vector.shape_cast %eq3A_986 : vector<256x1xi1> to vector<256x1xi1>
    %broadcast_in_dim3A_1434 = vector.broadcast %broadcast_in_dim3A_1433 : vector<256x1xi1> to vector<256x2xi1>
    %broadcast_in_dim3A_1435 = vector.broadcast %jit3A_1432 : f32 to vector<256x2xf32>
    %select_n3A_1436 = arith.select %broadcast_in_dim3A_1434, %broadcast_in_dim3A_1435, %mul3A_1431 : vector<256x2xi1>, vector<256x2xf32>
    %mul3A_1437 = vector.broadcast %broadcast_in_dim3A_997 : vector<1x128xf32> to vector<256x128xf32>
    %mul3A_1438 = arith.mulf %get3A_1316, %mul3A_1437 : vector<256x128xf32>
    %dot_general3A_1439 = arith.constant dense<0.000000e+00> : vector<256x2xf32>
    %dot_general3A_1440 = tpu.matmul %mul3A_1438, %get3A_1, %dot_general3A_1439 {dimension_numbers = #tpu.dot_dimension_numbers<[1], [0], [0], [1], [0, 0, 1, 1], [], []>, transpose_lhs_hint = false} : vector<256x128xf32>, vector<128x2xf32>, vector<256x2xf32> -> vector<256x2xf32>
    %mul3A_1441 = arith.constant 1.250000e-01 : f32
    %mul3A_1442 = vector.broadcast %mul3A_1441 : f32 to vector<256x2xf32>
    %mul3A_1443 = arith.mulf %dot_general3A_1440, %mul3A_1442 : vector<256x2xf32>
    %broadcast_in_dim3A_1444 = arith.constant -1.000000e+09 : f32
    %broadcast_in_dim3A_1445 = vector.broadcast %broadcast_in_dim3A_1444 : f32 to vector<256x2xf32>
    %select_n3A_1446 = arith.select %eq3A_1008, %broadcast_in_dim3A_1445, %mul3A_1443 : vector<256x2xf32>
    %mul3A_1447 = vector.broadcast %broadcast_in_dim3A_1022 : vector<1x128xf32> to vector<256x128xf32>
    %mul3A_1448 = arith.mulf %get3A_1316, %mul3A_1447 : vector<256x128xf32>
    %dot_general3A_1449 = arith.constant dense<0.000000e+00> : vector<256x2xf32>
    %dot_general3A_1450 = tpu.matmul %mul3A_1448, %get3A_1, %dot_general3A_1449 {dimension_numbers = #tpu.dot_dimension_numbers<[1], [0], [0], [1], [0, 0, 1, 1], [], []>, transpose_lhs_hint = false} : vector<256x128xf32>, vector<128x2xf32>, vector<256x2xf32> -> vector<256x2xf32>
    %mul3A_1451 = arith.constant 1.250000e-01 : f32
    %mul3A_1452 = vector.broadcast %mul3A_1451 : f32 to vector<256x2xf32>
    %mul3A_1453 = arith.mulf %dot_general3A_1450, %mul3A_1452 : vector<256x2xf32>
    %broadcast_in_dim3A_1454 = arith.constant -1.000000e+09 : f32
    %broadcast_in_dim3A_1455 = vector.broadcast %broadcast_in_dim3A_1454 : f32 to vector<256x2xf32>
    %select_n3A_1456 = arith.select %eq3A_1033, %broadcast_in_dim3A_1455, %mul3A_1453 : vector<256x2xf32>
    %mul3A_1457 = vector.broadcast %broadcast_in_dim3A_1047 : vector<1x128xf32> to vector<256x128xf32>
    %mul3A_1458 = arith.mulf %get3A_1316, %mul3A_1457 : vector<256x128xf32>
    %dot_general3A_1459 = arith.constant dense<0.000000e+00> : vector<256x2xf32>
    %dot_general3A_1460 = tpu.matmul %mul3A_1458, %get3A_1, %dot_general3A_1459 {dimension_numbers = #tpu.dot_dimension_numbers<[1], [0], [0], [1], [0, 0, 1, 1], [], []>, transpose_lhs_hint = false} : vector<256x128xf32>, vector<128x2xf32>, vector<256x2xf32> -> vector<256x2xf32>
    %mul3A_1461 = arith.constant 1.250000e-01 : f32
    %mul3A_1462 = vector.broadcast %mul3A_1461 : f32 to vector<256x2xf32>
    %mul3A_1463 = arith.mulf %dot_general3A_1460, %mul3A_1462 : vector<256x2xf32>
    %broadcast_in_dim3A_1464 = arith.constant -1.000000e+09 : f32
    %broadcast_in_dim3A_1465 = vector.broadcast %broadcast_in_dim3A_1464 : f32 to vector<256x2xf32>
    %select_n3A_1466 = arith.select %eq3A_1058, %broadcast_in_dim3A_1465, %mul3A_1463 : vector<256x2xf32>
    %max3A_1467 = arith.maximumf %mul3A_1342, %mul3A_1348 : vector<256x2xf32>
    %max3A_1468 = arith.maximumf %max3A_1467, %select_n3A_1359 : vector<256x2xf32>
    %max3A_1469 = arith.maximumf %max3A_1468, %select_n3A_1370 : vector<256x2xf32>
    %max3A_1470 = arith.maximumf %max3A_1469, %select_n3A_1381 : vector<256x2xf32>
    %max3A_1471 = arith.maximumf %max3A_1470, %select_n3A_1392 : vector<256x2xf32>
    %max3A_1472 = arith.maximumf %max3A_1471, %select_n3A_1403 : vector<256x2xf32>
    %max3A_1473 = arith.maximumf %max3A_1472, %select_n3A_1414 : vector<256x2xf32>
    %max3A_1474 = arith.maximumf %max3A_1473, %select_n3A_1425 : vector<256x2xf32>
    %max3A_1475 = arith.maximumf %max3A_1474, %select_n3A_1436 : vector<256x2xf32>
    %max3A_1476 = arith.maximumf %max3A_1475, %select_n3A_1446 : vector<256x2xf32>
    %max3A_1477 = arith.maximumf %max3A_1476, %select_n3A_1456 : vector<256x2xf32>
    %max3A_1478 = arith.maximumf %max3A_1477, %select_n3A_1466 : vector<256x2xf32>
    %sub3A_1479 = arith.subf %mul3A_1342, %max3A_1478 : vector<256x2xf32>
    %exp3A_1480 = math.exp %sub3A_1479 : vector<256x2xf32>
    %sub3A_1481 = arith.subf %mul3A_1348, %max3A_1478 : vector<256x2xf32>
    %exp3A_1482 = math.exp %sub3A_1481 : vector<256x2xf32>
    %sub3A_1483 = arith.subf %select_n3A_1359, %max3A_1478 : vector<256x2xf32>
    %exp3A_1484 = math.exp %sub3A_1483 : vector<256x2xf32>
    %sub3A_1485 = arith.subf %select_n3A_1370, %max3A_1478 : vector<256x2xf32>
    %exp3A_1486 = math.exp %sub3A_1485 : vector<256x2xf32>
    %sub3A_1487 = arith.subf %select_n3A_1381, %max3A_1478 : vector<256x2xf32>
    %exp3A_1488 = math.exp %sub3A_1487 : vector<256x2xf32>
    %sub3A_1489 = arith.subf %select_n3A_1392, %max3A_1478 : vector<256x2xf32>
    %exp3A_1490 = math.exp %sub3A_1489 : vector<256x2xf32>
    %sub3A_1491 = arith.subf %select_n3A_1403, %max3A_1478 : vector<256x2xf32>
    %exp3A_1492 = math.exp %sub3A_1491 : vector<256x2xf32>
    %sub3A_1493 = arith.subf %select_n3A_1414, %max3A_1478 : vector<256x2xf32>
    %exp3A_1494 = math.exp %sub3A_1493 : vector<256x2xf32>
    %sub3A_1495 = arith.subf %select_n3A_1425, %max3A_1478 : vector<256x2xf32>
    %exp3A_1496 = math.exp %sub3A_1495 : vector<256x2xf32>
    %sub3A_1497 = arith.subf %select_n3A_1436, %max3A_1478 : vector<256x2xf32>
    %exp3A_1498 = math.exp %sub3A_1497 : vector<256x2xf32>
    %sub3A_1499 = arith.subf %select_n3A_1446, %max3A_1478 : vector<256x2xf32>
    %exp3A_1500 = math.exp %sub3A_1499 : vector<256x2xf32>
    %sub3A_1501 = arith.subf %select_n3A_1456, %max3A_1478 : vector<256x2xf32>
    %exp3A_1502 = math.exp %sub3A_1501 : vector<256x2xf32>
    %sub3A_1503 = arith.subf %select_n3A_1466, %max3A_1478 : vector<256x2xf32>
    %exp3A_1504 = math.exp %sub3A_1503 : vector<256x2xf32>
    %add3A_1505 = arith.addf %exp3A_1480, %exp3A_1482 : vector<256x2xf32>
    %add3A_1506 = arith.addf %add3A_1505, %exp3A_1484 : vector<256x2xf32>
    %add3A_1507 = arith.addf %add3A_1506, %exp3A_1486 : vector<256x2xf32>
    %add3A_1508 = arith.addf %add3A_1507, %exp3A_1488 : vector<256x2xf32>
    %add3A_1509 = arith.addf %add3A_1508, %exp3A_1490 : vector<256x2xf32>
    %add3A_1510 = arith.addf %add3A_1509, %exp3A_1492 : vector<256x2xf32>
    %add3A_1511 = arith.addf %add3A_1510, %exp3A_1494 : vector<256x2xf32>
    %add3A_1512 = arith.addf %add3A_1511, %exp3A_1496 : vector<256x2xf32>
    %add3A_1513 = arith.addf %add3A_1512, %exp3A_1498 : vector<256x2xf32>
    %add3A_1514 = arith.addf %add3A_1513, %exp3A_1500 : vector<256x2xf32>
    %add3A_1515 = arith.addf %add3A_1514, %exp3A_1502 : vector<256x2xf32>
    %add3A_1516 = arith.addf %add3A_1515, %exp3A_1504 : vector<256x2xf32>
    %add3A_1517 = arith.constant 9.99999971E-10 : f32
    %add3A_1518 = vector.broadcast %add3A_1517 : f32 to vector<256x2xf32>
    %add3A_1519 = arith.addf %add3A_1516, %add3A_1518 : vector<256x2xf32>
    %div3A_1520 = arith.divf %exp3A_1480, %add3A_1519 : vector<256x2xf32>
    %dot_general3A_1521 = arith.constant dense<0.000000e+00> : vector<256x128xf32>
    %dot_general3A_1522 = tpu.matmul %div3A_1520, %get3A_4, %dot_general3A_1521 {dimension_numbers = #tpu.dot_dimension_numbers<[1], [0], [0], [1], [0, 0, 1, 1], [], []>, transpose_lhs_hint = false} : vector<256x2xf32>, vector<2x128xf32>, vector<256x128xf32> -> vector<256x128xf32>
    %mul3A_1523 = arith.mulf %dot_general3A_1522, %get3A_1326 : vector<256x128xf32>
    %div3A_1524 = arith.divf %exp3A_1482, %add3A_1519 : vector<256x2xf32>
    %dot_general3A_1525 = arith.constant dense<0.000000e+00> : vector<256x128xf32>
    %dot_general3A_1526 = tpu.matmul %div3A_1524, %get3A_4, %dot_general3A_1525 {dimension_numbers = #tpu.dot_dimension_numbers<[1], [0], [0], [1], [0, 0, 1, 1], [], []>, transpose_lhs_hint = false} : vector<256x2xf32>, vector<2x128xf32>, vector<256x128xf32> -> vector<256x128xf32>
    %mul3A_1527 = arith.mulf %dot_general3A_1526, %get3A_1336 : vector<256x128xf32>
    %add3A_1528 = arith.addf %mul3A_1523, %mul3A_1527 : vector<256x128xf32>
    %div3A_1529 = arith.divf %exp3A_1484, %add3A_1519 : vector<256x2xf32>
    %dot_general3A_1530 = arith.constant dense<0.000000e+00> : vector<256x128xf32>
    %dot_general3A_1531 = tpu.matmul %div3A_1529, %get3A_4, %dot_general3A_1530 {dimension_numbers = #tpu.dot_dimension_numbers<[1], [0], [0], [1], [0, 0, 1, 1], [], []>, transpose_lhs_hint = false} : vector<256x2xf32>, vector<2x128xf32>, vector<256x128xf32> -> vector<256x128xf32>
    %mul3A_1532 = arith.mulf %dot_general3A_1531, %reshape3A_806 : vector<256x128xf32>
    %add3A_1533 = arith.addf %add3A_1528, %mul3A_1532 : vector<256x128xf32>
    %div3A_1534 = arith.divf %exp3A_1486, %add3A_1519 : vector<256x2xf32>
    %dot_general3A_1535 = arith.constant dense<0.000000e+00> : vector<256x128xf32>
    %dot_general3A_1536 = tpu.matmul %div3A_1534, %get3A_4, %dot_general3A_1535 {dimension_numbers = #tpu.dot_dimension_numbers<[1], [0], [0], [1], [0, 0, 1, 1], [], []>, transpose_lhs_hint = false} : vector<256x2xf32>, vector<2x128xf32>, vector<256x128xf32> -> vector<256x128xf32>
    %mul3A_1537 = arith.mulf %dot_general3A_1536, %reshape3A_827 : vector<256x128xf32>
    %add3A_1538 = arith.addf %add3A_1533, %mul3A_1537 : vector<256x128xf32>
    %div3A_1539 = arith.divf %exp3A_1488, %add3A_1519 : vector<256x2xf32>
    %dot_general3A_1540 = arith.constant dense<0.000000e+00> : vector<256x128xf32>
    %dot_general3A_1541 = tpu.matmul %div3A_1539, %get3A_4, %dot_general3A_1540 {dimension_numbers = #tpu.dot_dimension_numbers<[1], [0], [0], [1], [0, 0, 1, 1], [], []>, transpose_lhs_hint = false} : vector<256x2xf32>, vector<2x128xf32>, vector<256x128xf32> -> vector<256x128xf32>
    %mul3A_1542 = arith.mulf %dot_general3A_1541, %reshape3A_852 : vector<256x128xf32>
    %add3A_1543 = arith.addf %add3A_1538, %mul3A_1542 : vector<256x128xf32>
    %div3A_1544 = arith.divf %exp3A_1490, %add3A_1519 : vector<256x2xf32>
    %dot_general3A_1545 = arith.constant dense<0.000000e+00> : vector<256x128xf32>
    %dot_general3A_1546 = tpu.matmul %div3A_1544, %get3A_4, %dot_general3A_1545 {dimension_numbers = #tpu.dot_dimension_numbers<[1], [0], [0], [1], [0, 0, 1, 1], [], []>, transpose_lhs_hint = false} : vector<256x2xf32>, vector<2x128xf32>, vector<256x128xf32> -> vector<256x128xf32>
    %mul3A_1547 = arith.mulf %dot_general3A_1546, %reshape3A_877 : vector<256x128xf32>
    %add3A_1548 = arith.addf %add3A_1543, %mul3A_1547 : vector<256x128xf32>
    %div3A_1549 = arith.divf %exp3A_1492, %add3A_1519 : vector<256x2xf32>
    %dot_general3A_1550 = arith.constant dense<0.000000e+00> : vector<256x128xf32>
    %dot_general3A_1551 = tpu.matmul %div3A_1549, %get3A_4, %dot_general3A_1550 {dimension_numbers = #tpu.dot_dimension_numbers<[1], [0], [0], [1], [0, 0, 1, 1], [], []>, transpose_lhs_hint = false} : vector<256x2xf32>, vector<2x128xf32>, vector<256x128xf32> -> vector<256x128xf32>
    %mul3A_1552 = arith.mulf %dot_general3A_1551, %reshape3A_902 : vector<256x128xf32>
    %add3A_1553 = arith.addf %add3A_1548, %mul3A_1552 : vector<256x128xf32>
    %div3A_1554 = arith.divf %exp3A_1494, %add3A_1519 : vector<256x2xf32>
    %dot_general3A_1555 = arith.constant dense<0.000000e+00> : vector<256x128xf32>
    %dot_general3A_1556 = tpu.matmul %div3A_1554, %get3A_4, %dot_general3A_1555 {dimension_numbers = #tpu.dot_dimension_numbers<[1], [0], [0], [1], [0, 0, 1, 1], [], []>, transpose_lhs_hint = false} : vector<256x2xf32>, vector<2x128xf32>, vector<256x128xf32> -> vector<256x128xf32>
    %mul3A_1557 = arith.mulf %dot_general3A_1556, %reshape3A_927 : vector<256x128xf32>
    %add3A_1558 = arith.addf %add3A_1553, %mul3A_1557 : vector<256x128xf32>
    %div3A_1559 = arith.divf %exp3A_1496, %add3A_1519 : vector<256x2xf32>
    %dot_general3A_1560 = arith.constant dense<0.000000e+00> : vector<256x128xf32>
    %dot_general3A_1561 = tpu.matmul %div3A_1559, %get3A_4, %dot_general3A_1560 {dimension_numbers = #tpu.dot_dimension_numbers<[1], [0], [0], [1], [0, 0, 1, 1], [], []>, transpose_lhs_hint = false} : vector<256x2xf32>, vector<2x128xf32>, vector<256x128xf32> -> vector<256x128xf32>
    %mul3A_1562 = arith.mulf %dot_general3A_1561, %reshape3A_952 : vector<256x128xf32>
    %add3A_1563 = arith.addf %add3A_1558, %mul3A_1562 : vector<256x128xf32>
    %div3A_1564 = arith.divf %exp3A_1498, %add3A_1519 : vector<256x2xf32>
    %dot_general3A_1565 = arith.constant dense<0.000000e+00> : vector<256x128xf32>
    %dot_general3A_1566 = tpu.matmul %div3A_1564, %get3A_4, %dot_general3A_1565 {dimension_numbers = #tpu.dot_dimension_numbers<[1], [0], [0], [1], [0, 0, 1, 1], [], []>, transpose_lhs_hint = false} : vector<256x2xf32>, vector<2x128xf32>, vector<256x128xf32> -> vector<256x128xf32>
    %mul3A_1567 = arith.mulf %dot_general3A_1566, %reshape3A_977 : vector<256x128xf32>
    %add3A_1568 = arith.addf %add3A_1563, %mul3A_1567 : vector<256x128xf32>
    %div3A_1569 = arith.divf %exp3A_1500, %add3A_1519 : vector<256x2xf32>
    %dot_general3A_1570 = arith.constant dense<0.000000e+00> : vector<256x128xf32>
    %dot_general3A_1571 = tpu.matmul %div3A_1569, %get3A_4, %dot_general3A_1570 {dimension_numbers = #tpu.dot_dimension_numbers<[1], [0], [0], [1], [0, 0, 1, 1], [], []>, transpose_lhs_hint = false} : vector<256x2xf32>, vector<2x128xf32>, vector<256x128xf32> -> vector<256x128xf32>
    %mul3A_1572 = vector.broadcast %broadcast_in_dim3A_1002 : vector<1x128xf32> to vector<256x128xf32>
    %mul3A_1573 = arith.mulf %dot_general3A_1571, %mul3A_1572 : vector<256x128xf32>
    %add3A_1574 = arith.addf %add3A_1568, %mul3A_1573 : vector<256x128xf32>
    %div3A_1575 = arith.divf %exp3A_1502, %add3A_1519 : vector<256x2xf32>
    %dot_general3A_1576 = arith.constant dense<0.000000e+00> : vector<256x128xf32>
    %dot_general3A_1577 = tpu.matmul %div3A_1575, %get3A_4, %dot_general3A_1576 {dimension_numbers = #tpu.dot_dimension_numbers<[1], [0], [0], [1], [0, 0, 1, 1], [], []>, transpose_lhs_hint = false} : vector<256x2xf32>, vector<2x128xf32>, vector<256x128xf32> -> vector<256x128xf32>
    %mul3A_1578 = vector.broadcast %broadcast_in_dim3A_1027 : vector<1x128xf32> to vector<256x128xf32>
    %mul3A_1579 = arith.mulf %dot_general3A_1577, %mul3A_1578 : vector<256x128xf32>
    %add3A_1580 = arith.addf %add3A_1574, %mul3A_1579 : vector<256x128xf32>
    %div3A_1581 = arith.divf %exp3A_1504, %add3A_1519 : vector<256x2xf32>
    %dot_general3A_1582 = arith.constant dense<0.000000e+00> : vector<256x128xf32>
    %dot_general3A_1583 = tpu.matmul %div3A_1581, %get3A_4, %dot_general3A_1582 {dimension_numbers = #tpu.dot_dimension_numbers<[1], [0], [0], [1], [0, 0, 1, 1], [], []>, transpose_lhs_hint = false} : vector<256x2xf32>, vector<2x128xf32>, vector<256x128xf32> -> vector<256x128xf32>
    %mul3A_1584 = vector.broadcast %broadcast_in_dim3A_1052 : vector<1x128xf32> to vector<256x128xf32>
    %mul3A_1585 = arith.mulf %dot_general3A_1583, %mul3A_1584 : vector<256x128xf32>
    %add3A_1586 = arith.addf %add3A_1580, %mul3A_1585 : vector<256x128xf32>
    %swap3A_1587 = arith.constant 0 : index
    %swap3A_1588 = arith.constant 0 : index
    %swap3A_1589 = arith.constant 0 : index
    %swap3A_1590 = vector.load %arg15[%swap3A_1587, %swap3A_1588, %swap3A_1589] : memref<1x256x128xf32, #tpu.memory_space<vmem>>, vector<1x256x128xf32>
    %swap3A_1591 = vector.shape_cast %swap3A_1590 : vector<1x256x128xf32> to vector<256x128xf32>
    %swap3A_1592 = vector.shape_cast %add3A_1586 : vector<256x128xf32> to vector<1x256x128xf32>
    tpu.vector_store %arg15[%swap3A_1587, %swap3A_1588, %swap3A_1589], %swap3A_1592 {strides = array<i32>} : memref<1x256x128xf32, #tpu.memory_space<vmem>>, vector<1x256x128xf32>,
    return
  }
  func.func @transform_0(%arg0: i32, %arg1: i32, %arg2: i32) -> (i32, i32, i32) {
    %c0_i32 = arith.constant 0 : i32
    return %arg0, %arg2, %arg1 : i32, i32, i32
  }
  func.func @transform_1(%arg0: i32, %arg1: i32, %arg2: i32) -> (i32, i32, i32) {
    %c0_i32 = arith.constant 0 : i32
    return %arg0, %arg2, %arg1 : i32, i32, i32
  }
  func.func @transform_2(%arg0: i32, %arg1: i32, %arg2: i32) -> (i32, i32, i32) {
    %c0_i32 = arith.constant 0 : i32
    return %arg0, %arg2, %arg1 : i32, i32, i32
  }
  func.func @transform_3(%arg0: i32, %arg1: i32, %arg2: i32) -> (i32, i32, i32) {
    %add3A = arith.constant 8 : i32
    %add3A_0 = arith.addi %add3A, %arg1 : i32
    %c0_i32 = arith.constant 0 : i32
    return %arg0, %arg2, %add3A_0 : i32, i32, i32
  }
  func.func @transform_4(%arg0: i32, %arg1: i32, %arg2: i32) -> (i32, i32, i32) {
    %add3A = arith.constant 8 : i32
    %add3A_0 = arith.addi %add3A, %arg1 : i32
    %c0_i32 = arith.constant 0 : i32
    return %arg0, %arg2, %add3A_0 : i32, i32, i32
  }
  func.func @transform_5(%arg0: i32, %arg1: i32, %arg2: i32) -> (i32, i32, i32) {
    %add3A = arith.constant 8 : i32
    %add3A_0 = arith.addi %add3A, %arg1 : i32
    %c0_i32 = arith.constant 0 : i32
    return %arg0, %arg2, %add3A_0 : i32, i32, i32
  }
  func.func @transform_6(%arg0: i32, %arg1: i32, %arg2: i32) -> (i32, i32, i32, i32) {
    %c0_i32 = arith.constant 0 : i32
    %c0_i32_0 = arith.constant 0 : i32
    %c0_i32_1 = arith.constant 0 : i32
    return %arg0, %arg1, %c0_i32, %c0_i32_0 : i32, i32, i32, i32
  }
  func.func @transform_7(%arg0: i32, %arg1: i32, %arg2: i32) -> (i32, i32, i32, i32) {
    %c0_i32 = arith.constant 0 : i32
    %c0_i32_0 = arith.constant 0 : i32
    %c0_i32_1 = arith.constant 0 : i32
    return %arg0, %arg1, %c0_i32, %c0_i32_0 : i32, i32, i32, i32
  }
  func.func @transform_8(%arg0: i32, %arg1: i32, %arg2: i32) -> (i32, i32, i32, i32) {
    %c0_i32 = arith.constant 0 : i32
    %c0_i32_0 = arith.constant 0 : i32
    %c0_i32_1 = arith.constant 0 : i32
    return %arg0, %arg1, %c0_i32, %c0_i32_0 : i32, i32, i32, i32
  }
  func.func @transform_9(%arg0: i32, %arg1: i32, %arg2: i32) -> (i32, i32) {
    %c0_i32 = arith.constant 0 : i32
    %c0_i32_0 = arith.constant 0 : i32
    %c0_i32_1 = arith.constant 0 : i32
    return %c0_i32, %c0_i32_0 : i32, i32
  }
  func.func @transform_10(%arg0: i32, %arg1: i32, %arg2: i32) -> (i32, i32) {
    %c0_i32 = arith.constant 0 : i32
    %c0_i32_0 = arith.constant 0 : i32
    %c0_i32_1 = arith.constant 0 : i32
    return %c0_i32, %c0_i32_0 : i32, i32
  }
  func.func @transform_11(%arg0: i32, %arg1: i32, %arg2: i32) -> (i32, i32, i32) {
    %c0_i32 = arith.constant 0 : i32
    return %arg0, %arg2, %arg1 : i32, i32, i32
  }
  func.func @transform_12(%arg0: i32, %arg1: i32, %arg2: i32) -> (i32, i32, i32) {
    %c0_i32 = arith.constant 0 : i32
    return %arg0, %arg2, %arg1 : i32, i32, i32
  }
}

module attributes {stable_mosaic.version = 14 : i64} {
  func.func @_build_top_kernel(%arg0: i32, %arg1: i32, %arg2: i32, %arg3: memref<1x256x128xf32, #tpu.memory_space<vmem>>, %arg4: memref<1x256x128xf32, #tpu.memory_space<vmem>>, %arg5: memref<1x256x128xf32, #tpu.memory_space<vmem>>, %arg6: memref<1x256x128xf32, #tpu.memory_space<vmem>>, %arg7: memref<1x256x128xf32, #tpu.memory_space<vmem>>, %arg8: memref<1x256x128xf32, #tpu.memory_space<vmem>>, %arg9: memref<128x2xf32, #tpu.memory_space<vmem>>, %arg10: memref<2x128xf32, #tpu.memory_space<vmem>>, %arg11: memref<1x1x8x128xf32, #tpu.memory_space<vmem>>, %arg12: memref<1x1x8x128xf32, #tpu.memory_space<vmem>>, %arg13: memref<1x1x8x128xf32, #tpu.memory_space<vmem>>) attributes {dimension_semantics = [#tpu.dimension_semantics<arbitrary>, #tpu.dimension_semantics<arbitrary>, #tpu.dimension_semantics<arbitrary>], iteration_bounds = array<i64: 2, 8, 8>, scalar_prefetch = 0 : i64, scratch_operands = 0 : i64, tpu.core_type = #tpu.core_type<tc>, window_params = [{transform_indices = @transform_0, window_bounds = array<i64: 1, 256, 128>}, {transform_indices = @transform_1, window_bounds = array<i64: 1, 256, 128>}, {transform_indices = @transform_2, window_bounds = array<i64: 1, 256, 128>}, {transform_indices = @transform_3, window_bounds = array<i64: 1, 256, 128>}, {transform_indices = @transform_4, window_bounds = array<i64: 1, 256, 128>}, {transform_indices = @transform_5, window_bounds = array<i64: 1, 256, 128>}, {pipeline_mode = #tpu.pipeline_mode<synchronous>, transform_indices = @transform_6, window_bounds = array<i64: 128, 2>}, {pipeline_mode = #tpu.pipeline_mode<synchronous>, transform_indices = @transform_7, window_bounds = array<i64: 2, 128>}, {transform_indices = @transform_8, window_bounds = array<i64: 1, 1, 8, 128>}, {transform_indices = @transform_9, window_bounds = array<i64: 1, 1, 8, 128>}, {transform_indices = @transform_10, window_bounds = array<i64: 1, 1, 8, 128>}]} {
    %get3A = arith.constant 0 : index
    %get3A_0 = arith.constant 0 : index
    %get3A_1 = vector.load %arg9[%get3A, %get3A_0] : memref<128x2xf32, #tpu.memory_space<vmem>>, vector<128x2xf32>
    %get3A_2 = arith.constant 0 : index
    %get3A_3 = arith.constant 0 : index
    %get3A_4 = vector.load %arg10[%get3A_2, %get3A_3] : memref<2x128xf32, #tpu.memory_space<vmem>>, vector<2x128xf32>
    %get3A_5 = arith.constant 0 : index
    %get3A_6 = arith.constant 0 : index
    %get3A_7 = arith.constant 0 : index
    %get3A_8 = vector.load %arg3[%get3A_5, %get3A_6, %get3A_7] : memref<1x256x128xf32, #tpu.memory_space<vmem>>, vector<1x256x128xf32>
    %get3A_9 = vector.shape_cast %get3A_8 : vector<1x256x128xf32> to vector<256x128xf32>
    %get3A_10 = arith.constant 0 : index
    %get3A_11 = arith.constant 0 : index
    %get3A_12 = arith.constant 0 : index
    %get3A_13 = vector.load %arg6[%get3A_10, %get3A_11, %get3A_12] : memref<1x256x128xf32, #tpu.memory_space<vmem>>, vector<1x256x128xf32>
    %get3A_14 = vector.shape_cast %get3A_13 : vector<1x256x128xf32> to vector<256x128xf32>
    %get3A_15 = arith.constant 0 : index
    %get3A_16 = arith.constant 0 : index
    %get3A_17 = arith.constant 0 : index
    %get3A_18 = vector.load %arg4[%get3A_15, %get3A_16, %get3A_17] : memref<1x256x128xf32, #tpu.memory_space<vmem>>, vector<1x256x128xf32>
    %get3A_19 = vector.shape_cast %get3A_18 : vector<1x256x128xf32> to vector<256x128xf32>
    %get3A_20 = arith.constant 0 : index
    %get3A_21 = arith.constant 0 : index
    %get3A_22 = arith.constant 0 : index
    %get3A_23 = vector.load %arg7[%get3A_20, %get3A_21, %get3A_22] : memref<1x256x128xf32, #tpu.memory_space<vmem>>, vector<1x256x128xf32>
    %get3A_24 = vector.shape_cast %get3A_23 : vector<1x256x128xf32> to vector<256x128xf32>
    %get3A_25 = arith.constant 0 : index
    %get3A_26 = arith.constant 0 : index
    %get3A_27 = arith.constant 0 : index
    %get3A_28 = vector.load %arg5[%get3A_25, %get3A_26, %get3A_27] : memref<1x256x128xf32, #tpu.memory_space<vmem>>, vector<1x256x128xf32>
    %get3A_29 = vector.shape_cast %get3A_28 : vector<1x256x128xf32> to vector<256x128xf32>
    %get3A_30 = arith.constant 0 : index
    %get3A_31 = arith.constant 0 : index
    %get3A_32 = arith.constant 0 : index
    %get3A_33 = vector.load %arg8[%get3A_30, %get3A_31, %get3A_32] : memref<1x256x128xf32, #tpu.memory_space<vmem>>, vector<1x256x128xf32>
    %get3A_34 = vector.shape_cast %get3A_33 : vector<1x256x128xf32> to vector<256x128xf32>
    %add3A = arith.addf %get3A_9, %get3A_14 : vector<256x128xf32>
    %mul3A = arith.constant 5.000000e-01 : f32
    %mul3A_35 = vector.broadcast %mul3A : f32 to vector<256x128xf32>
    %mul3A_36 = arith.mulf %mul3A_35, %add3A : vector<256x128xf32>
    %add3A_37 = arith.addf %get3A_19, %get3A_24 : vector<256x128xf32>
    %mul3A_38 = arith.constant 5.000000e-01 : f32
    %mul3A_39 = vector.broadcast %mul3A_38 : f32 to vector<256x128xf32>
    %mul3A_40 = arith.mulf %mul3A_39, %add3A_37 : vector<256x128xf32>
    %add3A_41 = arith.addf %get3A_29, %get3A_34 : vector<256x128xf32>
    %mul3A_42 = arith.constant 5.000000e-01 : f32
    %mul3A_43 = vector.broadcast %mul3A_42 : f32 to vector<256x128xf32>
    %mul3A_44 = arith.mulf %mul3A_43, %add3A_41 : vector<256x128xf32>
    %mul3A_45 = arith.mulf %mul3A_36, %mul3A_40 : vector<256x128xf32>
    %dot_general3A = arith.constant dense<0.000000e+00> : vector<256x2xf32>
    %dot_general3A_46 = tpu.matmul %mul3A_45, %get3A_1, %dot_general3A {dimension_numbers = #tpu.dot_dimension_numbers<[1], [0], [0], [1], [0, 0, 1, 1], [], []>, transpose_lhs_hint = false} : vector<256x128xf32>, vector<128x2xf32>, vector<256x2xf32> -> vector<256x2xf32>
    %mul3A_47 = arith.constant 1.250000e-01 : f32
    %mul3A_48 = vector.broadcast %mul3A_47 : f32 to vector<256x2xf32>
    %mul3A_49 = arith.mulf %dot_general3A_46, %mul3A_48 : vector<256x2xf32>
    %mul3A_50 = arith.mulf %mul3A_36, %get3A_19 : vector<256x128xf32>
    %dot_general3A_51 = arith.constant dense<0.000000e+00> : vector<256x2xf32>
    %dot_general3A_52 = tpu.matmul %mul3A_50, %get3A_1, %dot_general3A_51 {dimension_numbers = #tpu.dot_dimension_numbers<[1], [0], [0], [1], [0, 0, 1, 1], [], []>, transpose_lhs_hint = false} : vector<256x128xf32>, vector<128x2xf32>, vector<256x2xf32> -> vector<256x2xf32>
    %mul3A_53 = arith.constant 1.250000e-01 : f32
    %mul3A_54 = vector.broadcast %mul3A_53 : f32 to vector<256x2xf32>
    %mul3A_55 = arith.mulf %dot_general3A_52, %mul3A_54 : vector<256x2xf32>
    %mul3A_56 = arith.mulf %mul3A_36, %get3A_24 : vector<256x128xf32>
    %dot_general3A_57 = arith.constant dense<0.000000e+00> : vector<256x2xf32>
    %dot_general3A_58 = tpu.matmul %mul3A_56, %get3A_1, %dot_general3A_57 {dimension_numbers = #tpu.dot_dimension_numbers<[1], [0], [0], [1], [0, 0, 1, 1], [], []>, transpose_lhs_hint = false} : vector<256x128xf32>, vector<128x2xf32>, vector<256x2xf32> -> vector<256x2xf32>
    %mul3A_59 = arith.constant 1.250000e-01 : f32
    %mul3A_60 = vector.broadcast %mul3A_59 : f32 to vector<256x2xf32>
    %mul3A_61 = arith.mulf %dot_general3A_58, %mul3A_60 : vector<256x2xf32>
    %max3A = arith.maximumf %mul3A_55, %mul3A_61 : vector<256x2xf32>
    %max3A_62 = arith.maximumf %mul3A_49, %max3A : vector<256x2xf32>
    %sub3A = arith.subf %mul3A_49, %max3A_62 : vector<256x2xf32>
    %exp3A = math.exp %sub3A : vector<256x2xf32>
    %sub3A_63 = arith.subf %mul3A_55, %max3A_62 : vector<256x2xf32>
    %exp3A_64 = math.exp %sub3A_63 : vector<256x2xf32>
    %sub3A_65 = arith.subf %mul3A_61, %max3A_62 : vector<256x2xf32>
    %exp3A_66 = math.exp %sub3A_65 : vector<256x2xf32>
    %add3A_67 = arith.addf %exp3A, %exp3A_64 : vector<256x2xf32>
    %add3A_68 = arith.addf %add3A_67, %exp3A_66 : vector<256x2xf32>
    %add3A_69 = arith.constant 9.99999971E-10 : f32
    %add3A_70 = vector.broadcast %add3A_69 : f32 to vector<256x2xf32>
    %add3A_71 = arith.addf %add3A_68, %add3A_70 : vector<256x2xf32>
    %div3A = arith.divf %exp3A, %add3A_71 : vector<256x2xf32>
    %dot_general3A_72 = arith.constant dense<0.000000e+00> : vector<256x128xf32>
    %dot_general3A_73 = tpu.matmul %div3A, %get3A_4, %dot_general3A_72 {dimension_numbers = #tpu.dot_dimension_numbers<[1], [0], [0], [1], [0, 0, 1, 1], [], []>, transpose_lhs_hint = false} : vector<256x2xf32>, vector<2x128xf32>, vector<256x128xf32> -> vector<256x128xf32>
    %div3A_74 = arith.divf %exp3A_64, %add3A_71 : vector<256x2xf32>
    %dot_general3A_75 = arith.constant dense<0.000000e+00> : vector<256x128xf32>
    %dot_general3A_76 = tpu.matmul %div3A_74, %get3A_4, %dot_general3A_75 {dimension_numbers = #tpu.dot_dimension_numbers<[1], [0], [0], [1], [0, 0, 1, 1], [], []>, transpose_lhs_hint = false} : vector<256x2xf32>, vector<2x128xf32>, vector<256x128xf32> -> vector<256x128xf32>
    %div3A_77 = arith.divf %exp3A_66, %add3A_71 : vector<256x2xf32>
    %dot_general3A_78 = arith.constant dense<0.000000e+00> : vector<256x128xf32>
    %dot_general3A_79 = tpu.matmul %div3A_77, %get3A_4, %dot_general3A_78 {dimension_numbers = #tpu.dot_dimension_numbers<[1], [0], [0], [1], [0, 0, 1, 1], [], []>, transpose_lhs_hint = false} : vector<256x2xf32>, vector<2x128xf32>, vector<256x128xf32> -> vector<256x128xf32>
    %mul3A_80 = arith.mulf %dot_general3A_73, %mul3A_40 : vector<256x128xf32>
    %mul3A_81 = arith.mulf %dot_general3A_76, %get3A_19 : vector<256x128xf32>
    %add3A_82 = arith.addf %mul3A_80, %mul3A_81 : vector<256x128xf32>
    %mul3A_83 = arith.mulf %dot_general3A_79, %get3A_24 : vector<256x128xf32>
    %add3A_84 = arith.addf %add3A_82, %mul3A_83 : vector<256x128xf32>
    %mul3A_85 = arith.mulf %dot_general3A_73, %mul3A_44 : vector<256x128xf32>
    %mul3A_86 = arith.mulf %dot_general3A_76, %get3A_29 : vector<256x128xf32>
    %add3A_87 = arith.addf %mul3A_85, %mul3A_86 : vector<256x128xf32>
    %mul3A_88 = arith.mulf %dot_general3A_79, %get3A_34 : vector<256x128xf32>
    %add3A_89 = arith.addf %add3A_87, %mul3A_88 : vector<256x128xf32>
    %reshape3A = vector.shape_cast %mul3A_36 : vector<256x128xf32> to vector<128x2x128xf32>
    %slice3A = vector.extract_strided_slice %reshape3A {offsets = [0, 0, 0], sizes = [128, 1, 128], strides = [1, 1, 1]} : vector<128x2x128xf32> to vector<128x1x128xf32>
    %squeeze3A = vector.shape_cast %slice3A : vector<128x1x128xf32> to vector<128x128xf32>
    %slice3A_90 = vector.extract_strided_slice %reshape3A {offsets = [0, 1, 0], sizes = [128, 1, 128], strides = [1, 1, 1]} : vector<128x2x128xf32> to vector<128x1x128xf32>
    %squeeze3A_91 = vector.shape_cast %slice3A_90 : vector<128x1x128xf32> to vector<128x128xf32>
    %reshape3A_92 = vector.shape_cast %add3A_84 : vector<256x128xf32> to vector<128x2x128xf32>
    %slice3A_93 = vector.extract_strided_slice %reshape3A_92 {offsets = [0, 0, 0], sizes = [128, 1, 128], strides = [1, 1, 1]} : vector<128x2x128xf32> to vector<128x1x128xf32>
    %squeeze3A_94 = vector.shape_cast %slice3A_93 : vector<128x1x128xf32> to vector<128x128xf32>
    %slice3A_95 = vector.extract_strided_slice %reshape3A_92 {offsets = [0, 1, 0], sizes = [128, 1, 128], strides = [1, 1, 1]} : vector<128x2x128xf32> to vector<128x1x128xf32>
    %squeeze3A_96 = vector.shape_cast %slice3A_95 : vector<128x1x128xf32> to vector<128x128xf32>
    %reshape3A_97 = vector.shape_cast %add3A_89 : vector<256x128xf32> to vector<128x2x128xf32>
    %slice3A_98 = vector.extract_strided_slice %reshape3A_97 {offsets = [0, 0, 0], sizes = [128, 1, 128], strides = [1, 1, 1]} : vector<128x2x128xf32> to vector<128x1x128xf32>
    %squeeze3A_99 = vector.shape_cast %slice3A_98 : vector<128x1x128xf32> to vector<128x128xf32>
    %slice3A_100 = vector.extract_strided_slice %reshape3A_97 {offsets = [0, 1, 0], sizes = [128, 1, 128], strides = [1, 1, 1]} : vector<128x2x128xf32> to vector<128x1x128xf32>
    %squeeze3A_101 = vector.shape_cast %slice3A_100 : vector<128x1x128xf32> to vector<128x128xf32>
    %add3A_102 = arith.addf %squeeze3A, %squeeze3A_91 : vector<128x128xf32>
    %mul3A_103 = arith.constant 5.000000e-01 : f32
    %mul3A_104 = vector.broadcast %mul3A_103 : f32 to vector<128x128xf32>
    %mul3A_105 = arith.mulf %mul3A_104, %add3A_102 : vector<128x128xf32>
    %add3A_106 = arith.addf %squeeze3A_94, %squeeze3A_96 : vector<128x128xf32>
    %mul3A_107 = arith.constant 5.000000e-01 : f32
    %mul3A_108 = vector.broadcast %mul3A_107 : f32 to vector<128x128xf32>
    %mul3A_109 = arith.mulf %mul3A_108, %add3A_106 : vector<128x128xf32>
    %add3A_110 = arith.addf %squeeze3A_99, %squeeze3A_101 : vector<128x128xf32>
    %mul3A_111 = arith.constant 5.000000e-01 : f32
    %mul3A_112 = vector.broadcast %mul3A_111 : f32 to vector<128x128xf32>
    %mul3A_113 = arith.mulf %mul3A_112, %add3A_110 : vector<128x128xf32>
    %mul3A_114 = arith.mulf %mul3A_105, %mul3A_109 : vector<128x128xf32>
    %dot_general3A_115 = arith.constant dense<0.000000e+00> : vector<128x2xf32>
    %dot_general3A_116 = tpu.matmul %mul3A_114, %get3A_1, %dot_general3A_115 {dimension_numbers = #tpu.dot_dimension_numbers<[1], [0], [0], [1], [0, 0, 1, 1], [], []>, transpose_lhs_hint = false} : vector<128x128xf32>, vector<128x2xf32>, vector<128x2xf32> -> vector<128x2xf32>
    %mul3A_117 = arith.constant 1.250000e-01 : f32
    %mul3A_118 = vector.broadcast %mul3A_117 : f32 to vector<128x2xf32>
    %mul3A_119 = arith.mulf %dot_general3A_116, %mul3A_118 : vector<128x2xf32>
    %mul3A_120 = arith.mulf %mul3A_105, %squeeze3A_94 : vector<128x128xf32>
    %dot_general3A_121 = arith.constant dense<0.000000e+00> : vector<128x2xf32>
    %dot_general3A_122 = tpu.matmul %mul3A_120, %get3A_1, %dot_general3A_121 {dimension_numbers = #tpu.dot_dimension_numbers<[1], [0], [0], [1], [0, 0, 1, 1], [], []>, transpose_lhs_hint = false} : vector<128x128xf32>, vector<128x2xf32>, vector<128x2xf32> -> vector<128x2xf32>
    %mul3A_123 = arith.constant 1.250000e-01 : f32
    %mul3A_124 = vector.broadcast %mul3A_123 : f32 to vector<128x2xf32>
    %mul3A_125 = arith.mulf %dot_general3A_122, %mul3A_124 : vector<128x2xf32>
    %mul3A_126 = arith.mulf %mul3A_105, %squeeze3A_96 : vector<128x128xf32>
    %dot_general3A_127 = arith.constant dense<0.000000e+00> : vector<128x2xf32>
    %dot_general3A_128 = tpu.matmul %mul3A_126, %get3A_1, %dot_general3A_127 {dimension_numbers = #tpu.dot_dimension_numbers<[1], [0], [0], [1], [0, 0, 1, 1], [], []>, transpose_lhs_hint = false} : vector<128x128xf32>, vector<128x2xf32>, vector<128x2xf32> -> vector<128x2xf32>
    %mul3A_129 = arith.constant 1.250000e-01 : f32
    %mul3A_130 = vector.broadcast %mul3A_129 : f32 to vector<128x2xf32>
    %mul3A_131 = arith.mulf %dot_general3A_128, %mul3A_130 : vector<128x2xf32>
    %max3A_132 = arith.maximumf %mul3A_125, %mul3A_131 : vector<128x2xf32>
    %max3A_133 = arith.maximumf %mul3A_119, %max3A_132 : vector<128x2xf32>
    %sub3A_134 = arith.subf %mul3A_119, %max3A_133 : vector<128x2xf32>
    %exp3A_135 = math.exp %sub3A_134 : vector<128x2xf32>
    %sub3A_136 = arith.subf %mul3A_125, %max3A_133 : vector<128x2xf32>
    %exp3A_137 = math.exp %sub3A_136 : vector<128x2xf32>
    %sub3A_138 = arith.subf %mul3A_131, %max3A_133 : vector<128x2xf32>
    %exp3A_139 = math.exp %sub3A_138 : vector<128x2xf32>
    %add3A_140 = arith.addf %exp3A_135, %exp3A_137 : vector<128x2xf32>
    %add3A_141 = arith.addf %add3A_140, %exp3A_139 : vector<128x2xf32>
    %add3A_142 = arith.constant 9.99999971E-10 : f32
    %add3A_143 = vector.broadcast %add3A_142 : f32 to vector<128x2xf32>
    %add3A_144 = arith.addf %add3A_141, %add3A_143 : vector<128x2xf32>
    %div3A_145 = arith.divf %exp3A_135, %add3A_144 : vector<128x2xf32>
    %dot_general3A_146 = arith.constant dense<0.000000e+00> : vector<128x128xf32>
    %dot_general3A_147 = tpu.matmul %div3A_145, %get3A_4, %dot_general3A_146 {dimension_numbers = #tpu.dot_dimension_numbers<[1], [0], [0], [1], [0, 0, 1, 1], [], []>, transpose_lhs_hint = false} : vector<128x2xf32>, vector<2x128xf32>, vector<128x128xf32> -> vector<128x128xf32>
    %div3A_148 = arith.divf %exp3A_137, %add3A_144 : vector<128x2xf32>
    %dot_general3A_149 = arith.constant dense<0.000000e+00> : vector<128x128xf32>
    %dot_general3A_150 = tpu.matmul %div3A_148, %get3A_4, %dot_general3A_149 {dimension_numbers = #tpu.dot_dimension_numbers<[1], [0], [0], [1], [0, 0, 1, 1], [], []>, transpose_lhs_hint = false} : vector<128x2xf32>, vector<2x128xf32>, vector<128x128xf32> -> vector<128x128xf32>
    %div3A_151 = arith.divf %exp3A_139, %add3A_144 : vector<128x2xf32>
    %dot_general3A_152 = arith.constant dense<0.000000e+00> : vector<128x128xf32>
    %dot_general3A_153 = tpu.matmul %div3A_151, %get3A_4, %dot_general3A_152 {dimension_numbers = #tpu.dot_dimension_numbers<[1], [0], [0], [1], [0, 0, 1, 1], [], []>, transpose_lhs_hint = false} : vector<128x2xf32>, vector<2x128xf32>, vector<128x128xf32> -> vector<128x128xf32>
    %mul3A_154 = arith.mulf %dot_general3A_147, %mul3A_109 : vector<128x128xf32>
    %mul3A_155 = arith.mulf %dot_general3A_150, %squeeze3A_94 : vector<128x128xf32>
    %add3A_156 = arith.addf %mul3A_154, %mul3A_155 : vector<128x128xf32>
    %mul3A_157 = arith.mulf %dot_general3A_153, %squeeze3A_96 : vector<128x128xf32>
    %add3A_158 = arith.addf %add3A_156, %mul3A_157 : vector<128x128xf32>
    %mul3A_159 = arith.mulf %dot_general3A_147, %mul3A_113 : vector<128x128xf32>
    %mul3A_160 = arith.mulf %dot_general3A_150, %squeeze3A_99 : vector<128x128xf32>
    %add3A_161 = arith.addf %mul3A_159, %mul3A_160 : vector<128x128xf32>
    %mul3A_162 = arith.mulf %dot_general3A_153, %squeeze3A_101 : vector<128x128xf32>
    %add3A_163 = arith.addf %add3A_161, %mul3A_162 : vector<128x128xf32>
    %reshape3A_164 = vector.shape_cast %mul3A_105 : vector<128x128xf32> to vector<64x2x128xf32>
    %slice3A_165 = vector.extract_strided_slice %reshape3A_164 {offsets = [0, 0, 0], sizes = [64, 1, 128], strides = [1, 1, 1]} : vector<64x2x128xf32> to vector<64x1x128xf32>
    %squeeze3A_166 = vector.shape_cast %slice3A_165 : vector<64x1x128xf32> to vector<64x128xf32>
    %slice3A_167 = vector.extract_strided_slice %reshape3A_164 {offsets = [0, 1, 0], sizes = [64, 1, 128], strides = [1, 1, 1]} : vector<64x2x128xf32> to vector<64x1x128xf32>
    %squeeze3A_168 = vector.shape_cast %slice3A_167 : vector<64x1x128xf32> to vector<64x128xf32>
    %reshape3A_169 = vector.shape_cast %add3A_158 : vector<128x128xf32> to vector<64x2x128xf32>
    %slice3A_170 = vector.extract_strided_slice %reshape3A_169 {offsets = [0, 0, 0], sizes = [64, 1, 128], strides = [1, 1, 1]} : vector<64x2x128xf32> to vector<64x1x128xf32>
    %squeeze3A_171 = vector.shape_cast %slice3A_170 : vector<64x1x128xf32> to vector<64x128xf32>
    %slice3A_172 = vector.extract_strided_slice %reshape3A_169 {offsets = [0, 1, 0], sizes = [64, 1, 128], strides = [1, 1, 1]} : vector<64x2x128xf32> to vector<64x1x128xf32>
    %squeeze3A_173 = vector.shape_cast %slice3A_172 : vector<64x1x128xf32> to vector<64x128xf32>
    %reshape3A_174 = vector.shape_cast %add3A_163 : vector<128x128xf32> to vector<64x2x128xf32>
    %slice3A_175 = vector.extract_strided_slice %reshape3A_174 {offsets = [0, 0, 0], sizes = [64, 1, 128], strides = [1, 1, 1]} : vector<64x2x128xf32> to vector<64x1x128xf32>
    %squeeze3A_176 = vector.shape_cast %slice3A_175 : vector<64x1x128xf32> to vector<64x128xf32>
    %slice3A_177 = vector.extract_strided_slice %reshape3A_174 {offsets = [0, 1, 0], sizes = [64, 1, 128], strides = [1, 1, 1]} : vector<64x2x128xf32> to vector<64x1x128xf32>
    %squeeze3A_178 = vector.shape_cast %slice3A_177 : vector<64x1x128xf32> to vector<64x128xf32>
    %add3A_179 = arith.addf %squeeze3A_166, %squeeze3A_168 : vector<64x128xf32>
    %mul3A_180 = arith.constant 5.000000e-01 : f32
    %mul3A_181 = vector.broadcast %mul3A_180 : f32 to vector<64x128xf32>
    %mul3A_182 = arith.mulf %mul3A_181, %add3A_179 : vector<64x128xf32>
    %add3A_183 = arith.addf %squeeze3A_171, %squeeze3A_173 : vector<64x128xf32>
    %mul3A_184 = arith.constant 5.000000e-01 : f32
    %mul3A_185 = vector.broadcast %mul3A_184 : f32 to vector<64x128xf32>
    %mul3A_186 = arith.mulf %mul3A_185, %add3A_183 : vector<64x128xf32>
    %add3A_187 = arith.addf %squeeze3A_176, %squeeze3A_178 : vector<64x128xf32>
    %mul3A_188 = arith.constant 5.000000e-01 : f32
    %mul3A_189 = vector.broadcast %mul3A_188 : f32 to vector<64x128xf32>
    %mul3A_190 = arith.mulf %mul3A_189, %add3A_187 : vector<64x128xf32>
    %mul3A_191 = arith.mulf %mul3A_182, %mul3A_186 : vector<64x128xf32>
    %dot_general3A_192 = arith.constant dense<0.000000e+00> : vector<64x2xf32>
    %dot_general3A_193 = tpu.matmul %mul3A_191, %get3A_1, %dot_general3A_192 {dimension_numbers = #tpu.dot_dimension_numbers<[1], [0], [0], [1], [0, 0, 1, 1], [], []>, transpose_lhs_hint = false} : vector<64x128xf32>, vector<128x2xf32>, vector<64x2xf32> -> vector<64x2xf32>
    %mul3A_194 = arith.constant 1.250000e-01 : f32
    %mul3A_195 = vector.broadcast %mul3A_194 : f32 to vector<64x2xf32>
    %mul3A_196 = arith.mulf %dot_general3A_193, %mul3A_195 : vector<64x2xf32>
    %mul3A_197 = arith.mulf %mul3A_182, %squeeze3A_171 : vector<64x128xf32>
    %dot_general3A_198 = arith.constant dense<0.000000e+00> : vector<64x2xf32>
    %dot_general3A_199 = tpu.matmul %mul3A_197, %get3A_1, %dot_general3A_198 {dimension_numbers = #tpu.dot_dimension_numbers<[1], [0], [0], [1], [0, 0, 1, 1], [], []>, transpose_lhs_hint = false} : vector<64x128xf32>, vector<128x2xf32>, vector<64x2xf32> -> vector<64x2xf32>
    %mul3A_200 = arith.constant 1.250000e-01 : f32
    %mul3A_201 = vector.broadcast %mul3A_200 : f32 to vector<64x2xf32>
    %mul3A_202 = arith.mulf %dot_general3A_199, %mul3A_201 : vector<64x2xf32>
    %mul3A_203 = arith.mulf %mul3A_182, %squeeze3A_173 : vector<64x128xf32>
    %dot_general3A_204 = arith.constant dense<0.000000e+00> : vector<64x2xf32>
    %dot_general3A_205 = tpu.matmul %mul3A_203, %get3A_1, %dot_general3A_204 {dimension_numbers = #tpu.dot_dimension_numbers<[1], [0], [0], [1], [0, 0, 1, 1], [], []>, transpose_lhs_hint = false} : vector<64x128xf32>, vector<128x2xf32>, vector<64x2xf32> -> vector<64x2xf32>
    %mul3A_206 = arith.constant 1.250000e-01 : f32
    %mul3A_207 = vector.broadcast %mul3A_206 : f32 to vector<64x2xf32>
    %mul3A_208 = arith.mulf %dot_general3A_205, %mul3A_207 : vector<64x2xf32>
    %max3A_209 = arith.maximumf %mul3A_202, %mul3A_208 : vector<64x2xf32>
    %max3A_210 = arith.maximumf %mul3A_196, %max3A_209 : vector<64x2xf32>
    %sub3A_211 = arith.subf %mul3A_196, %max3A_210 : vector<64x2xf32>
    %exp3A_212 = math.exp %sub3A_211 : vector<64x2xf32>
    %sub3A_213 = arith.subf %mul3A_202, %max3A_210 : vector<64x2xf32>
    %exp3A_214 = math.exp %sub3A_213 : vector<64x2xf32>
    %sub3A_215 = arith.subf %mul3A_208, %max3A_210 : vector<64x2xf32>
    %exp3A_216 = math.exp %sub3A_215 : vector<64x2xf32>
    %add3A_217 = arith.addf %exp3A_212, %exp3A_214 : vector<64x2xf32>
    %add3A_218 = arith.addf %add3A_217, %exp3A_216 : vector<64x2xf32>
    %add3A_219 = arith.constant 9.99999971E-10 : f32
    %add3A_220 = vector.broadcast %add3A_219 : f32 to vector<64x2xf32>
    %add3A_221 = arith.addf %add3A_218, %add3A_220 : vector<64x2xf32>
    %div3A_222 = arith.divf %exp3A_212, %add3A_221 : vector<64x2xf32>
    %dot_general3A_223 = arith.constant dense<0.000000e+00> : vector<64x128xf32>
    %dot_general3A_224 = tpu.matmul %div3A_222, %get3A_4, %dot_general3A_223 {dimension_numbers = #tpu.dot_dimension_numbers<[1], [0], [0], [1], [0, 0, 1, 1], [], []>, transpose_lhs_hint = false} : vector<64x2xf32>, vector<2x128xf32>, vector<64x128xf32> -> vector<64x128xf32>
    %div3A_225 = arith.divf %exp3A_214, %add3A_221 : vector<64x2xf32>
    %dot_general3A_226 = arith.constant dense<0.000000e+00> : vector<64x128xf32>
    %dot_general3A_227 = tpu.matmul %div3A_225, %get3A_4, %dot_general3A_226 {dimension_numbers = #tpu.dot_dimension_numbers<[1], [0], [0], [1], [0, 0, 1, 1], [], []>, transpose_lhs_hint = false} : vector<64x2xf32>, vector<2x128xf32>, vector<64x128xf32> -> vector<64x128xf32>
    %div3A_228 = arith.divf %exp3A_216, %add3A_221 : vector<64x2xf32>
    %dot_general3A_229 = arith.constant dense<0.000000e+00> : vector<64x128xf32>
    %dot_general3A_230 = tpu.matmul %div3A_228, %get3A_4, %dot_general3A_229 {dimension_numbers = #tpu.dot_dimension_numbers<[1], [0], [0], [1], [0, 0, 1, 1], [], []>, transpose_lhs_hint = false} : vector<64x2xf32>, vector<2x128xf32>, vector<64x128xf32> -> vector<64x128xf32>
    %mul3A_231 = arith.mulf %dot_general3A_224, %mul3A_186 : vector<64x128xf32>
    %mul3A_232 = arith.mulf %dot_general3A_227, %squeeze3A_171 : vector<64x128xf32>
    %add3A_233 = arith.addf %mul3A_231, %mul3A_232 : vector<64x128xf32>
    %mul3A_234 = arith.mulf %dot_general3A_230, %squeeze3A_173 : vector<64x128xf32>
    %add3A_235 = arith.addf %add3A_233, %mul3A_234 : vector<64x128xf32>
    %mul3A_236 = arith.mulf %dot_general3A_224, %mul3A_190 : vector<64x128xf32>
    %mul3A_237 = arith.mulf %dot_general3A_227, %squeeze3A_176 : vector<64x128xf32>
    %add3A_238 = arith.addf %mul3A_236, %mul3A_237 : vector<64x128xf32>
    %mul3A_239 = arith.mulf %dot_general3A_230, %squeeze3A_178 : vector<64x128xf32>
    %add3A_240 = arith.addf %add3A_238, %mul3A_239 : vector<64x128xf32>
    %reshape3A_241 = vector.shape_cast %mul3A_182 : vector<64x128xf32> to vector<32x2x128xf32>
    %slice3A_242 = vector.extract_strided_slice %reshape3A_241 {offsets = [0, 0, 0], sizes = [32, 1, 128], strides = [1, 1, 1]} : vector<32x2x128xf32> to vector<32x1x128xf32>
    %squeeze3A_243 = vector.shape_cast %slice3A_242 : vector<32x1x128xf32> to vector<32x128xf32>
    %slice3A_244 = vector.extract_strided_slice %reshape3A_241 {offsets = [0, 1, 0], sizes = [32, 1, 128], strides = [1, 1, 1]} : vector<32x2x128xf32> to vector<32x1x128xf32>
    %squeeze3A_245 = vector.shape_cast %slice3A_244 : vector<32x1x128xf32> to vector<32x128xf32>
    %reshape3A_246 = vector.shape_cast %add3A_235 : vector<64x128xf32> to vector<32x2x128xf32>
    %slice3A_247 = vector.extract_strided_slice %reshape3A_246 {offsets = [0, 0, 0], sizes = [32, 1, 128], strides = [1, 1, 1]} : vector<32x2x128xf32> to vector<32x1x128xf32>
    %squeeze3A_248 = vector.shape_cast %slice3A_247 : vector<32x1x128xf32> to vector<32x128xf32>
    %slice3A_249 = vector.extract_strided_slice %reshape3A_246 {offsets = [0, 1, 0], sizes = [32, 1, 128], strides = [1, 1, 1]} : vector<32x2x128xf32> to vector<32x1x128xf32>
    %squeeze3A_250 = vector.shape_cast %slice3A_249 : vector<32x1x128xf32> to vector<32x128xf32>
    %reshape3A_251 = vector.shape_cast %add3A_240 : vector<64x128xf32> to vector<32x2x128xf32>
    %slice3A_252 = vector.extract_strided_slice %reshape3A_251 {offsets = [0, 0, 0], sizes = [32, 1, 128], strides = [1, 1, 1]} : vector<32x2x128xf32> to vector<32x1x128xf32>
    %squeeze3A_253 = vector.shape_cast %slice3A_252 : vector<32x1x128xf32> to vector<32x128xf32>
    %slice3A_254 = vector.extract_strided_slice %reshape3A_251 {offsets = [0, 1, 0], sizes = [32, 1, 128], strides = [1, 1, 1]} : vector<32x2x128xf32> to vector<32x1x128xf32>
    %squeeze3A_255 = vector.shape_cast %slice3A_254 : vector<32x1x128xf32> to vector<32x128xf32>
    %add3A_256 = arith.addf %squeeze3A_243, %squeeze3A_245 : vector<32x128xf32>
    %mul3A_257 = arith.constant 5.000000e-01 : f32
    %mul3A_258 = vector.broadcast %mul3A_257 : f32 to vector<32x128xf32>
    %mul3A_259 = arith.mulf %mul3A_258, %add3A_256 : vector<32x128xf32>
    %add3A_260 = arith.addf %squeeze3A_248, %squeeze3A_250 : vector<32x128xf32>
    %mul3A_261 = arith.constant 5.000000e-01 : f32
    %mul3A_262 = vector.broadcast %mul3A_261 : f32 to vector<32x128xf32>
    %mul3A_263 = arith.mulf %mul3A_262, %add3A_260 : vector<32x128xf32>
    %add3A_264 = arith.addf %squeeze3A_253, %squeeze3A_255 : vector<32x128xf32>
    %mul3A_265 = arith.constant 5.000000e-01 : f32
    %mul3A_266 = vector.broadcast %mul3A_265 : f32 to vector<32x128xf32>
    %mul3A_267 = arith.mulf %mul3A_266, %add3A_264 : vector<32x128xf32>
    %mul3A_268 = arith.mulf %mul3A_259, %mul3A_263 : vector<32x128xf32>
    %dot_general3A_269 = arith.constant dense<0.000000e+00> : vector<32x2xf32>
    %dot_general3A_270 = tpu.matmul %mul3A_268, %get3A_1, %dot_general3A_269 {dimension_numbers = #tpu.dot_dimension_numbers<[1], [0], [0], [1], [0, 0, 1, 1], [], []>, transpose_lhs_hint = false} : vector<32x128xf32>, vector<128x2xf32>, vector<32x2xf32> -> vector<32x2xf32>
    %mul3A_271 = arith.constant 1.250000e-01 : f32
    %mul3A_272 = vector.broadcast %mul3A_271 : f32 to vector<32x2xf32>
    %mul3A_273 = arith.mulf %dot_general3A_270, %mul3A_272 : vector<32x2xf32>
    %mul3A_274 = arith.mulf %mul3A_259, %squeeze3A_248 : vector<32x128xf32>
    %dot_general3A_275 = arith.constant dense<0.000000e+00> : vector<32x2xf32>
    %dot_general3A_276 = tpu.matmul %mul3A_274, %get3A_1, %dot_general3A_275 {dimension_numbers = #tpu.dot_dimension_numbers<[1], [0], [0], [1], [0, 0, 1, 1], [], []>, transpose_lhs_hint = false} : vector<32x128xf32>, vector<128x2xf32>, vector<32x2xf32> -> vector<32x2xf32>
    %mul3A_277 = arith.constant 1.250000e-01 : f32
    %mul3A_278 = vector.broadcast %mul3A_277 : f32 to vector<32x2xf32>
    %mul3A_279 = arith.mulf %dot_general3A_276, %mul3A_278 : vector<32x2xf32>
    %mul3A_280 = arith.mulf %mul3A_259, %squeeze3A_250 : vector<32x128xf32>
    %dot_general3A_281 = arith.constant dense<0.000000e+00> : vector<32x2xf32>
    %dot_general3A_282 = tpu.matmul %mul3A_280, %get3A_1, %dot_general3A_281 {dimension_numbers = #tpu.dot_dimension_numbers<[1], [0], [0], [1], [0, 0, 1, 1], [], []>, transpose_lhs_hint = false} : vector<32x128xf32>, vector<128x2xf32>, vector<32x2xf32> -> vector<32x2xf32>
    %mul3A_283 = arith.constant 1.250000e-01 : f32
    %mul3A_284 = vector.broadcast %mul3A_283 : f32 to vector<32x2xf32>
    %mul3A_285 = arith.mulf %dot_general3A_282, %mul3A_284 : vector<32x2xf32>
    %max3A_286 = arith.maximumf %mul3A_279, %mul3A_285 : vector<32x2xf32>
    %max3A_287 = arith.maximumf %mul3A_273, %max3A_286 : vector<32x2xf32>
    %sub3A_288 = arith.subf %mul3A_273, %max3A_287 : vector<32x2xf32>
    %exp3A_289 = math.exp %sub3A_288 : vector<32x2xf32>
    %sub3A_290 = arith.subf %mul3A_279, %max3A_287 : vector<32x2xf32>
    %exp3A_291 = math.exp %sub3A_290 : vector<32x2xf32>
    %sub3A_292 = arith.subf %mul3A_285, %max3A_287 : vector<32x2xf32>
    %exp3A_293 = math.exp %sub3A_292 : vector<32x2xf32>
    %add3A_294 = arith.addf %exp3A_289, %exp3A_291 : vector<32x2xf32>
    %add3A_295 = arith.addf %add3A_294, %exp3A_293 : vector<32x2xf32>
    %add3A_296 = arith.constant 9.99999971E-10 : f32
    %add3A_297 = vector.broadcast %add3A_296 : f32 to vector<32x2xf32>
    %add3A_298 = arith.addf %add3A_295, %add3A_297 : vector<32x2xf32>
    %div3A_299 = arith.divf %exp3A_289, %add3A_298 : vector<32x2xf32>
    %dot_general3A_300 = arith.constant dense<0.000000e+00> : vector<32x128xf32>
    %dot_general3A_301 = tpu.matmul %div3A_299, %get3A_4, %dot_general3A_300 {dimension_numbers = #tpu.dot_dimension_numbers<[1], [0], [0], [1], [0, 0, 1, 1], [], []>, transpose_lhs_hint = false} : vector<32x2xf32>, vector<2x128xf32>, vector<32x128xf32> -> vector<32x128xf32>
    %div3A_302 = arith.divf %exp3A_291, %add3A_298 : vector<32x2xf32>
    %dot_general3A_303 = arith.constant dense<0.000000e+00> : vector<32x128xf32>
    %dot_general3A_304 = tpu.matmul %div3A_302, %get3A_4, %dot_general3A_303 {dimension_numbers = #tpu.dot_dimension_numbers<[1], [0], [0], [1], [0, 0, 1, 1], [], []>, transpose_lhs_hint = false} : vector<32x2xf32>, vector<2x128xf32>, vector<32x128xf32> -> vector<32x128xf32>
    %div3A_305 = arith.divf %exp3A_293, %add3A_298 : vector<32x2xf32>
    %dot_general3A_306 = arith.constant dense<0.000000e+00> : vector<32x128xf32>
    %dot_general3A_307 = tpu.matmul %div3A_305, %get3A_4, %dot_general3A_306 {dimension_numbers = #tpu.dot_dimension_numbers<[1], [0], [0], [1], [0, 0, 1, 1], [], []>, transpose_lhs_hint = false} : vector<32x2xf32>, vector<2x128xf32>, vector<32x128xf32> -> vector<32x128xf32>
    %mul3A_308 = arith.mulf %dot_general3A_301, %mul3A_263 : vector<32x128xf32>
    %mul3A_309 = arith.mulf %dot_general3A_304, %squeeze3A_248 : vector<32x128xf32>
    %add3A_310 = arith.addf %mul3A_308, %mul3A_309 : vector<32x128xf32>
    %mul3A_311 = arith.mulf %dot_general3A_307, %squeeze3A_250 : vector<32x128xf32>
    %add3A_312 = arith.addf %add3A_310, %mul3A_311 : vector<32x128xf32>
    %mul3A_313 = arith.mulf %dot_general3A_301, %mul3A_267 : vector<32x128xf32>
    %mul3A_314 = arith.mulf %dot_general3A_304, %squeeze3A_253 : vector<32x128xf32>
    %add3A_315 = arith.addf %mul3A_313, %mul3A_314 : vector<32x128xf32>
    %mul3A_316 = arith.mulf %dot_general3A_307, %squeeze3A_255 : vector<32x128xf32>
    %add3A_317 = arith.addf %add3A_315, %mul3A_316 : vector<32x128xf32>
    %reshape3A_318 = vector.shape_cast %mul3A_259 : vector<32x128xf32> to vector<16x2x128xf32>
    %slice3A_319 = vector.extract_strided_slice %reshape3A_318 {offsets = [0, 0, 0], sizes = [16, 1, 128], strides = [1, 1, 1]} : vector<16x2x128xf32> to vector<16x1x128xf32>
    %squeeze3A_320 = vector.shape_cast %slice3A_319 : vector<16x1x128xf32> to vector<16x128xf32>
    %slice3A_321 = vector.extract_strided_slice %reshape3A_318 {offsets = [0, 1, 0], sizes = [16, 1, 128], strides = [1, 1, 1]} : vector<16x2x128xf32> to vector<16x1x128xf32>
    %squeeze3A_322 = vector.shape_cast %slice3A_321 : vector<16x1x128xf32> to vector<16x128xf32>
    %reshape3A_323 = vector.shape_cast %add3A_312 : vector<32x128xf32> to vector<16x2x128xf32>
    %slice3A_324 = vector.extract_strided_slice %reshape3A_323 {offsets = [0, 0, 0], sizes = [16, 1, 128], strides = [1, 1, 1]} : vector<16x2x128xf32> to vector<16x1x128xf32>
    %squeeze3A_325 = vector.shape_cast %slice3A_324 : vector<16x1x128xf32> to vector<16x128xf32>
    %slice3A_326 = vector.extract_strided_slice %reshape3A_323 {offsets = [0, 1, 0], sizes = [16, 1, 128], strides = [1, 1, 1]} : vector<16x2x128xf32> to vector<16x1x128xf32>
    %squeeze3A_327 = vector.shape_cast %slice3A_326 : vector<16x1x128xf32> to vector<16x128xf32>
    %reshape3A_328 = vector.shape_cast %add3A_317 : vector<32x128xf32> to vector<16x2x128xf32>
    %slice3A_329 = vector.extract_strided_slice %reshape3A_328 {offsets = [0, 0, 0], sizes = [16, 1, 128], strides = [1, 1, 1]} : vector<16x2x128xf32> to vector<16x1x128xf32>
    %squeeze3A_330 = vector.shape_cast %slice3A_329 : vector<16x1x128xf32> to vector<16x128xf32>
    %slice3A_331 = vector.extract_strided_slice %reshape3A_328 {offsets = [0, 1, 0], sizes = [16, 1, 128], strides = [1, 1, 1]} : vector<16x2x128xf32> to vector<16x1x128xf32>
    %squeeze3A_332 = vector.shape_cast %slice3A_331 : vector<16x1x128xf32> to vector<16x128xf32>
    %add3A_333 = arith.addf %squeeze3A_320, %squeeze3A_322 : vector<16x128xf32>
    %mul3A_334 = arith.constant 5.000000e-01 : f32
    %mul3A_335 = vector.broadcast %mul3A_334 : f32 to vector<16x128xf32>
    %mul3A_336 = arith.mulf %mul3A_335, %add3A_333 : vector<16x128xf32>
    %add3A_337 = arith.addf %squeeze3A_325, %squeeze3A_327 : vector<16x128xf32>
    %mul3A_338 = arith.constant 5.000000e-01 : f32
    %mul3A_339 = vector.broadcast %mul3A_338 : f32 to vector<16x128xf32>
    %mul3A_340 = arith.mulf %mul3A_339, %add3A_337 : vector<16x128xf32>
    %add3A_341 = arith.addf %squeeze3A_330, %squeeze3A_332 : vector<16x128xf32>
    %mul3A_342 = arith.constant 5.000000e-01 : f32
    %mul3A_343 = vector.broadcast %mul3A_342 : f32 to vector<16x128xf32>
    %mul3A_344 = arith.mulf %mul3A_343, %add3A_341 : vector<16x128xf32>
    %mul3A_345 = arith.mulf %mul3A_336, %mul3A_340 : vector<16x128xf32>
    %dot_general3A_346 = arith.constant dense<0.000000e+00> : vector<16x2xf32>
    %dot_general3A_347 = tpu.matmul %mul3A_345, %get3A_1, %dot_general3A_346 {dimension_numbers = #tpu.dot_dimension_numbers<[1], [0], [0], [1], [0, 0, 1, 1], [], []>, transpose_lhs_hint = false} : vector<16x128xf32>, vector<128x2xf32>, vector<16x2xf32> -> vector<16x2xf32>
    %mul3A_348 = arith.constant 1.250000e-01 : f32
    %mul3A_349 = vector.broadcast %mul3A_348 : f32 to vector<16x2xf32>
    %mul3A_350 = arith.mulf %dot_general3A_347, %mul3A_349 : vector<16x2xf32>
    %mul3A_351 = arith.mulf %mul3A_336, %squeeze3A_325 : vector<16x128xf32>
    %dot_general3A_352 = arith.constant dense<0.000000e+00> : vector<16x2xf32>
    %dot_general3A_353 = tpu.matmul %mul3A_351, %get3A_1, %dot_general3A_352 {dimension_numbers = #tpu.dot_dimension_numbers<[1], [0], [0], [1], [0, 0, 1, 1], [], []>, transpose_lhs_hint = false} : vector<16x128xf32>, vector<128x2xf32>, vector<16x2xf32> -> vector<16x2xf32>
    %mul3A_354 = arith.constant 1.250000e-01 : f32
    %mul3A_355 = vector.broadcast %mul3A_354 : f32 to vector<16x2xf32>
    %mul3A_356 = arith.mulf %dot_general3A_353, %mul3A_355 : vector<16x2xf32>
    %mul3A_357 = arith.mulf %mul3A_336, %squeeze3A_327 : vector<16x128xf32>
    %dot_general3A_358 = arith.constant dense<0.000000e+00> : vector<16x2xf32>
    %dot_general3A_359 = tpu.matmul %mul3A_357, %get3A_1, %dot_general3A_358 {dimension_numbers = #tpu.dot_dimension_numbers<[1], [0], [0], [1], [0, 0, 1, 1], [], []>, transpose_lhs_hint = false} : vector<16x128xf32>, vector<128x2xf32>, vector<16x2xf32> -> vector<16x2xf32>
    %mul3A_360 = arith.constant 1.250000e-01 : f32
    %mul3A_361 = vector.broadcast %mul3A_360 : f32 to vector<16x2xf32>
    %mul3A_362 = arith.mulf %dot_general3A_359, %mul3A_361 : vector<16x2xf32>
    %max3A_363 = arith.maximumf %mul3A_356, %mul3A_362 : vector<16x2xf32>
    %max3A_364 = arith.maximumf %mul3A_350, %max3A_363 : vector<16x2xf32>
    %sub3A_365 = arith.subf %mul3A_350, %max3A_364 : vector<16x2xf32>
    %exp3A_366 = math.exp %sub3A_365 : vector<16x2xf32>
    %sub3A_367 = arith.subf %mul3A_356, %max3A_364 : vector<16x2xf32>
    %exp3A_368 = math.exp %sub3A_367 : vector<16x2xf32>
    %sub3A_369 = arith.subf %mul3A_362, %max3A_364 : vector<16x2xf32>
    %exp3A_370 = math.exp %sub3A_369 : vector<16x2xf32>
    %add3A_371 = arith.addf %exp3A_366, %exp3A_368 : vector<16x2xf32>
    %add3A_372 = arith.addf %add3A_371, %exp3A_370 : vector<16x2xf32>
    %add3A_373 = arith.constant 9.99999971E-10 : f32
    %add3A_374 = vector.broadcast %add3A_373 : f32 to vector<16x2xf32>
    %add3A_375 = arith.addf %add3A_372, %add3A_374 : vector<16x2xf32>
    %div3A_376 = arith.divf %exp3A_366, %add3A_375 : vector<16x2xf32>
    %dot_general3A_377 = arith.constant dense<0.000000e+00> : vector<16x128xf32>
    %dot_general3A_378 = tpu.matmul %div3A_376, %get3A_4, %dot_general3A_377 {dimension_numbers = #tpu.dot_dimension_numbers<[1], [0], [0], [1], [0, 0, 1, 1], [], []>, transpose_lhs_hint = false} : vector<16x2xf32>, vector<2x128xf32>, vector<16x128xf32> -> vector<16x128xf32>
    %div3A_379 = arith.divf %exp3A_368, %add3A_375 : vector<16x2xf32>
    %dot_general3A_380 = arith.constant dense<0.000000e+00> : vector<16x128xf32>
    %dot_general3A_381 = tpu.matmul %div3A_379, %get3A_4, %dot_general3A_380 {dimension_numbers = #tpu.dot_dimension_numbers<[1], [0], [0], [1], [0, 0, 1, 1], [], []>, transpose_lhs_hint = false} : vector<16x2xf32>, vector<2x128xf32>, vector<16x128xf32> -> vector<16x128xf32>
    %div3A_382 = arith.divf %exp3A_370, %add3A_375 : vector<16x2xf32>
    %dot_general3A_383 = arith.constant dense<0.000000e+00> : vector<16x128xf32>
    %dot_general3A_384 = tpu.matmul %div3A_382, %get3A_4, %dot_general3A_383 {dimension_numbers = #tpu.dot_dimension_numbers<[1], [0], [0], [1], [0, 0, 1, 1], [], []>, transpose_lhs_hint = false} : vector<16x2xf32>, vector<2x128xf32>, vector<16x128xf32> -> vector<16x128xf32>
    %mul3A_385 = arith.mulf %dot_general3A_378, %mul3A_340 : vector<16x128xf32>
    %mul3A_386 = arith.mulf %dot_general3A_381, %squeeze3A_325 : vector<16x128xf32>
    %add3A_387 = arith.addf %mul3A_385, %mul3A_386 : vector<16x128xf32>
    %mul3A_388 = arith.mulf %dot_general3A_384, %squeeze3A_327 : vector<16x128xf32>
    %add3A_389 = arith.addf %add3A_387, %mul3A_388 : vector<16x128xf32>
    %mul3A_390 = arith.mulf %dot_general3A_378, %mul3A_344 : vector<16x128xf32>
    %mul3A_391 = arith.mulf %dot_general3A_381, %squeeze3A_330 : vector<16x128xf32>
    %add3A_392 = arith.addf %mul3A_390, %mul3A_391 : vector<16x128xf32>
    %mul3A_393 = arith.mulf %dot_general3A_384, %squeeze3A_332 : vector<16x128xf32>
    %add3A_394 = arith.addf %add3A_392, %mul3A_393 : vector<16x128xf32>
    %reshape3A_395 = vector.shape_cast %mul3A_336 : vector<16x128xf32> to vector<8x2x128xf32>
    %slice3A_396 = vector.extract_strided_slice %reshape3A_395 {offsets = [0, 0, 0], sizes = [8, 1, 128], strides = [1, 1, 1]} : vector<8x2x128xf32> to vector<8x1x128xf32>
    %squeeze3A_397 = vector.shape_cast %slice3A_396 : vector<8x1x128xf32> to vector<8x128xf32>
    %slice3A_398 = vector.extract_strided_slice %reshape3A_395 {offsets = [0, 1, 0], sizes = [8, 1, 128], strides = [1, 1, 1]} : vector<8x2x128xf32> to vector<8x1x128xf32>
    %squeeze3A_399 = vector.shape_cast %slice3A_398 : vector<8x1x128xf32> to vector<8x128xf32>
    %reshape3A_400 = vector.shape_cast %add3A_389 : vector<16x128xf32> to vector<8x2x128xf32>
    %slice3A_401 = vector.extract_strided_slice %reshape3A_400 {offsets = [0, 0, 0], sizes = [8, 1, 128], strides = [1, 1, 1]} : vector<8x2x128xf32> to vector<8x1x128xf32>
    %squeeze3A_402 = vector.shape_cast %slice3A_401 : vector<8x1x128xf32> to vector<8x128xf32>
    %slice3A_403 = vector.extract_strided_slice %reshape3A_400 {offsets = [0, 1, 0], sizes = [8, 1, 128], strides = [1, 1, 1]} : vector<8x2x128xf32> to vector<8x1x128xf32>
    %squeeze3A_404 = vector.shape_cast %slice3A_403 : vector<8x1x128xf32> to vector<8x128xf32>
    %reshape3A_405 = vector.shape_cast %add3A_394 : vector<16x128xf32> to vector<8x2x128xf32>
    %slice3A_406 = vector.extract_strided_slice %reshape3A_405 {offsets = [0, 0, 0], sizes = [8, 1, 128], strides = [1, 1, 1]} : vector<8x2x128xf32> to vector<8x1x128xf32>
    %squeeze3A_407 = vector.shape_cast %slice3A_406 : vector<8x1x128xf32> to vector<8x128xf32>
    %slice3A_408 = vector.extract_strided_slice %reshape3A_405 {offsets = [0, 1, 0], sizes = [8, 1, 128], strides = [1, 1, 1]} : vector<8x2x128xf32> to vector<8x1x128xf32>
    %squeeze3A_409 = vector.shape_cast %slice3A_408 : vector<8x1x128xf32> to vector<8x128xf32>
    %add3A_410 = arith.addf %squeeze3A_397, %squeeze3A_399 : vector<8x128xf32>
    %mul3A_411 = arith.constant 5.000000e-01 : f32
    %mul3A_412 = vector.broadcast %mul3A_411 : f32 to vector<8x128xf32>
    %mul3A_413 = arith.mulf %mul3A_412, %add3A_410 : vector<8x128xf32>
    %add3A_414 = arith.addf %squeeze3A_402, %squeeze3A_404 : vector<8x128xf32>
    %mul3A_415 = arith.constant 5.000000e-01 : f32
    %mul3A_416 = vector.broadcast %mul3A_415 : f32 to vector<8x128xf32>
    %mul3A_417 = arith.mulf %mul3A_416, %add3A_414 : vector<8x128xf32>
    %add3A_418 = arith.addf %squeeze3A_407, %squeeze3A_409 : vector<8x128xf32>
    %mul3A_419 = arith.constant 5.000000e-01 : f32
    %mul3A_420 = vector.broadcast %mul3A_419 : f32 to vector<8x128xf32>
    %mul3A_421 = arith.mulf %mul3A_420, %add3A_418 : vector<8x128xf32>
    %mul3A_422 = arith.mulf %mul3A_413, %mul3A_417 : vector<8x128xf32>
    %dot_general3A_423 = arith.constant dense<0.000000e+00> : vector<8x2xf32>
    %dot_general3A_424 = tpu.matmul %mul3A_422, %get3A_1, %dot_general3A_423 {dimension_numbers = #tpu.dot_dimension_numbers<[1], [0], [0], [1], [0, 0, 1, 1], [], []>, transpose_lhs_hint = false} : vector<8x128xf32>, vector<128x2xf32>, vector<8x2xf32> -> vector<8x2xf32>
    %mul3A_425 = arith.constant 1.250000e-01 : f32
    %mul3A_426 = vector.broadcast %mul3A_425 : f32 to vector<8x2xf32>
    %mul3A_427 = arith.mulf %dot_general3A_424, %mul3A_426 : vector<8x2xf32>
    %mul3A_428 = arith.mulf %mul3A_413, %squeeze3A_402 : vector<8x128xf32>
    %dot_general3A_429 = arith.constant dense<0.000000e+00> : vector<8x2xf32>
    %dot_general3A_430 = tpu.matmul %mul3A_428, %get3A_1, %dot_general3A_429 {dimension_numbers = #tpu.dot_dimension_numbers<[1], [0], [0], [1], [0, 0, 1, 1], [], []>, transpose_lhs_hint = false} : vector<8x128xf32>, vector<128x2xf32>, vector<8x2xf32> -> vector<8x2xf32>
    %mul3A_431 = arith.constant 1.250000e-01 : f32
    %mul3A_432 = vector.broadcast %mul3A_431 : f32 to vector<8x2xf32>
    %mul3A_433 = arith.mulf %dot_general3A_430, %mul3A_432 : vector<8x2xf32>
    %mul3A_434 = arith.mulf %mul3A_413, %squeeze3A_404 : vector<8x128xf32>
    %dot_general3A_435 = arith.constant dense<0.000000e+00> : vector<8x2xf32>
    %dot_general3A_436 = tpu.matmul %mul3A_434, %get3A_1, %dot_general3A_435 {dimension_numbers = #tpu.dot_dimension_numbers<[1], [0], [0], [1], [0, 0, 1, 1], [], []>, transpose_lhs_hint = false} : vector<8x128xf32>, vector<128x2xf32>, vector<8x2xf32> -> vector<8x2xf32>
    %mul3A_437 = arith.constant 1.250000e-01 : f32
    %mul3A_438 = vector.broadcast %mul3A_437 : f32 to vector<8x2xf32>
    %mul3A_439 = arith.mulf %dot_general3A_436, %mul3A_438 : vector<8x2xf32>
    %max3A_440 = arith.maximumf %mul3A_433, %mul3A_439 : vector<8x2xf32>
    %max3A_441 = arith.maximumf %mul3A_427, %max3A_440 : vector<8x2xf32>
    %sub3A_442 = arith.subf %mul3A_427, %max3A_441 : vector<8x2xf32>
    %exp3A_443 = math.exp %sub3A_442 : vector<8x2xf32>
    %sub3A_444 = arith.subf %mul3A_433, %max3A_441 : vector<8x2xf32>
    %exp3A_445 = math.exp %sub3A_444 : vector<8x2xf32>
    %sub3A_446 = arith.subf %mul3A_439, %max3A_441 : vector<8x2xf32>
    %exp3A_447 = math.exp %sub3A_446 : vector<8x2xf32>
    %add3A_448 = arith.addf %exp3A_443, %exp3A_445 : vector<8x2xf32>
    %add3A_449 = arith.addf %add3A_448, %exp3A_447 : vector<8x2xf32>
    %add3A_450 = arith.constant 9.99999971E-10 : f32
    %add3A_451 = vector.broadcast %add3A_450 : f32 to vector<8x2xf32>
    %add3A_452 = arith.addf %add3A_449, %add3A_451 : vector<8x2xf32>
    %div3A_453 = arith.divf %exp3A_443, %add3A_452 : vector<8x2xf32>
    %dot_general3A_454 = arith.constant dense<0.000000e+00> : vector<8x128xf32>
    %dot_general3A_455 = tpu.matmul %div3A_453, %get3A_4, %dot_general3A_454 {dimension_numbers = #tpu.dot_dimension_numbers<[1], [0], [0], [1], [0, 0, 1, 1], [], []>, transpose_lhs_hint = false} : vector<8x2xf32>, vector<2x128xf32>, vector<8x128xf32> -> vector<8x128xf32>
    %div3A_456 = arith.divf %exp3A_445, %add3A_452 : vector<8x2xf32>
    %dot_general3A_457 = arith.constant dense<0.000000e+00> : vector<8x128xf32>
    %dot_general3A_458 = tpu.matmul %div3A_456, %get3A_4, %dot_general3A_457 {dimension_numbers = #tpu.dot_dimension_numbers<[1], [0], [0], [1], [0, 0, 1, 1], [], []>, transpose_lhs_hint = false} : vector<8x2xf32>, vector<2x128xf32>, vector<8x128xf32> -> vector<8x128xf32>
    %div3A_459 = arith.divf %exp3A_447, %add3A_452 : vector<8x2xf32>
    %dot_general3A_460 = arith.constant dense<0.000000e+00> : vector<8x128xf32>
    %dot_general3A_461 = tpu.matmul %div3A_459, %get3A_4, %dot_general3A_460 {dimension_numbers = #tpu.dot_dimension_numbers<[1], [0], [0], [1], [0, 0, 1, 1], [], []>, transpose_lhs_hint = false} : vector<8x2xf32>, vector<2x128xf32>, vector<8x128xf32> -> vector<8x128xf32>
    %mul3A_462 = arith.mulf %dot_general3A_455, %mul3A_417 : vector<8x128xf32>
    %mul3A_463 = arith.mulf %dot_general3A_458, %squeeze3A_402 : vector<8x128xf32>
    %add3A_464 = arith.addf %mul3A_462, %mul3A_463 : vector<8x128xf32>
    %mul3A_465 = arith.mulf %dot_general3A_461, %squeeze3A_404 : vector<8x128xf32>
    %add3A_466 = arith.addf %add3A_464, %mul3A_465 : vector<8x128xf32>
    %mul3A_467 = arith.mulf %dot_general3A_455, %mul3A_421 : vector<8x128xf32>
    %mul3A_468 = arith.mulf %dot_general3A_458, %squeeze3A_407 : vector<8x128xf32>
    %add3A_469 = arith.addf %mul3A_467, %mul3A_468 : vector<8x128xf32>
    %mul3A_470 = arith.mulf %dot_general3A_461, %squeeze3A_409 : vector<8x128xf32>
    %add3A_471 = arith.addf %add3A_469, %mul3A_470 : vector<8x128xf32>
    %reshape3A_472 = vector.shape_cast %mul3A_413 : vector<8x128xf32> to vector<4x2x128xf32>
    %slice3A_473 = vector.extract_strided_slice %reshape3A_472 {offsets = [0, 0, 0], sizes = [4, 1, 128], strides = [1, 1, 1]} : vector<4x2x128xf32> to vector<4x1x128xf32>
    %squeeze3A_474 = vector.shape_cast %slice3A_473 : vector<4x1x128xf32> to vector<4x128xf32>
    %slice3A_475 = vector.extract_strided_slice %reshape3A_472 {offsets = [0, 1, 0], sizes = [4, 1, 128], strides = [1, 1, 1]} : vector<4x2x128xf32> to vector<4x1x128xf32>
    %squeeze3A_476 = vector.shape_cast %slice3A_475 : vector<4x1x128xf32> to vector<4x128xf32>
    %reshape3A_477 = vector.shape_cast %add3A_466 : vector<8x128xf32> to vector<4x2x128xf32>
    %slice3A_478 = vector.extract_strided_slice %reshape3A_477 {offsets = [0, 0, 0], sizes = [4, 1, 128], strides = [1, 1, 1]} : vector<4x2x128xf32> to vector<4x1x128xf32>
    %squeeze3A_479 = vector.shape_cast %slice3A_478 : vector<4x1x128xf32> to vector<4x128xf32>
    %slice3A_480 = vector.extract_strided_slice %reshape3A_477 {offsets = [0, 1, 0], sizes = [4, 1, 128], strides = [1, 1, 1]} : vector<4x2x128xf32> to vector<4x1x128xf32>
    %squeeze3A_481 = vector.shape_cast %slice3A_480 : vector<4x1x128xf32> to vector<4x128xf32>
    %reshape3A_482 = vector.shape_cast %add3A_471 : vector<8x128xf32> to vector<4x2x128xf32>
    %slice3A_483 = vector.extract_strided_slice %reshape3A_482 {offsets = [0, 0, 0], sizes = [4, 1, 128], strides = [1, 1, 1]} : vector<4x2x128xf32> to vector<4x1x128xf32>
    %squeeze3A_484 = vector.shape_cast %slice3A_483 : vector<4x1x128xf32> to vector<4x128xf32>
    %slice3A_485 = vector.extract_strided_slice %reshape3A_482 {offsets = [0, 1, 0], sizes = [4, 1, 128], strides = [1, 1, 1]} : vector<4x2x128xf32> to vector<4x1x128xf32>
    %squeeze3A_486 = vector.shape_cast %slice3A_485 : vector<4x1x128xf32> to vector<4x128xf32>
    %add3A_487 = arith.addf %squeeze3A_474, %squeeze3A_476 : vector<4x128xf32>
    %mul3A_488 = arith.constant 5.000000e-01 : f32
    %mul3A_489 = vector.broadcast %mul3A_488 : f32 to vector<4x128xf32>
    %mul3A_490 = arith.mulf %mul3A_489, %add3A_487 : vector<4x128xf32>
    %add3A_491 = arith.addf %squeeze3A_479, %squeeze3A_481 : vector<4x128xf32>
    %mul3A_492 = arith.constant 5.000000e-01 : f32
    %mul3A_493 = vector.broadcast %mul3A_492 : f32 to vector<4x128xf32>
    %mul3A_494 = arith.mulf %mul3A_493, %add3A_491 : vector<4x128xf32>
    %add3A_495 = arith.addf %squeeze3A_484, %squeeze3A_486 : vector<4x128xf32>
    %mul3A_496 = arith.constant 5.000000e-01 : f32
    %mul3A_497 = vector.broadcast %mul3A_496 : f32 to vector<4x128xf32>
    %mul3A_498 = arith.mulf %mul3A_497, %add3A_495 : vector<4x128xf32>
    %mul3A_499 = arith.mulf %mul3A_490, %mul3A_494 : vector<4x128xf32>
    %dot_general3A_500 = arith.constant dense<0.000000e+00> : vector<4x2xf32>
    %dot_general3A_501 = tpu.matmul %mul3A_499, %get3A_1, %dot_general3A_500 {dimension_numbers = #tpu.dot_dimension_numbers<[1], [0], [0], [1], [0, 0, 1, 1], [], []>, transpose_lhs_hint = false} : vector<4x128xf32>, vector<128x2xf32>, vector<4x2xf32> -> vector<4x2xf32>
    %mul3A_502 = arith.constant 1.250000e-01 : f32
    %mul3A_503 = vector.broadcast %mul3A_502 : f32 to vector<4x2xf32>
    %mul3A_504 = arith.mulf %dot_general3A_501, %mul3A_503 : vector<4x2xf32>
    %mul3A_505 = arith.mulf %mul3A_490, %squeeze3A_479 : vector<4x128xf32>
    %dot_general3A_506 = arith.constant dense<0.000000e+00> : vector<4x2xf32>
    %dot_general3A_507 = tpu.matmul %mul3A_505, %get3A_1, %dot_general3A_506 {dimension_numbers = #tpu.dot_dimension_numbers<[1], [0], [0], [1], [0, 0, 1, 1], [], []>, transpose_lhs_hint = false} : vector<4x128xf32>, vector<128x2xf32>, vector<4x2xf32> -> vector<4x2xf32>
    %mul3A_508 = arith.constant 1.250000e-01 : f32
    %mul3A_509 = vector.broadcast %mul3A_508 : f32 to vector<4x2xf32>
    %mul3A_510 = arith.mulf %dot_general3A_507, %mul3A_509 : vector<4x2xf32>
    %mul3A_511 = arith.mulf %mul3A_490, %squeeze3A_481 : vector<4x128xf32>
    %dot_general3A_512 = arith.constant dense<0.000000e+00> : vector<4x2xf32>
    %dot_general3A_513 = tpu.matmul %mul3A_511, %get3A_1, %dot_general3A_512 {dimension_numbers = #tpu.dot_dimension_numbers<[1], [0], [0], [1], [0, 0, 1, 1], [], []>, transpose_lhs_hint = false} : vector<4x128xf32>, vector<128x2xf32>, vector<4x2xf32> -> vector<4x2xf32>
    %mul3A_514 = arith.constant 1.250000e-01 : f32
    %mul3A_515 = vector.broadcast %mul3A_514 : f32 to vector<4x2xf32>
    %mul3A_516 = arith.mulf %dot_general3A_513, %mul3A_515 : vector<4x2xf32>
    %max3A_517 = arith.maximumf %mul3A_510, %mul3A_516 : vector<4x2xf32>
    %max3A_518 = arith.maximumf %mul3A_504, %max3A_517 : vector<4x2xf32>
    %sub3A_519 = arith.subf %mul3A_504, %max3A_518 : vector<4x2xf32>
    %exp3A_520 = math.exp %sub3A_519 : vector<4x2xf32>
    %sub3A_521 = arith.subf %mul3A_510, %max3A_518 : vector<4x2xf32>
    %exp3A_522 = math.exp %sub3A_521 : vector<4x2xf32>
    %sub3A_523 = arith.subf %mul3A_516, %max3A_518 : vector<4x2xf32>
    %exp3A_524 = math.exp %sub3A_523 : vector<4x2xf32>
    %add3A_525 = arith.addf %exp3A_520, %exp3A_522 : vector<4x2xf32>
    %add3A_526 = arith.addf %add3A_525, %exp3A_524 : vector<4x2xf32>
    %add3A_527 = arith.constant 9.99999971E-10 : f32
    %add3A_528 = vector.broadcast %add3A_527 : f32 to vector<4x2xf32>
    %add3A_529 = arith.addf %add3A_526, %add3A_528 : vector<4x2xf32>
    %div3A_530 = arith.divf %exp3A_520, %add3A_529 : vector<4x2xf32>
    %dot_general3A_531 = arith.constant dense<0.000000e+00> : vector<4x128xf32>
    %dot_general3A_532 = tpu.matmul %div3A_530, %get3A_4, %dot_general3A_531 {dimension_numbers = #tpu.dot_dimension_numbers<[1], [0], [0], [1], [0, 0, 1, 1], [], []>, transpose_lhs_hint = false} : vector<4x2xf32>, vector<2x128xf32>, vector<4x128xf32> -> vector<4x128xf32>
    %div3A_533 = arith.divf %exp3A_522, %add3A_529 : vector<4x2xf32>
    %dot_general3A_534 = arith.constant dense<0.000000e+00> : vector<4x128xf32>
    %dot_general3A_535 = tpu.matmul %div3A_533, %get3A_4, %dot_general3A_534 {dimension_numbers = #tpu.dot_dimension_numbers<[1], [0], [0], [1], [0, 0, 1, 1], [], []>, transpose_lhs_hint = false} : vector<4x2xf32>, vector<2x128xf32>, vector<4x128xf32> -> vector<4x128xf32>
    %div3A_536 = arith.divf %exp3A_524, %add3A_529 : vector<4x2xf32>
    %dot_general3A_537 = arith.constant dense<0.000000e+00> : vector<4x128xf32>
    %dot_general3A_538 = tpu.matmul %div3A_536, %get3A_4, %dot_general3A_537 {dimension_numbers = #tpu.dot_dimension_numbers<[1], [0], [0], [1], [0, 0, 1, 1], [], []>, transpose_lhs_hint = false} : vector<4x2xf32>, vector<2x128xf32>, vector<4x128xf32> -> vector<4x128xf32>
    %mul3A_539 = arith.mulf %dot_general3A_532, %mul3A_494 : vector<4x128xf32>
    %mul3A_540 = arith.mulf %dot_general3A_535, %squeeze3A_479 : vector<4x128xf32>
    %add3A_541 = arith.addf %mul3A_539, %mul3A_540 : vector<4x128xf32>
    %mul3A_542 = arith.mulf %dot_general3A_538, %squeeze3A_481 : vector<4x128xf32>
    %add3A_543 = arith.addf %add3A_541, %mul3A_542 : vector<4x128xf32>
    %mul3A_544 = arith.mulf %dot_general3A_532, %mul3A_498 : vector<4x128xf32>
    %mul3A_545 = arith.mulf %dot_general3A_535, %squeeze3A_484 : vector<4x128xf32>
    %add3A_546 = arith.addf %mul3A_544, %mul3A_545 : vector<4x128xf32>
    %mul3A_547 = arith.mulf %dot_general3A_538, %squeeze3A_486 : vector<4x128xf32>
    %add3A_548 = arith.addf %add3A_546, %mul3A_547 : vector<4x128xf32>
    %reshape3A_549 = vector.shape_cast %mul3A_490 : vector<4x128xf32> to vector<2x2x128xf32>
    %slice3A_550 = vector.extract_strided_slice %reshape3A_549 {offsets = [0, 0, 0], sizes = [2, 1, 128], strides = [1, 1, 1]} : vector<2x2x128xf32> to vector<2x1x128xf32>
    %squeeze3A_551 = vector.shape_cast %slice3A_550 : vector<2x1x128xf32> to vector<2x128xf32>
    %slice3A_552 = vector.extract_strided_slice %reshape3A_549 {offsets = [0, 1, 0], sizes = [2, 1, 128], strides = [1, 1, 1]} : vector<2x2x128xf32> to vector<2x1x128xf32>
    %squeeze3A_553 = vector.shape_cast %slice3A_552 : vector<2x1x128xf32> to vector<2x128xf32>
    %reshape3A_554 = vector.shape_cast %add3A_543 : vector<4x128xf32> to vector<2x2x128xf32>
    %slice3A_555 = vector.extract_strided_slice %reshape3A_554 {offsets = [0, 0, 0], sizes = [2, 1, 128], strides = [1, 1, 1]} : vector<2x2x128xf32> to vector<2x1x128xf32>
    %squeeze3A_556 = vector.shape_cast %slice3A_555 : vector<2x1x128xf32> to vector<2x128xf32>
    %slice3A_557 = vector.extract_strided_slice %reshape3A_554 {offsets = [0, 1, 0], sizes = [2, 1, 128], strides = [1, 1, 1]} : vector<2x2x128xf32> to vector<2x1x128xf32>
    %squeeze3A_558 = vector.shape_cast %slice3A_557 : vector<2x1x128xf32> to vector<2x128xf32>
    %reshape3A_559 = vector.shape_cast %add3A_548 : vector<4x128xf32> to vector<2x2x128xf32>
    %slice3A_560 = vector.extract_strided_slice %reshape3A_559 {offsets = [0, 0, 0], sizes = [2, 1, 128], strides = [1, 1, 1]} : vector<2x2x128xf32> to vector<2x1x128xf32>
    %squeeze3A_561 = vector.shape_cast %slice3A_560 : vector<2x1x128xf32> to vector<2x128xf32>
    %slice3A_562 = vector.extract_strided_slice %reshape3A_559 {offsets = [0, 1, 0], sizes = [2, 1, 128], strides = [1, 1, 1]} : vector<2x2x128xf32> to vector<2x1x128xf32>
    %squeeze3A_563 = vector.shape_cast %slice3A_562 : vector<2x1x128xf32> to vector<2x128xf32>
    %add3A_564 = arith.addf %squeeze3A_551, %squeeze3A_553 : vector<2x128xf32>
    %mul3A_565 = arith.constant 5.000000e-01 : f32
    %mul3A_566 = vector.broadcast %mul3A_565 : f32 to vector<2x128xf32>
    %mul3A_567 = arith.mulf %mul3A_566, %add3A_564 : vector<2x128xf32>
    %add3A_568 = arith.addf %squeeze3A_556, %squeeze3A_558 : vector<2x128xf32>
    %mul3A_569 = arith.constant 5.000000e-01 : f32
    %mul3A_570 = vector.broadcast %mul3A_569 : f32 to vector<2x128xf32>
    %mul3A_571 = arith.mulf %mul3A_570, %add3A_568 : vector<2x128xf32>
    %add3A_572 = arith.addf %squeeze3A_561, %squeeze3A_563 : vector<2x128xf32>
    %mul3A_573 = arith.constant 5.000000e-01 : f32
    %mul3A_574 = vector.broadcast %mul3A_573 : f32 to vector<2x128xf32>
    %mul3A_575 = arith.mulf %mul3A_574, %add3A_572 : vector<2x128xf32>
    %mul3A_576 = arith.mulf %mul3A_567, %mul3A_571 : vector<2x128xf32>
    %dot_general3A_577 = arith.constant dense<0.000000e+00> : vector<2x2xf32>
    %dot_general3A_578 = tpu.matmul %mul3A_576, %get3A_1, %dot_general3A_577 {dimension_numbers = #tpu.dot_dimension_numbers<[1], [0], [0], [1], [0, 0, 1, 1], [], []>, transpose_lhs_hint = false} : vector<2x128xf32>, vector<128x2xf32>, vector<2x2xf32> -> vector<2x2xf32>
    %mul3A_579 = arith.constant 1.250000e-01 : f32
    %mul3A_580 = vector.broadcast %mul3A_579 : f32 to vector<2x2xf32>
    %mul3A_581 = arith.mulf %dot_general3A_578, %mul3A_580 : vector<2x2xf32>
    %mul3A_582 = arith.mulf %mul3A_567, %squeeze3A_556 : vector<2x128xf32>
    %dot_general3A_583 = arith.constant dense<0.000000e+00> : vector<2x2xf32>
    %dot_general3A_584 = tpu.matmul %mul3A_582, %get3A_1, %dot_general3A_583 {dimension_numbers = #tpu.dot_dimension_numbers<[1], [0], [0], [1], [0, 0, 1, 1], [], []>, transpose_lhs_hint = false} : vector<2x128xf32>, vector<128x2xf32>, vector<2x2xf32> -> vector<2x2xf32>
    %mul3A_585 = arith.constant 1.250000e-01 : f32
    %mul3A_586 = vector.broadcast %mul3A_585 : f32 to vector<2x2xf32>
    %mul3A_587 = arith.mulf %dot_general3A_584, %mul3A_586 : vector<2x2xf32>
    %mul3A_588 = arith.mulf %mul3A_567, %squeeze3A_558 : vector<2x128xf32>
    %dot_general3A_589 = arith.constant dense<0.000000e+00> : vector<2x2xf32>
    %dot_general3A_590 = tpu.matmul %mul3A_588, %get3A_1, %dot_general3A_589 {dimension_numbers = #tpu.dot_dimension_numbers<[1], [0], [0], [1], [0, 0, 1, 1], [], []>, transpose_lhs_hint = false} : vector<2x128xf32>, vector<128x2xf32>, vector<2x2xf32> -> vector<2x2xf32>
    %mul3A_591 = arith.constant 1.250000e-01 : f32
    %mul3A_592 = vector.broadcast %mul3A_591 : f32 to vector<2x2xf32>
    %mul3A_593 = arith.mulf %dot_general3A_590, %mul3A_592 : vector<2x2xf32>
    %max3A_594 = arith.maximumf %mul3A_587, %mul3A_593 : vector<2x2xf32>
    %max3A_595 = arith.maximumf %mul3A_581, %max3A_594 : vector<2x2xf32>
    %sub3A_596 = arith.subf %mul3A_581, %max3A_595 : vector<2x2xf32>
    %exp3A_597 = math.exp %sub3A_596 : vector<2x2xf32>
    %sub3A_598 = arith.subf %mul3A_587, %max3A_595 : vector<2x2xf32>
    %exp3A_599 = math.exp %sub3A_598 : vector<2x2xf32>
    %sub3A_600 = arith.subf %mul3A_593, %max3A_595 : vector<2x2xf32>
    %exp3A_601 = math.exp %sub3A_600 : vector<2x2xf32>
    %add3A_602 = arith.addf %exp3A_597, %exp3A_599 : vector<2x2xf32>
    %add3A_603 = arith.addf %add3A_602, %exp3A_601 : vector<2x2xf32>
    %add3A_604 = arith.constant 9.99999971E-10 : f32
    %add3A_605 = vector.broadcast %add3A_604 : f32 to vector<2x2xf32>
    %add3A_606 = arith.addf %add3A_603, %add3A_605 : vector<2x2xf32>
    %div3A_607 = arith.divf %exp3A_597, %add3A_606 : vector<2x2xf32>
    %dot_general3A_608 = arith.constant dense<0.000000e+00> : vector<2x128xf32>
    %dot_general3A_609 = tpu.matmul %div3A_607, %get3A_4, %dot_general3A_608 {dimension_numbers = #tpu.dot_dimension_numbers<[1], [0], [0], [1], [0, 0, 1, 1], [], []>, transpose_lhs_hint = false} : vector<2x2xf32>, vector<2x128xf32>, vector<2x128xf32> -> vector<2x128xf32>
    %div3A_610 = arith.divf %exp3A_599, %add3A_606 : vector<2x2xf32>
    %dot_general3A_611 = arith.constant dense<0.000000e+00> : vector<2x128xf32>
    %dot_general3A_612 = tpu.matmul %div3A_610, %get3A_4, %dot_general3A_611 {dimension_numbers = #tpu.dot_dimension_numbers<[1], [0], [0], [1], [0, 0, 1, 1], [], []>, transpose_lhs_hint = false} : vector<2x2xf32>, vector<2x128xf32>, vector<2x128xf32> -> vector<2x128xf32>
    %div3A_613 = arith.divf %exp3A_601, %add3A_606 : vector<2x2xf32>
    %dot_general3A_614 = arith.constant dense<0.000000e+00> : vector<2x128xf32>
    %dot_general3A_615 = tpu.matmul %div3A_613, %get3A_4, %dot_general3A_614 {dimension_numbers = #tpu.dot_dimension_numbers<[1], [0], [0], [1], [0, 0, 1, 1], [], []>, transpose_lhs_hint = false} : vector<2x2xf32>, vector<2x128xf32>, vector<2x128xf32> -> vector<2x128xf32>
    %mul3A_616 = arith.mulf %dot_general3A_609, %mul3A_571 : vector<2x128xf32>
    %mul3A_617 = arith.mulf %dot_general3A_612, %squeeze3A_556 : vector<2x128xf32>
    %add3A_618 = arith.addf %mul3A_616, %mul3A_617 : vector<2x128xf32>
    %mul3A_619 = arith.mulf %dot_general3A_615, %squeeze3A_558 : vector<2x128xf32>
    %add3A_620 = arith.addf %add3A_618, %mul3A_619 : vector<2x128xf32>
    %mul3A_621 = arith.mulf %dot_general3A_609, %mul3A_575 : vector<2x128xf32>
    %mul3A_622 = arith.mulf %dot_general3A_612, %squeeze3A_561 : vector<2x128xf32>
    %add3A_623 = arith.addf %mul3A_621, %mul3A_622 : vector<2x128xf32>
    %mul3A_624 = arith.mulf %dot_general3A_615, %squeeze3A_563 : vector<2x128xf32>
    %add3A_625 = arith.addf %add3A_623, %mul3A_624 : vector<2x128xf32>
    %reshape3A_626 = vector.shape_cast %mul3A_567 : vector<2x128xf32> to vector<1x2x128xf32>
    %slice3A_627 = vector.extract_strided_slice %reshape3A_626 {offsets = [0, 0, 0], sizes = [1, 1, 128], strides = [1, 1, 1]} : vector<1x2x128xf32> to vector<1x1x128xf32>
    %squeeze3A_628 = vector.shape_cast %slice3A_627 : vector<1x1x128xf32> to vector<1x128xf32>
    %slice3A_629 = vector.extract_strided_slice %reshape3A_626 {offsets = [0, 1, 0], sizes = [1, 1, 128], strides = [1, 1, 1]} : vector<1x2x128xf32> to vector<1x1x128xf32>
    %squeeze3A_630 = vector.shape_cast %slice3A_629 : vector<1x1x128xf32> to vector<1x128xf32>
    %reshape3A_631 = vector.shape_cast %add3A_620 : vector<2x128xf32> to vector<1x2x128xf32>
    %slice3A_632 = vector.extract_strided_slice %reshape3A_631 {offsets = [0, 0, 0], sizes = [1, 1, 128], strides = [1, 1, 1]} : vector<1x2x128xf32> to vector<1x1x128xf32>
    %squeeze3A_633 = vector.shape_cast %slice3A_632 : vector<1x1x128xf32> to vector<1x128xf32>
    %slice3A_634 = vector.extract_strided_slice %reshape3A_631 {offsets = [0, 1, 0], sizes = [1, 1, 128], strides = [1, 1, 1]} : vector<1x2x128xf32> to vector<1x1x128xf32>
    %squeeze3A_635 = vector.shape_cast %slice3A_634 : vector<1x1x128xf32> to vector<1x128xf32>
    %reshape3A_636 = vector.shape_cast %add3A_625 : vector<2x128xf32> to vector<1x2x128xf32>
    %slice3A_637 = vector.extract_strided_slice %reshape3A_636 {offsets = [0, 0, 0], sizes = [1, 1, 128], strides = [1, 1, 1]} : vector<1x2x128xf32> to vector<1x1x128xf32>
    %squeeze3A_638 = vector.shape_cast %slice3A_637 : vector<1x1x128xf32> to vector<1x128xf32>
    %slice3A_639 = vector.extract_strided_slice %reshape3A_636 {offsets = [0, 1, 0], sizes = [1, 1, 128], strides = [1, 1, 1]} : vector<1x2x128xf32> to vector<1x1x128xf32>
    %squeeze3A_640 = vector.shape_cast %slice3A_639 : vector<1x1x128xf32> to vector<1x128xf32>
    %add3A_641 = arith.addf %squeeze3A_628, %squeeze3A_630 : vector<1x128xf32>
    %mul3A_642 = arith.constant 5.000000e-01 : f32
    %mul3A_643 = vector.broadcast %mul3A_642 : f32 to vector<1x128xf32>
    %mul3A_644 = arith.mulf %mul3A_643, %add3A_641 : vector<1x128xf32>
    %add3A_645 = arith.addf %squeeze3A_633, %squeeze3A_635 : vector<1x128xf32>
    %mul3A_646 = arith.constant 5.000000e-01 : f32
    %mul3A_647 = vector.broadcast %mul3A_646 : f32 to vector<1x128xf32>
    %mul3A_648 = arith.mulf %mul3A_647, %add3A_645 : vector<1x128xf32>
    %add3A_649 = arith.addf %squeeze3A_638, %squeeze3A_640 : vector<1x128xf32>
    %mul3A_650 = arith.constant 5.000000e-01 : f32
    %mul3A_651 = vector.broadcast %mul3A_650 : f32 to vector<1x128xf32>
    %mul3A_652 = arith.mulf %mul3A_651, %add3A_649 : vector<1x128xf32>
    %mul3A_653 = arith.mulf %mul3A_644, %mul3A_648 : vector<1x128xf32>
    %dot_general3A_654 = arith.constant dense<0.000000e+00> : vector<1x2xf32>
    %dot_general3A_655 = tpu.matmul %mul3A_653, %get3A_1, %dot_general3A_654 {dimension_numbers = #tpu.dot_dimension_numbers<[1], [0], [0], [1], [0, 0, 1, 1], [], []>, transpose_lhs_hint = false} : vector<1x128xf32>, vector<128x2xf32>, vector<1x2xf32> -> vector<1x2xf32>
    %mul3A_656 = arith.constant 1.250000e-01 : f32
    %mul3A_657 = vector.broadcast %mul3A_656 : f32 to vector<1x2xf32>
    %mul3A_658 = arith.mulf %dot_general3A_655, %mul3A_657 : vector<1x2xf32>
    %mul3A_659 = arith.mulf %mul3A_644, %squeeze3A_633 : vector<1x128xf32>
    %dot_general3A_660 = arith.constant dense<0.000000e+00> : vector<1x2xf32>
    %dot_general3A_661 = tpu.matmul %mul3A_659, %get3A_1, %dot_general3A_660 {dimension_numbers = #tpu.dot_dimension_numbers<[1], [0], [0], [1], [0, 0, 1, 1], [], []>, transpose_lhs_hint = false} : vector<1x128xf32>, vector<128x2xf32>, vector<1x2xf32> -> vector<1x2xf32>
    %mul3A_662 = arith.constant 1.250000e-01 : f32
    %mul3A_663 = vector.broadcast %mul3A_662 : f32 to vector<1x2xf32>
    %mul3A_664 = arith.mulf %dot_general3A_661, %mul3A_663 : vector<1x2xf32>
    %mul3A_665 = arith.mulf %mul3A_644, %squeeze3A_635 : vector<1x128xf32>
    %dot_general3A_666 = arith.constant dense<0.000000e+00> : vector<1x2xf32>
    %dot_general3A_667 = tpu.matmul %mul3A_665, %get3A_1, %dot_general3A_666 {dimension_numbers = #tpu.dot_dimension_numbers<[1], [0], [0], [1], [0, 0, 1, 1], [], []>, transpose_lhs_hint = false} : vector<1x128xf32>, vector<128x2xf32>, vector<1x2xf32> -> vector<1x2xf32>
    %mul3A_668 = arith.constant 1.250000e-01 : f32
    %mul3A_669 = vector.broadcast %mul3A_668 : f32 to vector<1x2xf32>
    %mul3A_670 = arith.mulf %dot_general3A_667, %mul3A_669 : vector<1x2xf32>
    %max3A_671 = arith.maximumf %mul3A_664, %mul3A_670 : vector<1x2xf32>
    %max3A_672 = arith.maximumf %mul3A_658, %max3A_671 : vector<1x2xf32>
    %sub3A_673 = arith.subf %mul3A_658, %max3A_672 : vector<1x2xf32>
    %exp3A_674 = math.exp %sub3A_673 : vector<1x2xf32>
    %sub3A_675 = arith.subf %mul3A_664, %max3A_672 : vector<1x2xf32>
    %exp3A_676 = math.exp %sub3A_675 : vector<1x2xf32>
    %sub3A_677 = arith.subf %mul3A_670, %max3A_672 : vector<1x2xf32>
    %exp3A_678 = math.exp %sub3A_677 : vector<1x2xf32>
    %add3A_679 = arith.addf %exp3A_674, %exp3A_676 : vector<1x2xf32>
    %add3A_680 = arith.addf %add3A_679, %exp3A_678 : vector<1x2xf32>
    %add3A_681 = arith.constant 9.99999971E-10 : f32
    %add3A_682 = vector.broadcast %add3A_681 : f32 to vector<1x2xf32>
    %add3A_683 = arith.addf %add3A_680, %add3A_682 : vector<1x2xf32>
    %div3A_684 = arith.divf %exp3A_674, %add3A_683 : vector<1x2xf32>
    %dot_general3A_685 = arith.constant dense<0.000000e+00> : vector<1x128xf32>
    %dot_general3A_686 = tpu.matmul %div3A_684, %get3A_4, %dot_general3A_685 {dimension_numbers = #tpu.dot_dimension_numbers<[1], [0], [0], [1], [0, 0, 1, 1], [], []>, transpose_lhs_hint = false} : vector<1x2xf32>, vector<2x128xf32>, vector<1x128xf32> -> vector<1x128xf32>
    %div3A_687 = arith.divf %exp3A_676, %add3A_683 : vector<1x2xf32>
    %dot_general3A_688 = arith.constant dense<0.000000e+00> : vector<1x128xf32>
    %dot_general3A_689 = tpu.matmul %div3A_687, %get3A_4, %dot_general3A_688 {dimension_numbers = #tpu.dot_dimension_numbers<[1], [0], [0], [1], [0, 0, 1, 1], [], []>, transpose_lhs_hint = false} : vector<1x2xf32>, vector<2x128xf32>, vector<1x128xf32> -> vector<1x128xf32>
    %div3A_690 = arith.divf %exp3A_678, %add3A_683 : vector<1x2xf32>
    %dot_general3A_691 = arith.constant dense<0.000000e+00> : vector<1x128xf32>
    %dot_general3A_692 = tpu.matmul %div3A_690, %get3A_4, %dot_general3A_691 {dimension_numbers = #tpu.dot_dimension_numbers<[1], [0], [0], [1], [0, 0, 1, 1], [], []>, transpose_lhs_hint = false} : vector<1x2xf32>, vector<2x128xf32>, vector<1x128xf32> -> vector<1x128xf32>
    %mul3A_693 = arith.mulf %dot_general3A_686, %mul3A_648 : vector<1x128xf32>
    %mul3A_694 = arith.mulf %dot_general3A_689, %squeeze3A_633 : vector<1x128xf32>
    %add3A_695 = arith.addf %mul3A_693, %mul3A_694 : vector<1x128xf32>
    %mul3A_696 = arith.mulf %dot_general3A_692, %squeeze3A_635 : vector<1x128xf32>
    %add3A_697 = arith.addf %add3A_695, %mul3A_696 : vector<1x128xf32>
    %mul3A_698 = arith.mulf %dot_general3A_686, %mul3A_652 : vector<1x128xf32>
    %mul3A_699 = arith.mulf %dot_general3A_689, %squeeze3A_638 : vector<1x128xf32>
    %add3A_700 = arith.addf %mul3A_698, %mul3A_699 : vector<1x128xf32>
    %mul3A_701 = arith.mulf %dot_general3A_692, %squeeze3A_640 : vector<1x128xf32>
    %add3A_702 = arith.addf %add3A_700, %mul3A_701 : vector<1x128xf32>
    %swap3A = arith.constant 0 : index
    %swap3A_703 = arith.constant 0 : index
    %swap3A_704 = arith.index_cast %arg2 : i32 to index
    %swap3A_705 = arith.constant 0 : index
    %swap3A_706 = vector.load %arg11[%swap3A, %swap3A_703, %swap3A_704, %swap3A_705] : memref<1x1x8x128xf32, #tpu.memory_space<vmem>>, vector<1x1x1x128xf32>
    %swap3A_707 = vector.shape_cast %swap3A_706 : vector<1x1x1x128xf32> to vector<1x128xf32>
    %swap3A_708 = vector.shape_cast %mul3A_644 : vector<1x128xf32> to vector<1x1x1x128xf32>
    tpu.vector_store %arg11[%swap3A, %swap3A_703, %swap3A_704, %swap3A_705], %swap3A_708 {strides = array<i32>} : memref<1x1x8x128xf32, #tpu.memory_space<vmem>>, vector<1x1x1x128xf32>,
    %swap3A_709 = arith.constant 0 : index
    %swap3A_710 = arith.constant 0 : index
    %swap3A_711 = arith.index_cast %arg2 : i32 to index
    %swap3A_712 = arith.constant 0 : index
    %swap3A_713 = vector.load %arg12[%swap3A_709, %swap3A_710, %swap3A_711, %swap3A_712] : memref<1x1x8x128xf32, #tpu.memory_space<vmem>>, vector<1x1x1x128xf32>
    %swap3A_714 = vector.shape_cast %swap3A_713 : vector<1x1x1x128xf32> to vector<1x128xf32>
    %swap3A_715 = vector.shape_cast %add3A_697 : vector<1x128xf32> to vector<1x1x1x128xf32>
    tpu.vector_store %arg12[%swap3A_709, %swap3A_710, %swap3A_711, %swap3A_712], %swap3A_715 {strides = array<i32>} : memref<1x1x8x128xf32, #tpu.memory_space<vmem>>, vector<1x1x1x128xf32>,
    %swap3A_716 = arith.constant 0 : index
    %swap3A_717 = arith.constant 0 : index
    %swap3A_718 = arith.index_cast %arg2 : i32 to index
    %swap3A_719 = arith.constant 0 : index
    %swap3A_720 = vector.load %arg13[%swap3A_716, %swap3A_717, %swap3A_718, %swap3A_719] : memref<1x1x8x128xf32, #tpu.memory_space<vmem>>, vector<1x1x1x128xf32>
    %swap3A_721 = vector.shape_cast %swap3A_720 : vector<1x1x1x128xf32> to vector<1x128xf32>
    %swap3A_722 = vector.shape_cast %add3A_702 : vector<1x128xf32> to vector<1x1x1x128xf32>
    tpu.vector_store %arg13[%swap3A_716, %swap3A_717, %swap3A_718, %swap3A_719], %swap3A_722 {strides = array<i32>} : memref<1x1x8x128xf32, #tpu.memory_space<vmem>>, vector<1x1x1x128xf32>,
    return
  }
  func.func @transform_0(%arg0: i32, %arg1: i32, %arg2: i32) -> (i32, i32, i32) {
    %c0_i32 = arith.constant 0 : i32
    return %arg0, %arg2, %arg1 : i32, i32, i32
  }
  func.func @transform_1(%arg0: i32, %arg1: i32, %arg2: i32) -> (i32, i32, i32) {
    %c0_i32 = arith.constant 0 : i32
    return %arg0, %arg2, %arg1 : i32, i32, i32
  }
  func.func @transform_2(%arg0: i32, %arg1: i32, %arg2: i32) -> (i32, i32, i32) {
    %c0_i32 = arith.constant 0 : i32
    return %arg0, %arg2, %arg1 : i32, i32, i32
  }
  func.func @transform_3(%arg0: i32, %arg1: i32, %arg2: i32) -> (i32, i32, i32) {
    %add3A = arith.constant 8 : i32
    %add3A_0 = arith.addi %add3A, %arg1 : i32
    %c0_i32 = arith.constant 0 : i32
    return %arg0, %arg2, %add3A_0 : i32, i32, i32
  }
  func.func @transform_4(%arg0: i32, %arg1: i32, %arg2: i32) -> (i32, i32, i32) {
    %add3A = arith.constant 8 : i32
    %add3A_0 = arith.addi %add3A, %arg1 : i32
    %c0_i32 = arith.constant 0 : i32
    return %arg0, %arg2, %add3A_0 : i32, i32, i32
  }
  func.func @transform_5(%arg0: i32, %arg1: i32, %arg2: i32) -> (i32, i32, i32) {
    %add3A = arith.constant 8 : i32
    %add3A_0 = arith.addi %add3A, %arg1 : i32
    %c0_i32 = arith.constant 0 : i32
    return %arg0, %arg2, %add3A_0 : i32, i32, i32
  }
  func.func @transform_6(%arg0: i32, %arg1: i32, %arg2: i32) -> (i32, i32) {
    %c0_i32 = arith.constant 0 : i32
    %c0_i32_0 = arith.constant 0 : i32
    %c0_i32_1 = arith.constant 0 : i32
    return %c0_i32, %c0_i32_0 : i32, i32
  }
  func.func @transform_7(%arg0: i32, %arg1: i32, %arg2: i32) -> (i32, i32) {
    %c0_i32 = arith.constant 0 : i32
    %c0_i32_0 = arith.constant 0 : i32
    %c0_i32_1 = arith.constant 0 : i32
    return %c0_i32, %c0_i32_0 : i32, i32
  }
  func.func @transform_8(%arg0: i32, %arg1: i32, %arg2: i32) -> (i32, i32, i32, i32) {
    %c0_i32 = arith.constant 0 : i32
    %c0_i32_0 = arith.constant 0 : i32
    %c0_i32_1 = arith.constant 0 : i32
    return %arg0, %arg1, %c0_i32, %c0_i32_0 : i32, i32, i32, i32
  }
  func.func @transform_9(%arg0: i32, %arg1: i32, %arg2: i32) -> (i32, i32, i32, i32) {
    %c0_i32 = arith.constant 0 : i32
    %c0_i32_0 = arith.constant 0 : i32
    %c0_i32_1 = arith.constant 0 : i32
    return %arg0, %arg1, %c0_i32, %c0_i32_0 : i32, i32, i32, i32
  }
  func.func @transform_10(%arg0: i32, %arg1: i32, %arg2: i32) -> (i32, i32, i32, i32) {
    %c0_i32 = arith.constant 0 : i32
    %c0_i32_0 = arith.constant 0 : i32
    %c0_i32_1 = arith.constant 0 : i32
    return %arg0, %arg1, %c0_i32, %c0_i32_0 : i32, i32, i32, i32
  }
}

</mosaic_0001>

<sc_bundles>
// kernel: sparse-core-data-format-call.1.cloned.1.call-start
scs
called_computation.1_lowered:
.L_overlay_start_0:
0x0: {  	s2 =	sld [smem:$0x3FD9]  }
0x1: {  	s3 =	sld [smem:$0x3FFE];
	_ =	sdelay $0x1  }
0x2: {  	s1 =	srdreg.scid  }
0x3: {  	s0 =	sand.u32 $0x1, s1  }
0x4: {  	s18 =	sshll.u32 s0, $0xA;
	s2 =	sadd.s32 s3, s2  }
0x5: {  	s2 =	sadd.s32 s2, s18  }
0x6: {  	[smem:$0x3FC5] =	sst s2  }
0x7: {  	_ = 	snop  }
0x8: {  	s2 =	sld [smem:$0x3FD0];
	(tm) =	ssettm $0x1  }
0x9: {  	s19 =	sld [smem:$0x3FFB];
	_ =	sdelay $0x3  }
0xa: {  	_ =	strace s19  }
0xb: {  	s3 =	sld [smem:$0x3FFC];
	_ =	sdelay $0x3  }
0xc: {  	_ =	strace s3  }
0xd: {  	s3 =	sld [smem:$0x3FFD];
	_ =	sdelay $0x3  }
0xe: {  	_ =	strace s3  }
0xf: {  	_ =	strace $0x8FFFFFFF  }
0x10: {  	s20 =	sld [smem:$0x3FDB];
	_ =	sdelay $0x1  }
0x11: {  	s4 =	simm.s32 $_scs_section_size  }
0x12: {  	s5 =	simm.s32 $_size__tile_overlayer_lowered;
	s6 =	simm.s32 $_tile_overlayer_lowered  }
0x13: {  	s23 =	simm.s32 $0x1BFF;
	s22 =	sshll.u32 s6, $0x1;
	s3 =	sadd.s32 s4, s20  }
0x14: {  	s7 =	simm.s32 $0x0;
	s21 =	sshll.u32 s5, $0x1;
	s5 =	sadd.s32 s22, s3  }
0x15: {  	[timem:s7], [sflag:s23] =	dma.local [hbm:s5], s21  }
0x16: {  	_ =	swait.ge [sflag:s23], s21  }
0x17: {  	s4 =	ssub.s32 $0x0, s21;
	[sflag:s23] =	ssyncset.done $0x0  }
0x18: {  	[sflag:s23] =	ssyncadd.s32 s4;
	_ =	sdelay $0x1  }
0x19: {  	s24 =	simm.s32 $0x1B8B  }
0x1a: {  	_ =	swait.ge [sflag:s24], $0x1  }
0x1b: {  	[sflag:s24] =	ssyncset.done $0x0  }
0x1c: {  	s26 =	simm.s32 $0x1B8E;
	s25 =	sld [smem:$0x3FFE];
	[sflag:s24] =	ssyncadd.s32 $0xFFFFFFFF  }
0x1d: {  	s27 =	simm.s32 $execute0_lowered;
	[smem:$0x3FD2] =	sst s26  }
0x1e: {  	s5 =	sshll.u32 s27, $0x1;
	_ =	strace $0x80000046;
	[dreg:$0x1] =	wrdreg $0xFFFFFFFF  }
0x1f: {  	s28 =	simm.s32 $_size_execute0_lowered;
	s3 =	sadd.s32 s3, s5;
	[dreg:$0x0] =	wrdreg $0x0  }
0x20: {  	s5 =	sshll.u32 s28, $0x1;
	[dreg:$0x2] =	wrdreg s3  }
0x21: {  	[dreg:$0x3] =	wrdreg s5  }
0x22: {  	[dreg:$0x4] =	wrdreg $0xC0  }
0x23: {  	_ =	task [dreg:s7], $0x5FFFF  }
0x24: {  	[dreg:$0x1] =	wrdreg $0xFFFFFFFF  }
0x25: {  	[dreg:$0x0] =	wrdreg $0x60  }
0x26: {  	[dreg:$0x2] =	wrdreg s2  }
0x27: {  	[dreg:$0x3] =	wrdreg s25  }
0x28: {  	[dreg:$0x4] =	wrdreg $0x9  }
0x29: {  	_ =	task.clear_ibuf [dreg:s7], $0x5FFFF;
	_ =	strace $0x90000046  }
0x2a: {  	s29 =	simm.s32 $0x9;
	_ =	strace $0x80000048  }
0x2b: {  	_ =	swait.ge [sflag:s29], $0x1  }
0x2c: {  	[sflag:s29] =	ssyncadd.s32 $0xFFFFFFFF  }
0x2d: {  	_ =	strace $0x90000048  }
0x2e: {  	_ =	sfence  }
0x2f: {  	s30 =	sld [smem:$0x0];
	_ =	sdelay $0x2  }
0x30: {  	s31 =	sshll.u32 s1, $0xD;
	s1 =	sshrl.u32 s1, $0x2  }
0x31: {  	s3 =	sand.u32 $0x4000, s31;
	s1 =	sadd.s32 s1, s30  }
0x32: {  	s0 =	sor.u32 s3, s0;
	s1 =	sshll.u32 s1, $0x11  }
0x33: {  	s0 =	sor.u32 s1, s0  }
0x34: {  	s0 =	sadd.s32 $0x8F2B, s0  }
0x35: {  	[sflag:s0] =	ssyncadd.remote.s32 $0x1  }
0x36: {  	_ =	sfence.sel $0xFFFF  }
0x37: {  	[dreg:$0x0] =	wrdreg $0xFFFFFFFF;
	(pc) =	sbr.abs _section_cstart, $3  }
0x38: {  	[dreg:$0x1] =	wrdreg $0xFFFFFFFF  }
0x39: {  	_ =	task.clear_ibuf [dreg:s7], $0x2FFFF;
	_ =	strace $0x9FFFFFFF  }
0x3a: {  	(tm) =	ssettm $0x7FFFFFFF  }
0x3b: {  	_ =	shalt  }
tec
execute0_lowered:
.L_overlay_start_1:
0x0: {  	(tag) =	ssettag $0x1  }
0x1: {  	s1 =	rddreg [dreg:$0x0];
	s0 =	stileid.u32  }
0x2: {  	s7 =	rddreg [dreg:$0x1];
	s3 =	srdreg.scid  }
0x3: {  	s31 =	simm.s32 $0x2;
	s17 =	simm.s32 $0x0;
	s11 =	simm.s32 $0x0  }
0x4: {  	s18 =	simm.s32 $0x0;
	s19 =	simm.s32 $0x0;
	s20 =	simm.s32 $0x0  }
0x5: {  	s12 =	simm.s32 $0x0;
	s16 =	simm.s32 $0x0;
	s2 =	sand.u32 $0x1, s0  }
0x6: {  	s4 =	sshrl.u32 s0, $0x1;
	s5 =	sshll.u32 s0, $0x5;
	s6 =	sshll.u32 s3, $0x9  }
0x7: {  	s3 =	sand.u32 $0x1, s4;
	s26 =	sor.u32 s5, s6;
	s27 =	ssub.s32 $0x2, s2  }
0x8: {  	s4 =	sand.u32 $0x380, s26;
	s28 =	sshrl.u32 s27, $0x1;
	s5 =	sand.u32 $0x1, s27  }
0x9: {  	s29 =	ssub.s32 $0x2, s3;
	s5 =	sadd.s32 s5, s28;
	s8 =	ssub.s32 $0x800, s4  }
0xa: {  	s9 =	sshrl.u32 s29, $0x1;
	s6 =	sand.u32 $0x1, s29;
	s10 =	sand.u32 $0x380, s8  }
0xb: {  	s6 =	sadd.s32 s6, s9;
	s9 =	simm.s32 $0x1;
	p0 =	sne.s32 s10, $0x0  }
0xc: {  	s8 =	sshrl.u32 s8, $0xA;
	s30 =	smul.u32 s6, s5;
	s9 =	simm.s32 @!p0 $0x0  }
.Ltmp0:
0xd: {  	s7 =	sadd.s32 $0x1000, s7;
	s8 =	sadd.s32 s9, s8;
	(pc) =	sbr.rel .LBB1_1-.Ltmp0, $4  }
0xe: {  	s15 =	smov.u32 s2;
	s14 =	smov.u32 s3;
	s8 =	smul.u32 s8, s30  }
0xf: {  	s5 =	rddreg [dreg:$0x2];
	_ =	strace $0x80000047;
	s6 =	simm.s32 $0x1  }
0x10: {  	s13 =	smov.u32 s4;
	[sflag:s6] =	ssyncpa.u1 $0x0;
	s8 =	sshll.u32 s8, $0x3  }
0x11: {  	s10 =	simm.s32 $0x800;
	[sflag:s31] =	ssyncpa.u1 $0x0;
	s9 =	sor.u32 $0x1, s8  }
.LBB1_4:
0x12: {  	_ =	sdelay $0x3  }
0x13: {  	[tilespmem:v0+s23+$0xFFFFFFA0 ss:$0x1] =	vst.idx.msk $0xffff, v6  }
0x14: {  	v56 =	vld.idx.msk [tilespmem:v1+s22+$0x30 ss:$0x1], $0xffff;
	[tilespmem:v0+s23+$0xFFFFFFB0 ss:$0x1] =	vst.idx.msk $0xffff, v4  }
0x15: {  	v57 =	vld.idx.msk [tilespmem:v1+s22+$0xFFFFFFC0 ss:$0x1], $0xffff;
	[tilespmem:v0+s23+$0xFFFFFFC0 ss:$0x1] =	vst.idx.msk $0xffff, v2  }
0x16: {  	v58 =	vld.idx.msk [tilespmem:v1+s22+$0xFFFFFFD0 ss:$0x1], $0xffff;
	[tilespmem:v0+s23+$0xFFFFFFD0 ss:$0x1] =	vst.idx.msk $0xffff, v3  }
0x17: {  	v59 =	vld.idx.msk [tilespmem:v1+s22+$0xFFFFFFE0 ss:$0x1], $0xffff;
	[tilespmem:v0+s23+$0xFFFFFFE0 ss:$0x1] =	vst.idx.msk $0xffff, v5  }
0x18: {  	v60 =	vld.idx.msk [tilespmem:v1+s22+$0xFFFFFFF0 ss:$0x1], $0xffff;
	[tilespmem:v0+s23+$0xFFFFFFF0 ss:$0x1] =	vst.idx.msk $0xffff, v7  }
0x19: {  	v61 =	vld.idx.msk [tilespmem:v1+s22+$0x0 ss:$0x1], $0xffff;
	[tilespmem:v0+s22+$0x0 ss:$0x1] =	vst.idx.msk $0xffff, v56  }
0x1a: {  	s20 =	sshll.u32 s20, $0x7;
	v62 =	vld.idx.msk [tilespmem:v1+s22+$0x10 ss:$0x1], $0xffff;
	s27 =	sand.u32 $0x78, s17;
	[tilespmem:v0+s22+$0xFFFFFF90 ss:$0x1] =	vst.idx.msk $0xffff, v57  }
0x1b: {  	s24 =	sshll.u32 s17, $0x1;
	v63 =	vld.idx.msk [tilespmem:v1+s22+$0x20 ss:$0x1], $0xffff;
	s19 =	sshll.u32 s19, $0x13;
	s18 =	sshll.u32 s18, $0x8;
	[tilespmem:v0+s22+$0xFFFFFFA0 ss:$0x1] =	vst.idx.msk $0xffff, v58  }
0x1c: {  	s29 =	sshrl.u32 s17, $0x2;
	s30 =	sand.u32 $0x7, s17;
	s20 =	sand.u32 $0x80, s20;
	[tilespmem:v0+s22+$0xFFFFFFB0 ss:$0x1] =	vst.idx.msk $0xffff, v59  }
0x1d: {  	s28 =	sand.u32 $0x300, s24;
	s19 =	sadd.s32 s7, s19;
	s20 =	sor.u32 s20, s27;
	[tilespmem:v0+s22+$0xFFFFFFC0 ss:$0x1] =	vst.idx.msk $0xffff, v60  }
0x1e: {  	s23 =	sand.u32 $0x80, s29;
	s18 =	sadd.s32 s18, s19;
	s20 =	sor.u32 s28, s20;
	[tilespmem:v0+s22+$0xFFFFFFD0 ss:$0x1] =	vst.idx.msk $0xffff, v61  }
0x1f: {  	s17 =	sshll.u32 s30, $0x12;
	s18 =	sadd.s32 s23, s18;
	s31 =	sshrl.u32 s20, $0x3;
	[tilespmem:v0+s22+$0xFFFFFFE0 ss:$0x1] =	vst.idx.msk $0xffff, v62  }
0x20: {  	s17 =	sor.u32 $0x80, s17;
	[tilespmem:v0+s22+$0xFFFFFFF0 ss:$0x1] =	vst.idx.msk $0xffff, v63;
	s18 =	sadd.s32 s31, s18  }
0x21: {  	[hbm4b:s18+s17] =	stream.strided.scatter [tilespmem:s21], [sflag:$0x2], $0x4000, s10, s17, $0x38;
	[tilespmem:$0x10000] =	vst v63  }
.LBB1_5:
0x22: {  	s21 =	sadd.s32 $0x80, s12  }
0x23: {  	s17 =	sadd.s32 $0x400, s13;
	s22 =	smov.u32 s13;
	p1 =	sgt.s32 s21, $0x3FF  }
0x24: {  	s22 =	smov.u32 @p1 s17  }
0x25: {  	s23 =	smov.u32 s14;
	s17 =	sadd.s32 $0x2, s14;
	p2 =	sgt.s32 s22, $0x7FF  }
0x26: {  	s23 =	smov.u32 @p2 s17  }
0x27: {  	s24 =	smov.u32 s15;
	s17 =	sadd.s32 $0x2, s15;
	p3 =	sgt.s32 s23, $0x1  }
0x28: {  	p0 =	slt.u32 s16, $0x2;
	s24 =	smov.u32 @p3 s17  }
0x29: {  	s18 =	smov.u32 s13;
	s21 =	simm.s32 @p1 $0x0;
	p1 =	sgt.s32 s24, $0x1  }
0x2a: {  	s25 =	simm.s32 @!p0 $0x2;
	s24 =	smov.u32 @p1 s2;
	p1 =	sne.s32 s16, s9  }
.Ltmp1:
0x2b: {  	s19 =	smov.u32 s14;
	_ =	swait.ge @!p0 [sflag:s25], $0x4000;
	(pc) =	sbr.rel @!p1 .LBB1_6-.Ltmp1, $4  }
0x2c: {  	s20 =	smov.u32 s15;
	[sflag:s25] =	ssyncset.done @!p0 $0x0;
	s22 =	smov.u32 @p2 s4  }
0x2d: {  	s11 =	sadd.s32 $0x4000, s11;
	[sflag:s25] =	ssyncadd.s32 @!p0 $0xFFFFC000;
	s13 =	smov.u32 s22  }
0x2e: {  	s23 =	smov.u32 @p3 s3;
	s17 =	smov.u32 s12;
	s12 =	smov.u32 s21  }
0x2f: {  	s14 =	smov.u32 s23;
	s16 =	sadd.s32 $0x1, s16;
	s15 =	smov.u32 s24  }
.LBB1_1:
0x30: {  	p0 =	sge.u32 s16, s8;
	s31 =	sadd.s32 $0xFFFFFFFF, s16  }
0x31: {  	s21 =	sxor.u32 @!p0 $0xFFFFFFFF, s16;
	s22 =	sshll.u32 @!p0 s13, $0x7;
	s23 =	sand.u32 @!p0 $0x78, s12  }
0x32: {  	s25 =	sshll.u32 @!p0 s14, $0x12;
	s21 =	sshll.u32 @!p0 s21, $0xE;
	s24 =	sand.u32 @!p0 $0x380, s22  }
0x33: {  	s22 =	sand.u32 @!p0 $0x3FC00, s22;
	s23 =	sor.u32 @!p0 s23, s24;
	s24 =	sshll.u32 @!p0 s15, $0x13  }
0x34: {  	s21 =	sand.u32 @!p0 $0x4000, s21;
	s22 =	sadd.s32 @!p0 s12, s22;
	s24 =	sadd.s32 @!p0 s1, s24  }
0x35: {  	s23 =	sshrl.u32 @!p0 s23, $0x3;
	s24 =	sadd.s32 @!p0 s25, s24;
	s25 =	sand.u32 @!p0 $0x7, s12  }
0x36: {  	s22 =	sand.u32 @!p0 $0x3FF80, s22;
	s23 =	sadd.s32 @!p0 s23, s24;
	s24 =	sshll.u32 @!p0 s25, $0x12  }
0x37: {  	s22 =	sadd.s32 @!p0 s22, s23;
	s23 =	sor.u32 @!p0 $0x400, s24;
	s24 =	simm.s32 @!p0 $0x2000  }
0x38: {  	[tilespmem:s21], [sflag:$0x1] =	stream.strided.gather @!p0 [hbm4b:s22+s23], $0x4000, s24, s23, $0x38;
	[tilespmem:$0x10000] =	vst v63  }
0x39: {  	p0 =	sge.u32 s31, s8  }
.Ltmp2:
0x3a: {  	_ = 	snop;
	(pc) =	sbr.rel @p0 .LBB1_5-.Ltmp2, $1  }
0x3b: {  	_ =	sdelay $0x3  }
0x3c: {  	s21 =	sand.u32 $0x4000, s11  }
0x3d: {  	s22 =	sor.u32 $0x40, s21  }
0x3e: {  	v1 =	vmov s22;
	_ =	sdelay $0x1  }
0x3f: {  	_ =	swait.ge [sflag:s6], $0x4000  }
0x40: {  	[sflag:s6] =	ssyncset.done $0x0  }
0x41: {  	s23 =	simm.s32 $0x0;
	[sflag:s6] =	ssyncadd.s32 $0xFFFFC000  }
0x42: {  	s21 =	sor.u32 $0x8070, s21;
	v7 =	vld.idx.msk [tilespmem:v1+s23+$0x30 ss:$0x1], $0xffff  }
0x43: {  	v0 =	vmov s21;
	v8 =	vld.idx.msk [tilespmem:v1+s23+$0xFFFFFFC0 ss:$0x1], $0xffff  }
0x44: {  	v6 =	vld.idx.msk [tilespmem:v1+s23+$0xFFFFFFD0 ss:$0x1], $0xffff  }
0x45: {  	v4 =	vld.idx.msk [tilespmem:v1+s23+$0xFFFFFFE0 ss:$0x1], $0xffff  }
0x46: {  	v2 =	vld.idx.msk [tilespmem:v1+s23+$0xFFFFFFF0 ss:$0x1], $0xffff  }
0x47: {  	s31 =	sshll.u32 s16, $0xE;
	v3 =	vld.idx.msk [tilespmem:v1+s23+$0x0 ss:$0x1], $0xffff  }
0x48: {  	s21 =	sand.u32 $0x4000, s31;
	v5 =	vld.idx.msk [tilespmem:v1+s23+$0x10 ss:$0x1], $0xffff;
	[tilespmem:v0+s23+$0x0 ss:$0x1] =	vst.idx.msk $0xffff, v7  }
0x49: {  	s24 =	simm.s32 $0x400;
	s22 =	simm.s32 $0x80;
	s21 =	sor.u32 $0x8000, s21;
	[tilespmem:v0+s23+$0xFFFFFF90 ss:$0x1] =	vst.idx.msk $0xffff, v8;
	v7 =	vld.idx.msk [tilespmem:v1+s23+$0x20 ss:$0x1], $0xffff  }
.LBB1_3:
0x4a: {  	p0 =	sne.s32 s24, $0xFE00;
	v8 =	vld.idx.msk [tilespmem:v1+s22+$0x30 ss:$0x1], $0xffff;
	[tilespmem:v0+s23+$0xFFFFFFA0 ss:$0x1] =	vst.idx.msk $0xffff, v6  }
0x4b: {  	v9 =	vld.idx.msk [tilespmem:v1+s22+$0xFFFFFFC0 ss:$0x1], $0xffff;
	[tilespmem:v0+s23+$0xFFFFFFB0 ss:$0x1] =	vst.idx.msk $0xffff, v4  }
0x4c: {  	v6 =	vld.idx.msk [tilespmem:v1+s22+$0xFFFFFFD0 ss:$0x1], $0xffff;
	[tilespmem:v0+s23+$0xFFFFFFC0 ss:$0x1] =	vst.idx.msk $0xffff, v2  }
.Ltmp3:
0x4d: {  	v4 =	vld.idx.msk [tilespmem:v1+s22+$0xFFFFFFE0 ss:$0x1], $0xffff;
	[tilespmem:v0+s23+$0xFFFFFFD0 ss:$0x1] =	vst.idx.msk $0xffff, v3;
	(pc) =	sbr.rel @p0 .LBB1_3-.Ltmp3, $4  }
0x4e: {  	v2 =	vld.idx.msk [tilespmem:v1+s22+$0xFFFFFFF0 ss:$0x1], $0xffff;
	[tilespmem:v0+s23+$0xFFFFFFE0 ss:$0x1] =	vst.idx.msk $0xffff, v5  }
0x4f: {  	v3 =	vld.idx.msk [tilespmem:v1+s22+$0x0 ss:$0x1], $0xffff;
	[tilespmem:v0+s23+$0xFFFFFFF0 ss:$0x1] =	vst.idx.msk $0xffff, v7;
	s23 =	smov.u32 s22  }
0x50: {  	v5 =	vld.idx.msk [tilespmem:v1+s23+$0x10 ss:$0x1], $0xffff;
	[tilespmem:v0+s23+$0x0 ss:$0x1] =	vst.idx.msk $0xffff, v8  }
0x51: {  	s22 =	sshra.s32 s24, $0x2;
	s24 =	sadd.s32 $0x200, s24;
	[tilespmem:v0+s23+$0xFFFFFF90 ss:$0x1] =	vst.idx.msk $0xffff, v9;
	v7 =	vld.idx.msk [tilespmem:v1+s23+$0x20 ss:$0x1], $0xffff  }
.Ltmp4:
0x52: {  	_ = 	snop;
	(pc) =	sbr.rel .LBB1_4-.Ltmp4, $1  }
0x53: {  	_ =	sdelay $0x3  }
.LBB1_6:
0x54: {  	_ =	sfence.sel $0x180000  }
0x55: {  	s1 =	simm.s32 $0x1;
	[bflag:$0x0] =	sbarrier.arrive $0xFFFF  }
0x56: {  	s31 =	simm.s32 $0x2;
	[sflag:s1] =	ssyncpa.u1 $0x1  }
0x57: {  	[sflag:s31] =	ssyncpa.u1 $0x1  }
0x58: {  	p0 =	sne.s32 s0, $0x0;
	_ =	strace $0x90000047  }
0x59: {  	s0 =	sadd.s32 @!p0 $0x100000, s5;
	[bflag:$0x2] =	sbarrier.arrive $0xFFFF  }
0x5a: {  	[sflag:s0] =	ssyncadd.tile.s32 @!p0 $0x1;
	_ =	shalt  }
.Lfunc_end1:
_tile_overlayer_lowered:
.L_overlay_start_2:
0x5b: {  	(tag) =	ssettag $0x2  }
0x5c: {  	s0 =	rddreg [dreg:$0x0];
	s2 =	stileid.u32  }
0x5d: {  	s1 =	rddreg [dreg:$0x1];
	p0 =	sne.s32 s2, $0x0  }
0x5e: {  	s3 =	rddreg [dreg:$0x2];
	[bflag:$0x3] =	sbarrier.arrive $0xFFFF;
	s2 =	simm.s32 @!p0 $0x1C01  }
0x5f: {  	[timem:s3], [sflag:s2] =	dma.local @!p0 [hbm:s0], s1  }
0x60: {  	s0 =	simm.s32 @!p0 $0x1  }
0x61: {  	_ =	swait.ge @!p0 [sflag:s0], s1  }
0x62: {  	s1 =	ssub.s32 @!p0 $0x0, s1;
	[sflag:s0] =	ssyncset.done @!p0 $0x0  }
0x63: {  	[sflag:s0] =	ssyncadd.s32 @!p0 s1  }
0x64: {  	[bflag:$0x3] =	sbarrier.arrive $0xFFFF  }
0x65: {  	_ =	shalt  }

// kernel: sparse-core-data-format-call.cloned.1.call-start
scs
called_computation_lowered:
.L_overlay_start_0:
0x0: {  	s2 =	sld [smem:$0x3FD9]  }
0x1: {  	s3 =	sld [smem:$0x3FFE];
	_ =	sdelay $0x1  }
0x2: {  	s1 =	srdreg.scid  }
0x3: {  	s0 =	sand.u32 $0x1, s1  }
0x4: {  	s18 =	sshll.u32 s0, $0xA;
	s2 =	sadd.s32 s3, s2  }
0x5: {  	s2 =	sadd.s32 s2, s18  }
0x6: {  	[smem:$0x3FC5] =	sst s2  }
0x7: {  	_ = 	snop  }
0x8: {  	s2 =	sld [smem:$0x3FD0];
	(tm) =	ssettm $0x1  }
0x9: {  	s19 =	sld [smem:$0x3FFB];
	_ =	sdelay $0x3  }
0xa: {  	_ =	strace s19  }
0xb: {  	s3 =	sld [smem:$0x3FFC];
	_ =	sdelay $0x3  }
0xc: {  	_ =	strace s3  }
0xd: {  	s3 =	sld [smem:$0x3FFD];
	_ =	sdelay $0x3  }
0xe: {  	_ =	strace s3  }
0xf: {  	_ =	strace $0x8FFFFFFF  }
0x10: {  	s20 =	sld [smem:$0x3FDB];
	_ =	sdelay $0x1  }
0x11: {  	s4 =	simm.s32 $_scs_section_size  }
0x12: {  	s5 =	simm.s32 $_size__tile_overlayer_lowered;
	s6 =	simm.s32 $_tile_overlayer_lowered  }
0x13: {  	s23 =	simm.s32 $0x1BFF;
	s22 =	sshll.u32 s6, $0x1;
	s3 =	sadd.s32 s4, s20  }
0x14: {  	s7 =	simm.s32 $0x0;
	s21 =	sshll.u32 s5, $0x1;
	s5 =	sadd.s32 s22, s3  }
0x15: {  	[timem:s7], [sflag:s23] =	dma.local [hbm:s5], s21  }
0x16: {  	_ =	swait.ge [sflag:s23], s21  }
0x17: {  	s4 =	ssub.s32 $0x0, s21;
	[sflag:s23] =	ssyncset.done $0x0  }
0x18: {  	[sflag:s23] =	ssyncadd.s32 s4;
	_ =	sdelay $0x1  }
0x19: {  	s24 =	simm.s32 $0x1B8B  }
0x1a: {  	_ =	swait.ge [sflag:s24], $0x1  }
0x1b: {  	[sflag:s24] =	ssyncset.done $0x0  }
0x1c: {  	s26 =	simm.s32 $0x1B8E;
	s25 =	sld [smem:$0x3FFE];
	[sflag:s24] =	ssyncadd.s32 $0xFFFFFFFF  }
0x1d: {  	s27 =	simm.s32 $execute0_lowered;
	[smem:$0x3FD2] =	sst s26  }
0x1e: {  	s5 =	sshll.u32 s27, $0x1;
	_ =	strace $0x80000049;
	[dreg:$0x1] =	wrdreg $0xFFFFFFFF  }
0x1f: {  	s28 =	simm.s32 $_size_execute0_lowered;
	s3 =	sadd.s32 s3, s5;
	[dreg:$0x0] =	wrdreg $0x0  }
0x20: {  	s5 =	sshll.u32 s28, $0x1;
	[dreg:$0x2] =	wrdreg s3  }
0x21: {  	[dreg:$0x3] =	wrdreg s5  }
0x22: {  	[dreg:$0x4] =	wrdreg $0xC0  }
0x23: {  	_ =	task [dreg:s7], $0x5FFFF  }
0x24: {  	[dreg:$0x1] =	wrdreg $0xFFFFFFFF  }
0x25: {  	[dreg:$0x0] =	wrdreg $0x60  }
0x26: {  	[dreg:$0x2] =	wrdreg s25  }
0x27: {  	[dreg:$0x3] =	wrdreg s2  }
0x28: {  	[dreg:$0x4] =	wrdreg $0x9  }
0x29: {  	_ =	task.clear_ibuf [dreg:s7], $0x5FFFF;
	_ =	strace $0x90000049  }
0x2a: {  	s29 =	simm.s32 $0x9;
	_ =	strace $0x8000004B  }
0x2b: {  	_ =	swait.ge [sflag:s29], $0x1  }
0x2c: {  	[sflag:s29] =	ssyncadd.s32 $0xFFFFFFFF  }
0x2d: {  	_ =	strace $0x9000004B  }
0x2e: {  	_ =	sfence  }
0x2f: {  	s30 =	sld [smem:$0x0];
	_ =	sdelay $0x2  }
0x30: {  	s31 =	sshll.u32 s1, $0xD;
	s1 =	sshrl.u32 s1, $0x2  }
0x31: {  	s3 =	sand.u32 $0x4000, s31;
	s1 =	sadd.s32 s1, s30  }
0x32: {  	s0 =	sor.u32 s3, s0;
	s1 =	sshll.u32 s1, $0x11  }
0x33: {  	s0 =	sor.u32 s1, s0  }
0x34: {  	s0 =	sadd.s32 $0x8F2B, s0  }
0x35: {  	[sflag:s0] =	ssyncadd.remote.s32 $0x1  }
0x36: {  	_ =	sfence.sel $0xFFFF  }
0x37: {  	[dreg:$0x0] =	wrdreg $0xFFFFFFFF;
	(pc) =	sbr.abs _section_cstart, $3  }
0x38: {  	[dreg:$0x1] =	wrdreg $0xFFFFFFFF  }
0x39: {  	_ =	task.clear_ibuf [dreg:s7], $0x2FFFF;
	_ =	strace $0x9FFFFFFF  }
0x3a: {  	(tm) =	ssettm $0x7FFFFFFF  }
0x3b: {  	_ =	shalt  }
tec
execute0_lowered:
.L_overlay_start_1:
0x0: {  	(tag) =	ssettag $0x1  }
0x1: {  	s0 =	stileid.u32  }
0x2: {  	s1 =	srdreg.scid;
	s5 =	rddreg [dreg:$0x0];
	s31 =	simm.s32 $0x2  }
0x3: {  	s14 =	simm.s32 $0x0;
	s2 =	sshll.u32 s0, $0x6;
	s1 =	sshll.u32 s1, $0xA  }
0x4: {  	s9 =	simm.s32 $0x8000;
	s15 =	simm.s32 $0x0;
	s1 =	sor.u32 s2, s1  }
0x5: {  	s16 =	simm.s32 $0x0;
	s10 =	simm.s32 $0x0;
	s1 =	sand.u32 $0x780, s1  }
0x6: {  	s13 =	simm.s32 $0x0;
	s2 =	sand.u32 $0x1, s0;
	s3 =	ssub.s32 $0x1000, s1  }
0x7: {  	s5 =	sadd.s32 $0x101000, s5;
	s4 =	ssub.s32 $0x2, s2;
	s6 =	sand.u32 $0x780, s3  }
0x8: {  	s7 =	sshrl.u32 s4, $0x1;
	p0 =	sne.s32 s6, $0x0;
	s6 =	simm.s32 $0x1  }
0x9: {  	s8 =	sand.u32 $0x1, s4;
	s3 =	sshrl.u32 s3, $0xB;
	s6 =	simm.s32 @!p0 $0x0  }
.Ltmp0:
0xa: {  	s7 =	sadd.s32 s8, s7;
	s6 =	sadd.s32 s6, s3;
	(pc) =	sbr.rel .LBB1_1-.Ltmp0, $4  }
0xb: {  	s12 =	smov.u32 s2;
	s4 =	rddreg [dreg:$0x1];
	s7 =	smul.u32 s6, s7  }
0xc: {  	s3 =	rddreg [dreg:$0x2];
	_ =	strace $0x8000004A;
	s6 =	simm.s32 $0x1  }
0xd: {  	s11 =	smov.u32 s1;
	[sflag:s6] =	ssyncpa.u1 $0x0;
	s7 =	sshll.u32 s7, $0x4  }
0xe: {  	p0 =	por $0x0, $0x0;
	[sflag:s31] =	ssyncpa.u1 $0x0;
	s8 =	sor.u32 $0x1, s7  }
.LBB1_4:
0xf: {  	s19 =	sshll.u32 s15, $0x3  }
0x10: {  	s20 =	sand.u32 $0x78, s15;
	s16 =	sshll.u32 s16, $0x13;
	s30 =	sand.u32 $0x7E00, s15  }
0x11: {  	s14 =	sshll.u32 s14, $0xF;
	s19 =	sand.u32 $0xC00, s19;
	s16 =	sadd.s32 s4, s16  }
0x12: {  	[tilespmem:s18+$0x810 ss:$0x81] =	vst.msk $0xffff, v2;
	s31 =	sand.u32 $0x7, s15;
	s19 =	sor.u32 s20, s19;
	s16 =	sadd.s32 s30, s16  }
0x13: {  	[tilespmem:s18+$0x1020 ss:$0x81] =	vst.msk $0xffff, v0;
	s15 =	sshll.u32 s31, $0x12;
	s19 =	sshrl.u32 s19, $0x3;
	s14 =	sadd.s32 s14, s16  }
0x14: {  	[tilespmem:s18+$0x0 ss:$0x81] =	vst.msk $0xffff, v1;
	s15 =	sor.u32 $0x400, s15;
	s14 =	sadd.s32 s19, s14  }
0x15: {  	[hbm4b:s14+s15] =	stream.strided.scatter [tilespmem:s17], [sflag:$0x2], $0x2000, s9, s15, $0x20;
	[tilespmem:$0x8080] =	vst v63  }
.LBB1_5:
0x16: {  	s17 =	sadd.s32 $0x1, s10  }
0x17: {  	s14 =	sadd.s32 $0x800, s11;
	s18 =	smov.u32 s11;
	p2 =	sgt.s32 s17, $0xF  }
0x18: {  	s18 =	smov.u32 @p2 s14  }
0x19: {  	s20 =	smov.u32 s12;
	s14 =	sadd.s32 $0x2, s12;
	p3 =	sgt.s32 s18, $0xFFF  }
0x1a: {  	s20 =	smov.u32 @p3 s14  }
0x1b: {  	s17 =	simm.s32 @p2 $0x0;
	p2 =	sgt.s32 s20, $0x1  }
0x1c: {  	p1 =	slt.u32 s13, $0x2;
	s20 =	smov.u32 @p2 s2;
	p2 =	sne.s32 s13, s8  }
.Ltmp1:
0x1d: {  	s19 =	simm.s32 @!p1 $0x2;
	(pc) =	sbr.rel @!p2 .LBB1_6-.Ltmp1, $4  }
0x1e: {  	s15 =	smov.u32 s11;
	s16 =	smov.u32 s12;
	_ =	swait.ge @!p1 [sflag:s19], $0x2000  }
0x1f: {  	p0 =	por !p0, !p0;
	[sflag:s19] =	ssyncset.done @!p1 $0x0;
	s18 =	smov.u32 @p3 s1  }
0x20: {  	s14 =	smov.u32 s10;
	[sflag:s19] =	ssyncadd.s32 @!p1 $0xFFFFE000;
	s10 =	smov.u32 s17  }
0x21: {  	s11 =	smov.u32 s18;
	s13 =	sadd.s32 $0x1, s13;
	s12 =	smov.u32 s20  }
.LBB1_1:
0x22: {  	p1 =	sge.u32 s13, s7;
	s31 =	sadd.s32 $0xFFFFFFFF, s13  }
0x23: {  	s17 =	sxor.u32 @!p1 $0xFFFFFFFF, s13;
	s18 =	sshll.u32 @!p1 s12, $0x14;
	s19 =	sshll.u32 @!p1 s11, $0x8  }
0x24: {  	s20 =	sshll.u32 @!p1 s10, $0x4;
	s17 =	sshll.u32 @!p1 s17, $0xD;
	s18 =	sadd.s32 @!p1 s5, s18  }
0x25: {  	s20 =	sand.u32 @!p1 $0xF0, s20;
	s17 =	sand.u32 @!p1 $0x2000, s17;
	s18 =	sadd.s32 @!p1 s19, s18  }
0x26: {  	s19 =	simm.s32 @!p1 $0x40;
	s18 =	sadd.s32 @!p1 s20, s18;
	s20 =	simm.s32 @!p1 $0x800  }
0x27: {  	[tilespmem:s17], [sflag:$0x1] =	stream.strided.gather @!p1 [hbm4b:s18+s19], $0x2000, s20, s19, $0x38;
	[tilespmem:$0x8080] =	vst v63  }
0x28: {  	p1 =	sge.u32 s31, s7  }
.Ltmp2:
0x29: {  	_ = 	snop;
	(pc) =	sbr.rel @p1 .LBB1_5-.Ltmp2, $1  }
0x2a: {  	_ =	sdelay $0x3  }
0x2b: {  	s17 =	simm.s32 $0x1  }
0x2c: {  	_ =	swait.ge [sflag:s6], $0x2000;
	s17 =	simm.s32 @!p0 $0x0  }
0x2d: {  	[sflag:s6] =	ssyncset.done $0x0;
	s18 =	sshll.u32 s17, $0xD  }
0x2e: {  	[sflag:s6] =	ssyncadd.s32 $0xFFFFE000;
	s21 =	sor.u32 $0x20, s18  }
0x2f: {  	s17 =	smul.u32 $0x8100, s17;
	v3 =	vld [tilespmem:s21+$0x10]  }
0x30: {  	s30 =	sand.u32 $0x1, s13;
	v2 =	vld [tilespmem:s21+$0xFFFFFFF0]  }
0x31: {  	s18 =	smul.u32 $0x8100, s30;
	s17 =	sshrl.u32 s17, $0x2;
	v0 =	vld [tilespmem:s21+$0x0]  }
0x32: {  	v1 =	vld [tilespmem:s21+$0xFFFFFFE0];
	s19 =	sor.u32 $0x4000, s17  }
0x33: {  	s31 =	sshrl.u32 s18, $0x2;
	s18 =	sadd.s32 $0x0, s19  }
0x34: {  	s20 =	simm.s32 $0x4;
	s21 =	sadd.s32 $0x40, s21;
	s17 =	sor.u32 $0x4000, s31;
	[tilespmem:s18+$0x1830 ss:$0x81] =	vst.msk $0xffff, v3  }
.LBB1_3:
0x35: {  	v3 =	vld [tilespmem:s21+$0x10];
	p1 =	sne.s32 s20, $0x1FC;
	[tilespmem:s18+$0x810 ss:$0x81] =	vst.msk $0xffff, v2;
	s22 =	smov.u32 s20;
	s20 =	sadd.s32 $0x4, s20  }
.Ltmp3:
0x36: {  	v2 =	vld [tilespmem:s21+$0xFFFFFFF0];
	[tilespmem:s18+$0x1020 ss:$0x81] =	vst.msk $0xffff, v0;
	(pc) =	sbr.rel @p1 .LBB1_3-.Ltmp3, $4  }
0x37: {  	v0 =	vld [tilespmem:s21+$0x0];
	[tilespmem:s18+$0x0 ss:$0x81] =	vst.msk $0xffff, v1  }
0x38: {  	s18 =	sshra.s32 s22, $0x2;
	v1 =	vld [tilespmem:s21+$0xFFFFFFE0]  }
0x39: {  	s18 =	sadd.s32 s18, s19  }
0x3a: {  	s21 =	sadd.s32 $0x40, s21;
	[tilespmem:s18+$0x1830 ss:$0x81] =	vst.msk $0xffff, v3  }
.Ltmp4:
0x3b: {  	_ = 	snop;
	(pc) =	sbr.rel .LBB1_4-.Ltmp4, $1  }
0x3c: {  	_ =	sdelay $0x3  }
.LBB1_6:
0x3d: {  	_ =	sfence.sel $0x180000  }
0x3e: {  	s1 =	simm.s32 $0x1;
	[bflag:$0x0] =	sbarrier.arrive $0xFFFF  }
0x3f: {  	s31 =	simm.s32 $0x2;
	[sflag:s1] =	ssyncpa.u1 $0x1  }
0x40: {  	[sflag:s31] =	ssyncpa.u1 $0x1  }
0x41: {  	p0 =	sne.s32 s0, $0x0;
	_ =	strace $0x9000004A  }
0x42: {  	s0 =	sadd.s32 @!p0 $0x100000, s3;
	[bflag:$0x2] =	sbarrier.arrive $0xFFFF  }
0x43: {  	[sflag:s0] =	ssyncadd.tile.s32 @!p0 $0x1;
	_ =	shalt  }
.Lfunc_end1:
_tile_overlayer_lowered:
.L_overlay_start_2:
0x44: {  	(tag) =	ssettag $0x2  }
0x45: {  	s0 =	rddreg [dreg:$0x0];
	s2 =	stileid.u32  }
0x46: {  	s1 =	rddreg [dreg:$0x1];
	p0 =	sne.s32 s2, $0x0  }
0x47: {  	s3 =	rddreg [dreg:$0x2];
	[bflag:$0x3] =	sbarrier.arrive $0xFFFF;
	s2 =	simm.s32 @!p0 $0x1C01  }
0x48: {  	[timem:s3], [sflag:s2] =	dma.local @!p0 [hbm:s0], s1  }
0x49: {  	s0 =	simm.s32 @!p0 $0x1  }
0x4a: {  	_ =	swait.ge @!p0 [sflag:s0], s1  }
0x4b: {  	s1 =	ssub.s32 @!p0 $0x0, s1;
	[sflag:s0] =	ssyncset.done @!p0 $0x0  }
0x4c: {  	[sflag:s0] =	ssyncadd.s32 @!p0 s1  }
0x4d: {  	[bflag:$0x3] =	sbarrier.arrive $0xFFFF  }
0x4e: {  	_ =	shalt  }

</sc_bundles>
